<compile_context>
chip_gen: v7x
topology: tpu7x:2x2x1
jax: 0.10.2.dev20260603
libtpu: 0.0.44.dev20260713+nightly
codegen_flags: <defaults>
</compile_context>

<pallas_src>
import functools

import jax
import jax.numpy as jnp
from jax import lax
from jax.experimental import pallas as pl
from jax.experimental.pallas import tpu as pltpu
from jax.experimental.pallas import tpu_sc as plsc

K = 16
ROW_TILE = 256
RN = 512
FN = 512
SC_CHUNK = 256
SC_NBUF = 3


def _knn_body(xb_ref, xq_ref, wdt_ref, w1t_ref, idx_ref, c_ref, z_ref):
    b = pl.program_id(0)
    i = pl.program_id(1)
    xb = xb_ref[0]
    xq = xq_ref[0]
    n = xb.shape[0]
    g = lax.dot_general(xq, xb, (((1,), (1,)), ((), ())),
                        precision=lax.Precision.DEFAULT,
                        preferred_element_type=jnp.float32)
    xx = jnp.sum(xb * xb, axis=1)
    d = 2.0 * g - xx[None, :]
    iota = lax.broadcasted_iota(jnp.int32, d.shape, 1)
    base = b * n
    rid = lax.broadcasted_iota(jnp.int32, (ROW_TILE,), 0) + i * ROW_TILE
    cands = [rid + base]
    d = jnp.where(iota == rid[:, None], -jnp.inf, d)
    for j in range(K - 1):
        cand = jnp.argmax(d, axis=1).astype(jnp.int32)
        cands.append(cand + base)
        d = jnp.where(iota == cand[:, None], -jnp.inf, d)
    idx_ref[0] = jnp.stack(cands, axis=0)
    c_ref[0] = jnp.dot(xq, wdt_ref[...],
                       precision=lax.Precision.HIGHEST,
                       preferred_element_type=jnp.float32)
    z_ref[0] = jnp.dot(xq, w1t_ref[...],
                       precision=lax.Precision.HIGHEST,
                       preferred_element_type=jnp.float32)


def _knn_topk(xt, wdt, w1t):
    b, n, c = xt.shape
    grid = (b, n // ROW_TILE)
    return pl.pallas_call(
        _knn_body,
        grid=grid,
        in_specs=[
            pl.BlockSpec((1, n, c), lambda bi, i: (bi, 0, 0)),
            pl.BlockSpec((1, ROW_TILE, c), lambda bi, i: (bi, i, 0)),
            pl.BlockSpec((c, 128), lambda bi, i: (0, 0)),
            pl.BlockSpec((c, 128), lambda bi, i: (0, 0)),
        ],
        out_specs=[
            pl.BlockSpec((1, K, ROW_TILE), lambda bi, i: (bi, 0, i)),
            pl.BlockSpec((1, ROW_TILE, 128), lambda bi, i: (bi, i, 0)),
            pl.BlockSpec((1, ROW_TILE, 128), lambda bi, i: (bi, i, 0)),
        ],
        out_shape=[
            jax.ShapeDtypeStruct((b, K, n), jnp.int32),
            jax.ShapeDtypeStruct((b, n, 128), jnp.float32),
            jax.ShapeDtypeStruct((b, n, 128), jnp.float32),
        ],
    )(xt, xt, wdt, w1t)


def _sc_gather(table, idx):
    m = idx.shape[0]
    d = table.shape[1]
    info = plsc.get_sparse_core_info()
    nw = info.num_cores * info.num_subcores
    b_per_w = m // nw
    n_chunk = b_per_w // SC_CHUNK
    mesh = plsc.VectorSubcoreMesh(core_axis_name="c", subcore_axis_name="s")

    @functools.partial(
        pl.kernel,
        out_type=jax.ShapeDtypeStruct((m, d), jnp.float32),
        mesh=mesh,
        scratch_types=(
            [pltpu.VMEM((SC_CHUNK,), jnp.int32)] * SC_NBUF
            + [pltpu.VMEM((SC_CHUNK, d), jnp.float32)] * SC_NBUF
            + [pltpu.SemaphoreType.DMA] * (3 * SC_NBUF)
        ),
    )
    def gather_kernel(table_hbm, idx_hbm, out_hbm, *scratch):
        idx_v = scratch[:SC_NBUF]
        rows_v = scratch[SC_NBUF:2 * SC_NBUF]
        isem = scratch[2 * SC_NBUF:3 * SC_NBUF]
        gsem = scratch[3 * SC_NBUF:4 * SC_NBUF]
        osem = scratch[4 * SC_NBUF:5 * SC_NBUF]
        wid = lax.axis_index("s") * info.num_cores + lax.axis_index("c")
        w0 = wid * b_per_w

        def issue_idx(p):
            return pltpu.async_copy(
                idx_hbm.at[pl.ds(w0 + p * SC_CHUNK, SC_CHUNK)],
                idx_v[p % SC_NBUF], isem[p % SC_NBUF])

        def issue_gather(p):
            return pltpu.async_copy(table_hbm.at[idx_v[p % SC_NBUF]],
                                    rows_v[p % SC_NBUF], gsem[p % SC_NBUF])

        def issue_out(p):
            return pltpu.async_copy(
                rows_v[p % SC_NBUF],
                out_hbm.at[pl.ds(w0 + p * SC_CHUNK, SC_CHUNK)],
                osem[p % SC_NBUF])

        idx_dma = {p: issue_idx(p) for p in range(min(SC_NBUF, n_chunk))}
        idx_dma[0].wait()
        g_dma = {0: issue_gather(0)}
        o_dma = {}
        for it in range(n_chunk):
            g_dma[it].wait()
            if it + SC_NBUF < n_chunk:
                idx_dma[it + SC_NBUF] = issue_idx(it + SC_NBUF)
            o_dma[it] = issue_out(it)
            if it + 1 < n_chunk:
                idx_dma[it + 1].wait()
                if it + 1 - SC_NBUF >= 0:
                    o_dma[it + 1 - SC_NBUF].wait()
                g_dma[it + 1] = issue_gather(it + 1)
        for p in range(max(0, n_chunk - SC_NBUF), n_chunk):
            if p in o_dma:
                o_dma[p].wait()

    return gather_kernel(table, idx)


def _reduce_body(g_ref, c_ref, t_ref, sg1_ref, sg2_ref, scs_ref,
                 sc1_ref, sc2_ref):
    z3 = g_ref[0]
    mx = jnp.max(z3, axis=0)
    s = jnp.sum(z3, axis=0)
    q = jnp.sum(z3 * z3, axis=0)
    cv = c_ref[0]
    t_ref[0] = mx + cv
    sg1 = jnp.sum(s, axis=0, keepdims=True)
    sg2 = jnp.sum(q, axis=0, keepdims=True)
    scs = jnp.sum(cv * s, axis=0, keepdims=True)
    sc1 = jnp.sum(cv, axis=0, keepdims=True)
    sc2 = jnp.sum(cv * cv, axis=0, keepdims=True)

    @pl.when(pl.program_id(0) + pl.program_id(1) == 0)
    def _():
        sg1_ref[...] = sg1
        sg2_ref[...] = sg2
        scs_ref[...] = scs
        sc1_ref[...] = sc1
        sc2_ref[...] = sc2

    @pl.when(pl.program_id(0) + pl.program_id(1) != 0)
    def _():
        sg1_ref[...] += sg1
        sg2_ref[...] += sg2
        scs_ref[...] += scs
        sc1_ref[...] += sc1
        sc2_ref[...] += sc2


def _reduce(g4, c3):
    bh, _, n, _ = g4.shape
    grid = (bh, n // RN)
    acc = jax.ShapeDtypeStruct((1, 128), jnp.float32)
    acc_spec = pl.BlockSpec((1, 128), lambda bi, i: (0, 0))
    return pl.pallas_call(
        _reduce_body,
        grid=grid,
        in_specs=[
            pl.BlockSpec((1, K, RN, 128), lambda bi, i: (bi, 0, i, 0)),
            pl.BlockSpec((1, RN, 128), lambda bi, i: (bi, i, 0)),
        ],
        out_specs=[
            pl.BlockSpec((1, RN, 128), lambda bi, i: (bi, i, 0)),
            acc_spec, acc_spec, acc_spec, acc_spec, acc_spec,
        ],
        out_shape=[
            jax.ShapeDtypeStruct((bh, n, 128), jnp.float32),
            acc, acc, acc, acc, acc,
        ],
    )(g4, c3)


def _final(t3, accs_list, gamma2, beta2, m_total):
    b, n, _ = t3.shape
    nsets = len(accs_list)

    def body(*refs):
        t_ref = refs[0]
        acc_refs = refs[1:1 + 5 * nsets]
        gamma_ref, beta_ref, m_total_ref, out_ref = refs[1 + 5 * nsets:]
        mtot = m_total_ref[0, 0]
        sg1, sg2, scs, sc1, sc2 = (
            functools.reduce(lambda a, r: a + r[...], acc_refs[j::5],
                             jnp.zeros((1, 128), jnp.float32))
            for j in range(5))
        s1 = sg1 + K * sc1
        s2 = sg2 + 2.0 * scs + K * sc2
        mean = s1 / mtot
        var = s2 / mtot - mean * mean
        scale = gamma_ref[...] * lax.rsqrt(var + 1e-5)
        bias = beta_ref[...] - mean * scale
        v = t_ref[0] * scale + bias
        v = jnp.where(v >= 0, v, 0.2 * v)
        out_ref[0] = v.T

    grid = (b, n // FN)
    acc_spec = pl.BlockSpec((1, 128), lambda bi, i: (0, 0))
    return pl.pallas_call(
        body,
        grid=grid,
        in_specs=[
            pl.BlockSpec((1, FN, 128), lambda bi, i: (bi, i, 0)),
            *([acc_spec] * (5 * nsets)),
            acc_spec, acc_spec,
            pl.BlockSpec(memory_space=pltpu.SMEM),
        ],
        out_specs=pl.BlockSpec((1, 128, FN), lambda bi, i: (bi, 0, i)),
        out_shape=jax.ShapeDtypeStruct((b, 128, n), jnp.float32),
    )(t3, *[a for accs in accs_list for a in accs], gamma2, beta2, m_total)


def kernel(x, W, gamma, beta):
    b, c, n = x.shape
    xt = jnp.swapaxes(x, 1, 2)
    w1t = W[:, :c].T
    wdt = (W[:, c:] - W[:, :c]).T

    nsplit = 4
    bh = b // nsplit
    ts, accs = [], []
    for h in range(nsplit):
        xth = lax.slice_in_dim(xt, h * bh, (h + 1) * bh, axis=0)
        idx_bkn, cfeat, z = _knn_topk(xth, wdt, w1t)
        g = _sc_gather(z.reshape(bh * n, 128), idx_bkn.reshape(-1))
        t, *acc = _reduce(g.reshape(bh, K, n, 128), cfeat)
        ts.append(t)
        accs.append(acc)

    m_total = jnp.full((1, 1), float(b * n * K), jnp.float32)
    outs = [_final(ts[h], accs,
                   gamma.reshape(1, 128), beta.reshape(1, 128), m_total)
            for h in range(nsplit)]
    return jnp.concatenate(outs, axis=0)

# --- scband reference (transcript-rebuilt; emitter-appended) ---
"""Pipeline reference for scband-tdconv-49478023250588 (READ-ONLY COPY).

The authoritative reference and input builder live on the scoring server;
editing this copy changes nothing except your own understanding.
"""

import jax, jax.numpy as jnp
import numpy as np

K = 16

def setup_inputs(seed: int = 0) -> dict:
    key = jax.random.key(seed)
    k1, k2 = jax.random.split(key)
    x = jax.random.normal(k1, (8, 64, 2048), dtype=jnp.float32)
    # Conv2d(128, 128, kernel_size=1, bias=False) weight, squeezed to (out, in)
    W = jax.random.normal(k2, (128, 128), dtype=jnp.float32) * 0.05
    gamma = jnp.ones((128,), dtype=jnp.float32)
    beta = jnp.zeros((128,), dtype=jnp.float32)
    return {"x": x, "W": W, "gamma": gamma, "beta": beta}

def _knn(xt, k):
    # xt: (B, N, C); standard DGCNN knn on negative squared distances
    inner = -2.0 * jnp.einsum('bnc,bmc->bnm', xt, xt)
    xx = jnp.sum(xt * xt, axis=-1, keepdims=True)
    pairwise = -xx - inner - jnp.swapaxes(xx, 1, 2)
    idx = jax.lax.top_k(pairwise, k)[1]  # (B, N, k) nearest neighbors (incl. self)
    return idx

def _get_graph_feature(x, k):
    B, C, N = x.shape
    xt = jnp.swapaxes(x, 2, 1)  # (B, N, C)
    idx = _knn(xt, k)
    base = (jnp.arange(B) * N).reshape(B, 1, 1)
    idx_flat = (idx + base).reshape(-1)
    feature = jnp.take(xt.reshape(B * N, C), idx_flat, axis=0).reshape(B, N, k, C)
    center = jnp.broadcast_to(xt[:, :, None, :], (B, N, k, C))
    f = jnp.concatenate([feature - center, center], axis=3)  # (B, N, k, 2C)
    return jnp.transpose(f, (0, 3, 1, 2))  # (B, 2C, N, k)

def reference(x, W, gamma, beta):
    f = _get_graph_feature(x, K)               # (B, 128, N, K)
    y = jnp.einsum('oc,bcnk->bonk', W, f)      # 1x1 conv, no bias
    # BatchNorm2d in training mode: batch stats over (B, N, K), biased variance
    mean = jnp.mean(y, axis=(0, 2, 3), keepdims=True)
    var = jnp.var(y, axis=(0, 2, 3), keepdims=True)
    y = (y - mean) / jnp.sqrt(var + 1e-5)
    y = y * gamma.reshape(1, -1, 1, 1) + beta.reshape(1, -1, 1, 1)
    y = jnp.where(y >= 0, y, 0.2 * y)          # LeakyReLU(0.2)
    return jnp.max(y, axis=-1)                 # (B, 128, N)

if __name__ == "__main__":
    import jax
    _d = setup_inputs()
    print(jax.jit(kernel)(*tuple(_d.values())))

</pallas_src>

<mosaic_0001>
#map = affine_map<(d0, d1) -> (0, 0)>
#map1 = affine_map<(d0, d1) -> (0)>
module attributes {stable_mosaic.version = 14 : i64} {
  func.func @gather_kernel(%arg0: i32, %arg1: i32, %arg2: memref<4096x128xf32, #tpu.memory_space<hbm>>, %arg3: memref<65536xi32, #tpu.memory_space<hbm>>, %arg4: memref<65536x128xf32, #tpu.memory_space<hbm>>, %arg5: memref<256xi32, #tpu.memory_space<vmem>>, %arg6: memref<256xi32, #tpu.memory_space<vmem>>, %arg7: memref<256xi32, #tpu.memory_space<vmem>>, %arg8: memref<256x128xf32, #tpu.memory_space<vmem>>, %arg9: memref<256x128xf32, #tpu.memory_space<vmem>>, %arg10: memref<256x128xf32, #tpu.memory_space<vmem>>, %arg11: memref<!tpu.dma_semaphore, #tpu.memory_space<semaphore_mem>>, %arg12: memref<!tpu.dma_semaphore, #tpu.memory_space<semaphore_mem>>, %arg13: memref<!tpu.dma_semaphore, #tpu.memory_space<semaphore_mem>>, %arg14: memref<!tpu.dma_semaphore, #tpu.memory_space<semaphore_mem>>, %arg15: memref<!tpu.dma_semaphore, #tpu.memory_space<semaphore_mem>>, %arg16: memref<!tpu.dma_semaphore, #tpu.memory_space<semaphore_mem>>, %arg17: memref<!tpu.dma_semaphore, #tpu.memory_space<semaphore_mem>>, %arg18: memref<!tpu.dma_semaphore, #tpu.memory_space<semaphore_mem>>, %arg19: memref<!tpu.dma_semaphore, #tpu.memory_space<semaphore_mem>>) attributes {dimension_semantics = [#tpu.dimension_semantics<core_parallel>, #tpu.dimension_semantics<subcore_parallel>], iteration_bounds = array<i64: 2, 16>, scalar_prefetch = 0 : i64, scratch_operands = 15 : i64, tpu.core_type = #tpu.core_type<sc_vector_subcore>, window_params = [{transform_indices = #map}, {transform_indices = #map1}, {transform_indices = #map}]} {
    %mul3A = arith.constant 2 : i32
    %mul3A_0 = arith.muli %arg1, %mul3A : i32
    %add3A = arith.addi %mul3A_0, %arg0 : i32
    %mul3A_1 = arith.constant 2048 : i32
    %mul3A_2 = arith.muli %add3A, %mul3A_1 : i32
    %add3A_3 = arith.constant 0 : i32
    %add3A_4 = arith.addi %mul3A_2, %add3A_3 : i32
    %dma_start3A = tpu.memref_slice %arg3[%add3A_4] : memref<65536xi32, #tpu.memory_space<hbm>> -> memref<256xi32, #tpu.memory_space<hbm>>
    %dma_start3A_5 = tpu.memref_slice %arg3[%add3A_4] : memref<65536xi32, #tpu.memory_space<hbm>> -> memref<256xi32, #tpu.memory_space<hbm>>
    tpu.enqueue_dma source(%dma_start3A_5 : memref<256xi32, #tpu.memory_space<hbm>>) target(%arg5 : memref<256xi32, #tpu.memory_space<vmem>>) target_semaphore(%arg11 : memref<!tpu.dma_semaphore, #tpu.memory_space<semaphore_mem>>)
    %add3A_6 = arith.constant 256 : i32
    %add3A_7 = arith.addi %mul3A_2, %add3A_6 : i32
    %dma_start3A_8 = tpu.memref_slice %arg3[%add3A_7] : memref<65536xi32, #tpu.memory_space<hbm>> -> memref<256xi32, #tpu.memory_space<hbm>>
    %dma_start3A_9 = tpu.memref_slice %arg3[%add3A_7] : memref<65536xi32, #tpu.memory_space<hbm>> -> memref<256xi32, #tpu.memory_space<hbm>>
    tpu.enqueue_dma source(%dma_start3A_9 : memref<256xi32, #tpu.memory_space<hbm>>) target(%arg6 : memref<256xi32, #tpu.memory_space<vmem>>) target_semaphore(%arg12 : memref<!tpu.dma_semaphore, #tpu.memory_space<semaphore_mem>>)
    %add3A_10 = arith.constant 512 : i32
    %add3A_11 = arith.addi %mul3A_2, %add3A_10 : i32
    %dma_start3A_12 = tpu.memref_slice %arg3[%add3A_11] : memref<65536xi32, #tpu.memory_space<hbm>> -> memref<256xi32, #tpu.memory_space<hbm>>
    %dma_start3A_13 = tpu.memref_slice %arg3[%add3A_11] : memref<65536xi32, #tpu.memory_space<hbm>> -> memref<256xi32, #tpu.memory_space<hbm>>
    tpu.enqueue_dma source(%dma_start3A_13 : memref<256xi32, #tpu.memory_space<hbm>>) target(%arg7 : memref<256xi32, #tpu.memory_space<vmem>>) target_semaphore(%arg13 : memref<!tpu.dma_semaphore, #tpu.memory_space<semaphore_mem>>)
    %dma_wait3A = tpu.memref_slice %arg3[%add3A_4] : memref<65536xi32, #tpu.memory_space<hbm>> -> memref<256xi32, #tpu.memory_space<hbm>>
    %dma_wait3A_14 = tpu.memref_slice %arg3[%add3A_4] : memref<65536xi32, #tpu.memory_space<hbm>> -> memref<256xi32, #tpu.memory_space<hbm>>
    tpu.wait_dma2 semaphore(%arg11 : memref<!tpu.dma_semaphore, #tpu.memory_space<semaphore_mem>>) src(%dma_wait3A_14 : memref<256xi32, #tpu.memory_space<hbm>>) dst(%arg5 : memref<256xi32, #tpu.memory_space<vmem>>)
    %dma_start3A_15 = arith.constant 0 : i32
    %dma_start3A_16 = arith.constant 0 : i32
    %dma_start3A_17 = tpu.memref_slice %arg2[%dma_start3A_15, %dma_start3A_16] : memref<4096x128xf32, #tpu.memory_space<hbm>> -> memref<4096x128xf32, #tpu.memory_space<hbm>>
    tpu.enqueue_indirect_dma source(%dma_start3A_17 : memref<4096x128xf32, #tpu.memory_space<hbm>>) target(%arg8 : memref<256x128xf32, #tpu.memory_space<vmem>>) offsets(%arg5 : memref<256xi32, #tpu.memory_space<vmem>>) semaphore(%arg14 : memref<!tpu.dma_semaphore, #tpu.memory_space<semaphore_mem>>)
    %dma_wait3A_18 = arith.constant 0 : i32
    %dma_wait3A_19 = arith.constant 0 : i32
    %dma_wait3A_20 = tpu.memref_slice %arg2[%dma_wait3A_18, %dma_wait3A_19] : memref<4096x128xf32, #tpu.memory_space<hbm>> -> memref<4096x128xf32, #tpu.memory_space<hbm>>
    tpu.wait_indirect_dma semaphore(%arg14 : memref<!tpu.dma_semaphore, #tpu.memory_space<semaphore_mem>>) src(%dma_wait3A_20 : memref<4096x128xf32, #tpu.memory_space<hbm>>) dst(%arg8 : memref<256x128xf32, #tpu.memory_space<vmem>>)
    %add3A_21 = arith.constant 768 : i32
    %add3A_22 = arith.addi %mul3A_2, %add3A_21 : i32
    %dma_start3A_23 = tpu.memref_slice %arg3[%add3A_22] : memref<65536xi32, #tpu.memory_space<hbm>> -> memref<256xi32, #tpu.memory_space<hbm>>
    %dma_start3A_24 = tpu.memref_slice %arg3[%add3A_22] : memref<65536xi32, #tpu.memory_space<hbm>> -> memref<256xi32, #tpu.memory_space<hbm>>
    tpu.enqueue_dma source(%dma_start3A_24 : memref<256xi32, #tpu.memory_space<hbm>>) target(%arg5 : memref<256xi32, #tpu.memory_space<vmem>>) target_semaphore(%arg11 : memref<!tpu.dma_semaphore, #tpu.memory_space<semaphore_mem>>)
    %add3A_25 = arith.constant 0 : i32
    %add3A_26 = arith.addi %mul3A_2, %add3A_25 : i32
    %dma_start3A_27 = arith.constant 0 : i32
    %dma_start3A_28 = tpu.memref_slice %arg4[%add3A_26, %dma_start3A_27] : memref<65536x128xf32, #tpu.memory_space<hbm>> -> memref<256x128xf32, #tpu.memory_space<hbm>>
    %dma_start3A_29 = arith.constant 0 : i32
    %dma_start3A_30 = tpu.memref_slice %arg4[%add3A_26, %dma_start3A_29] : memref<65536x128xf32, #tpu.memory_space<hbm>> -> memref<256x128xf32, #tpu.memory_space<hbm>>
    tpu.enqueue_dma source(%arg8 : memref<256x128xf32, #tpu.memory_space<vmem>>) target(%dma_start3A_30 : memref<256x128xf32, #tpu.memory_space<hbm>>) target_semaphore(%arg17 : memref<!tpu.dma_semaphore, #tpu.memory_space<semaphore_mem>>)
    %dma_wait3A_31 = tpu.memref_slice %arg3[%add3A_7] : memref<65536xi32, #tpu.memory_space<hbm>> -> memref<256xi32, #tpu.memory_space<hbm>>
    %dma_wait3A_32 = tpu.memref_slice %arg3[%add3A_7] : memref<65536xi32, #tpu.memory_space<hbm>> -> memref<256xi32, #tpu.memory_space<hbm>>
    tpu.wait_dma2 semaphore(%arg12 : memref<!tpu.dma_semaphore, #tpu.memory_space<semaphore_mem>>) src(%dma_wait3A_32 : memref<256xi32, #tpu.memory_space<hbm>>) dst(%arg6 : memref<256xi32, #tpu.memory_space<vmem>>)
    %dma_start3A_33 = arith.constant 0 : i32
    %dma_start3A_34 = arith.constant 0 : i32
    %dma_start3A_35 = tpu.memref_slice %arg2[%dma_start3A_33, %dma_start3A_34] : memref<4096x128xf32, #tpu.memory_space<hbm>> -> memref<4096x128xf32, #tpu.memory_space<hbm>>
    tpu.enqueue_indirect_dma source(%dma_start3A_35 : memref<4096x128xf32, #tpu.memory_space<hbm>>) target(%arg9 : memref<256x128xf32, #tpu.memory_space<vmem>>) offsets(%arg6 : memref<256xi32, #tpu.memory_space<vmem>>) semaphore(%arg15 : memref<!tpu.dma_semaphore, #tpu.memory_space<semaphore_mem>>)
    %dma_wait3A_36 = arith.constant 0 : i32
    %dma_wait3A_37 = arith.constant 0 : i32
    %dma_wait3A_38 = tpu.memref_slice %arg2[%dma_wait3A_36, %dma_wait3A_37] : memref<4096x128xf32, #tpu.memory_space<hbm>> -> memref<4096x128xf32, #tpu.memory_space<hbm>>
    tpu.wait_indirect_dma semaphore(%arg15 : memref<!tpu.dma_semaphore, #tpu.memory_space<semaphore_mem>>) src(%dma_wait3A_38 : memref<4096x128xf32, #tpu.memory_space<hbm>>) dst(%arg9 : memref<256x128xf32, #tpu.memory_space<vmem>>)
    %add3A_39 = arith.constant 1024 : i32
    %add3A_40 = arith.addi %mul3A_2, %add3A_39 : i32
    %dma_start3A_41 = tpu.memref_slice %arg3[%add3A_40] : memref<65536xi32, #tpu.memory_space<hbm>> -> memref<256xi32, #tpu.memory_space<hbm>>
    %dma_start3A_42 = tpu.memref_slice %arg3[%add3A_40] : memref<65536xi32, #tpu.memory_space<hbm>> -> memref<256xi32, #tpu.memory_space<hbm>>
    tpu.enqueue_dma source(%dma_start3A_42 : memref<256xi32, #tpu.memory_space<hbm>>) target(%arg6 : memref<256xi32, #tpu.memory_space<vmem>>) target_semaphore(%arg12 : memref<!tpu.dma_semaphore, #tpu.memory_space<semaphore_mem>>)
    %add3A_43 = arith.constant 256 : i32
    %add3A_44 = arith.addi %mul3A_2, %add3A_43 : i32
    %dma_start3A_45 = arith.constant 0 : i32
    %dma_start3A_46 = tpu.memref_slice %arg4[%add3A_44, %dma_start3A_45] : memref<65536x128xf32, #tpu.memory_space<hbm>> -> memref<256x128xf32, #tpu.memory_space<hbm>>
    %dma_start3A_47 = arith.constant 0 : i32
    %dma_start3A_48 = tpu.memref_slice %arg4[%add3A_44, %dma_start3A_47] : memref<65536x128xf32, #tpu.memory_space<hbm>> -> memref<256x128xf32, #tpu.memory_space<hbm>>
    tpu.enqueue_dma source(%arg9 : memref<256x128xf32, #tpu.memory_space<vmem>>) target(%dma_start3A_48 : memref<256x128xf32, #tpu.memory_space<hbm>>) target_semaphore(%arg18 : memref<!tpu.dma_semaphore, #tpu.memory_space<semaphore_mem>>)
    %dma_wait3A_49 = tpu.memref_slice %arg3[%add3A_11] : memref<65536xi32, #tpu.memory_space<hbm>> -> memref<256xi32, #tpu.memory_space<hbm>>
    %dma_wait3A_50 = tpu.memref_slice %arg3[%add3A_11] : memref<65536xi32, #tpu.memory_space<hbm>> -> memref<256xi32, #tpu.memory_space<hbm>>
    tpu.wait_dma2 semaphore(%arg13 : memref<!tpu.dma_semaphore, #tpu.memory_space<semaphore_mem>>) src(%dma_wait3A_50 : memref<256xi32, #tpu.memory_space<hbm>>) dst(%arg7 : memref<256xi32, #tpu.memory_space<vmem>>)
    %dma_start3A_51 = arith.constant 0 : i32
    %dma_start3A_52 = arith.constant 0 : i32
    %dma_start3A_53 = tpu.memref_slice %arg2[%dma_start3A_51, %dma_start3A_52] : memref<4096x128xf32, #tpu.memory_space<hbm>> -> memref<4096x128xf32, #tpu.memory_space<hbm>>
    tpu.enqueue_indirect_dma source(%dma_start3A_53 : memref<4096x128xf32, #tpu.memory_space<hbm>>) target(%arg10 : memref<256x128xf32, #tpu.memory_space<vmem>>) offsets(%arg7 : memref<256xi32, #tpu.memory_space<vmem>>) semaphore(%arg16 : memref<!tpu.dma_semaphore, #tpu.memory_space<semaphore_mem>>)
    %dma_wait3A_54 = arith.constant 0 : i32
    %dma_wait3A_55 = arith.constant 0 : i32
    %dma_wait3A_56 = tpu.memref_slice %arg2[%dma_wait3A_54, %dma_wait3A_55] : memref<4096x128xf32, #tpu.memory_space<hbm>> -> memref<4096x128xf32, #tpu.memory_space<hbm>>
    tpu.wait_indirect_dma semaphore(%arg16 : memref<!tpu.dma_semaphore, #tpu.memory_space<semaphore_mem>>) src(%dma_wait3A_56 : memref<4096x128xf32, #tpu.memory_space<hbm>>) dst(%arg10 : memref<256x128xf32, #tpu.memory_space<vmem>>)
    %add3A_57 = arith.constant 1280 : i32
    %add3A_58 = arith.addi %mul3A_2, %add3A_57 : i32
    %dma_start3A_59 = tpu.memref_slice %arg3[%add3A_58] : memref<65536xi32, #tpu.memory_space<hbm>> -> memref<256xi32, #tpu.memory_space<hbm>>
    %dma_start3A_60 = tpu.memref_slice %arg3[%add3A_58] : memref<65536xi32, #tpu.memory_space<hbm>> -> memref<256xi32, #tpu.memory_space<hbm>>
    tpu.enqueue_dma source(%dma_start3A_60 : memref<256xi32, #tpu.memory_space<hbm>>) target(%arg7 : memref<256xi32, #tpu.memory_space<vmem>>) target_semaphore(%arg13 : memref<!tpu.dma_semaphore, #tpu.memory_space<semaphore_mem>>)
    %add3A_61 = arith.constant 512 : i32
    %add3A_62 = arith.addi %mul3A_2, %add3A_61 : i32
    %dma_start3A_63 = arith.constant 0 : i32
    %dma_start3A_64 = tpu.memref_slice %arg4[%add3A_62, %dma_start3A_63] : memref<65536x128xf32, #tpu.memory_space<hbm>> -> memref<256x128xf32, #tpu.memory_space<hbm>>
    %dma_start3A_65 = arith.constant 0 : i32
    %dma_start3A_66 = tpu.memref_slice %arg4[%add3A_62, %dma_start3A_65] : memref<65536x128xf32, #tpu.memory_space<hbm>> -> memref<256x128xf32, #tpu.memory_space<hbm>>
    tpu.enqueue_dma source(%arg10 : memref<256x128xf32, #tpu.memory_space<vmem>>) target(%dma_start3A_66 : memref<256x128xf32, #tpu.memory_space<hbm>>) target_semaphore(%arg19 : memref<!tpu.dma_semaphore, #tpu.memory_space<semaphore_mem>>)
    %dma_wait3A_67 = tpu.memref_slice %arg3[%add3A_22] : memref<65536xi32, #tpu.memory_space<hbm>> -> memref<256xi32, #tpu.memory_space<hbm>>
    %dma_wait3A_68 = tpu.memref_slice %arg3[%add3A_22] : memref<65536xi32, #tpu.memory_space<hbm>> -> memref<256xi32, #tpu.memory_space<hbm>>
    tpu.wait_dma2 semaphore(%arg11 : memref<!tpu.dma_semaphore, #tpu.memory_space<semaphore_mem>>) src(%dma_wait3A_68 : memref<256xi32, #tpu.memory_space<hbm>>) dst(%arg5 : memref<256xi32, #tpu.memory_space<vmem>>)
    %dma_wait3A_69 = arith.constant 0 : i32
    %dma_wait3A_70 = tpu.memref_slice %arg4[%add3A_26, %dma_wait3A_69] : memref<65536x128xf32, #tpu.memory_space<hbm>> -> memref<256x128xf32, #tpu.memory_space<hbm>>
    %dma_wait3A_71 = arith.constant 0 : i32
    %dma_wait3A_72 = tpu.memref_slice %arg4[%add3A_26, %dma_wait3A_71] : memref<65536x128xf32, #tpu.memory_space<hbm>> -> memref<256x128xf32, #tpu.memory_space<hbm>>
    tpu.wait_dma2 semaphore(%arg17 : memref<!tpu.dma_semaphore, #tpu.memory_space<semaphore_mem>>) src(%arg8 : memref<256x128xf32, #tpu.memory_space<vmem>>) dst(%dma_wait3A_72 : memref<256x128xf32, #tpu.memory_space<hbm>>)
    %dma_start3A_73 = arith.constant 0 : i32
    %dma_start3A_74 = arith.constant 0 : i32
    %dma_start3A_75 = tpu.memref_slice %arg2[%dma_start3A_73, %dma_start3A_74] : memref<4096x128xf32, #tpu.memory_space<hbm>> -> memref<4096x128xf32, #tpu.memory_space<hbm>>
    tpu.enqueue_indirect_dma source(%dma_start3A_75 : memref<4096x128xf32, #tpu.memory_space<hbm>>) target(%arg8 : memref<256x128xf32, #tpu.memory_space<vmem>>) offsets(%arg5 : memref<256xi32, #tpu.memory_space<vmem>>) semaphore(%arg14 : memref<!tpu.dma_semaphore, #tpu.memory_space<semaphore_mem>>)
    %dma_wait3A_76 = arith.constant 0 : i32
    %dma_wait3A_77 = arith.constant 0 : i32
    %dma_wait3A_78 = tpu.memref_slice %arg2[%dma_wait3A_76, %dma_wait3A_77] : memref<4096x128xf32, #tpu.memory_space<hbm>> -> memref<4096x128xf32, #tpu.memory_space<hbm>>
    tpu.wait_indirect_dma semaphore(%arg14 : memref<!tpu.dma_semaphore, #tpu.memory_space<semaphore_mem>>) src(%dma_wait3A_78 : memref<4096x128xf32, #tpu.memory_space<hbm>>) dst(%arg8 : memref<256x128xf32, #tpu.memory_space<vmem>>)
    %add3A_79 = arith.constant 1536 : i32
    %add3A_80 = arith.addi %mul3A_2, %add3A_79 : i32
    %dma_start3A_81 = tpu.memref_slice %arg3[%add3A_80] : memref<65536xi32, #tpu.memory_space<hbm>> -> memref<256xi32, #tpu.memory_space<hbm>>
    %dma_start3A_82 = tpu.memref_slice %arg3[%add3A_80] : memref<65536xi32, #tpu.memory_space<hbm>> -> memref<256xi32, #tpu.memory_space<hbm>>
    tpu.enqueue_dma source(%dma_start3A_82 : memref<256xi32, #tpu.memory_space<hbm>>) target(%arg5 : memref<256xi32, #tpu.memory_space<vmem>>) target_semaphore(%arg11 : memref<!tpu.dma_semaphore, #tpu.memory_space<semaphore_mem>>)
    %add3A_83 = arith.constant 768 : i32
    %add3A_84 = arith.addi %mul3A_2, %add3A_83 : i32
    %dma_start3A_85 = arith.constant 0 : i32
    %dma_start3A_86 = tpu.memref_slice %arg4[%add3A_84, %dma_start3A_85] : memref<65536x128xf32, #tpu.memory_space<hbm>> -> memref<256x128xf32, #tpu.memory_space<hbm>>
    %dma_start3A_87 = arith.constant 0 : i32
    %dma_start3A_88 = tpu.memref_slice %arg4[%add3A_84, %dma_start3A_87] : memref<65536x128xf32, #tpu.memory_space<hbm>> -> memref<256x128xf32, #tpu.memory_space<hbm>>
    tpu.enqueue_dma source(%arg8 : memref<256x128xf32, #tpu.memory_space<vmem>>) target(%dma_start3A_88 : memref<256x128xf32, #tpu.memory_space<hbm>>) target_semaphore(%arg17 : memref<!tpu.dma_semaphore, #tpu.memory_space<semaphore_mem>>)
    %dma_wait3A_89 = tpu.memref_slice %arg3[%add3A_40] : memref<65536xi32, #tpu.memory_space<hbm>> -> memref<256xi32, #tpu.memory_space<hbm>>
    %dma_wait3A_90 = tpu.memref_slice %arg3[%add3A_40] : memref<65536xi32, #tpu.memory_space<hbm>> -> memref<256xi32, #tpu.memory_space<hbm>>
    tpu.wait_dma2 semaphore(%arg12 : memref<!tpu.dma_semaphore, #tpu.memory_space<semaphore_mem>>) src(%dma_wait3A_90 : memref<256xi32, #tpu.memory_space<hbm>>) dst(%arg6 : memref<256xi32, #tpu.memory_space<vmem>>)
    %dma_wait3A_91 = arith.constant 0 : i32
    %dma_wait3A_92 = tpu.memref_slice %arg4[%add3A_44, %dma_wait3A_91] : memref<65536x128xf32, #tpu.memory_space<hbm>> -> memref<256x128xf32, #tpu.memory_space<hbm>>
    %dma_wait3A_93 = arith.constant 0 : i32
    %dma_wait3A_94 = tpu.memref_slice %arg4[%add3A_44, %dma_wait3A_93] : memref<65536x128xf32, #tpu.memory_space<hbm>> -> memref<256x128xf32, #tpu.memory_space<hbm>>
    tpu.wait_dma2 semaphore(%arg18 : memref<!tpu.dma_semaphore, #tpu.memory_space<semaphore_mem>>) src(%arg9 : memref<256x128xf32, #tpu.memory_space<vmem>>) dst(%dma_wait3A_94 : memref<256x128xf32, #tpu.memory_space<hbm>>)
    %dma_start3A_95 = arith.constant 0 : i32
    %dma_start3A_96 = arith.constant 0 : i32
    %dma_start3A_97 = tpu.memref_slice %arg2[%dma_start3A_95, %dma_start3A_96] : memref<4096x128xf32, #tpu.memory_space<hbm>> -> memref<4096x128xf32, #tpu.memory_space<hbm>>
    tpu.enqueue_indirect_dma source(%dma_start3A_97 : memref<4096x128xf32, #tpu.memory_space<hbm>>) target(%arg9 : memref<256x128xf32, #tpu.memory_space<vmem>>) offsets(%arg6 : memref<256xi32, #tpu.memory_space<vmem>>) semaphore(%arg15 : memref<!tpu.dma_semaphore, #tpu.memory_space<semaphore_mem>>)
    %dma_wait3A_98 = arith.constant 0 : i32
    %dma_wait3A_99 = arith.constant 0 : i32
    %dma_wait3A_100 = tpu.memref_slice %arg2[%dma_wait3A_98, %dma_wait3A_99] : memref<4096x128xf32, #tpu.memory_space<hbm>> -> memref<4096x128xf32, #tpu.memory_space<hbm>>
    tpu.wait_indirect_dma semaphore(%arg15 : memref<!tpu.dma_semaphore, #tpu.memory_space<semaphore_mem>>) src(%dma_wait3A_100 : memref<4096x128xf32, #tpu.memory_space<hbm>>) dst(%arg9 : memref<256x128xf32, #tpu.memory_space<vmem>>)
    %add3A_101 = arith.constant 1792 : i32
    %add3A_102 = arith.addi %mul3A_2, %add3A_101 : i32
    %dma_start3A_103 = tpu.memref_slice %arg3[%add3A_102] : memref<65536xi32, #tpu.memory_space<hbm>> -> memref<256xi32, #tpu.memory_space<hbm>>
    %dma_start3A_104 = tpu.memref_slice %arg3[%add3A_102] : memref<65536xi32, #tpu.memory_space<hbm>> -> memref<256xi32, #tpu.memory_space<hbm>>
    tpu.enqueue_dma source(%dma_start3A_104 : memref<256xi32, #tpu.memory_space<hbm>>) target(%arg6 : memref<256xi32, #tpu.memory_space<vmem>>) target_semaphore(%arg12 : memref<!tpu.dma_semaphore, #tpu.memory_space<semaphore_mem>>)
    %add3A_105 = arith.constant 1024 : i32
    %add3A_106 = arith.addi %mul3A_2, %add3A_105 : i32
    %dma_start3A_107 = arith.constant 0 : i32
    %dma_start3A_108 = tpu.memref_slice %arg4[%add3A_106, %dma_start3A_107] : memref<65536x128xf32, #tpu.memory_space<hbm>> -> memref<256x128xf32, #tpu.memory_space<hbm>>
    %dma_start3A_109 = arith.constant 0 : i32
    %dma_start3A_110 = tpu.memref_slice %arg4[%add3A_106, %dma_start3A_109] : memref<65536x128xf32, #tpu.memory_space<hbm>> -> memref<256x128xf32, #tpu.memory_space<hbm>>
    tpu.enqueue_dma source(%arg9 : memref<256x128xf32, #tpu.memory_space<vmem>>) target(%dma_start3A_110 : memref<256x128xf32, #tpu.memory_space<hbm>>) target_semaphore(%arg18 : memref<!tpu.dma_semaphore, #tpu.memory_space<semaphore_mem>>)
    %dma_wait3A_111 = tpu.memref_slice %arg3[%add3A_58] : memref<65536xi32, #tpu.memory_space<hbm>> -> memref<256xi32, #tpu.memory_space<hbm>>
    %dma_wait3A_112 = tpu.memref_slice %arg3[%add3A_58] : memref<65536xi32, #tpu.memory_space<hbm>> -> memref<256xi32, #tpu.memory_space<hbm>>
    tpu.wait_dma2 semaphore(%arg13 : memref<!tpu.dma_semaphore, #tpu.memory_space<semaphore_mem>>) src(%dma_wait3A_112 : memref<256xi32, #tpu.memory_space<hbm>>) dst(%arg7 : memref<256xi32, #tpu.memory_space<vmem>>)
    %dma_wait3A_113 = arith.constant 0 : i32
    %dma_wait3A_114 = tpu.memref_slice %arg4[%add3A_62, %dma_wait3A_113] : memref<65536x128xf32, #tpu.memory_space<hbm>> -> memref<256x128xf32, #tpu.memory_space<hbm>>
    %dma_wait3A_115 = arith.constant 0 : i32
    %dma_wait3A_116 = tpu.memref_slice %arg4[%add3A_62, %dma_wait3A_115] : memref<65536x128xf32, #tpu.memory_space<hbm>> -> memref<256x128xf32, #tpu.memory_space<hbm>>
    tpu.wait_dma2 semaphore(%arg19 : memref<!tpu.dma_semaphore, #tpu.memory_space<semaphore_mem>>) src(%arg10 : memref<256x128xf32, #tpu.memory_space<vmem>>) dst(%dma_wait3A_116 : memref<256x128xf32, #tpu.memory_space<hbm>>)
    %dma_start3A_117 = arith.constant 0 : i32
    %dma_start3A_118 = arith.constant 0 : i32
    %dma_start3A_119 = tpu.memref_slice %arg2[%dma_start3A_117, %dma_start3A_118] : memref<4096x128xf32, #tpu.memory_space<hbm>> -> memref<4096x128xf32, #tpu.memory_space<hbm>>
    tpu.enqueue_indirect_dma source(%dma_start3A_119 : memref<4096x128xf32, #tpu.memory_space<hbm>>) target(%arg10 : memref<256x128xf32, #tpu.memory_space<vmem>>) offsets(%arg7 : memref<256xi32, #tpu.memory_space<vmem>>) semaphore(%arg16 : memref<!tpu.dma_semaphore, #tpu.memory_space<semaphore_mem>>)
    %dma_wait3A_120 = arith.constant 0 : i32
    %dma_wait3A_121 = arith.constant 0 : i32
    %dma_wait3A_122 = tpu.memref_slice %arg2[%dma_wait3A_120, %dma_wait3A_121] : memref<4096x128xf32, #tpu.memory_space<hbm>> -> memref<4096x128xf32, #tpu.memory_space<hbm>>
    tpu.wait_indirect_dma semaphore(%arg16 : memref<!tpu.dma_semaphore, #tpu.memory_space<semaphore_mem>>) src(%dma_wait3A_122 : memref<4096x128xf32, #tpu.memory_space<hbm>>) dst(%arg10 : memref<256x128xf32, #tpu.memory_space<vmem>>)
    %add3A_123 = arith.constant 1280 : i32
    %add3A_124 = arith.addi %mul3A_2, %add3A_123 : i32
    %dma_start3A_125 = arith.constant 0 : i32
    %dma_start3A_126 = tpu.memref_slice %arg4[%add3A_124, %dma_start3A_125] : memref<65536x128xf32, #tpu.memory_space<hbm>> -> memref<256x128xf32, #tpu.memory_space<hbm>>
    %dma_start3A_127 = arith.constant 0 : i32
    %dma_start3A_128 = tpu.memref_slice %arg4[%add3A_124, %dma_start3A_127] : memref<65536x128xf32, #tpu.memory_space<hbm>> -> memref<256x128xf32, #tpu.memory_space<hbm>>
    tpu.enqueue_dma source(%arg10 : memref<256x128xf32, #tpu.memory_space<vmem>>) target(%dma_start3A_128 : memref<256x128xf32, #tpu.memory_space<hbm>>) target_semaphore(%arg19 : memref<!tpu.dma_semaphore, #tpu.memory_space<semaphore_mem>>)
    %dma_wait3A_129 = tpu.memref_slice %arg3[%add3A_80] : memref<65536xi32, #tpu.memory_space<hbm>> -> memref<256xi32, #tpu.memory_space<hbm>>
    %dma_wait3A_130 = tpu.memref_slice %arg3[%add3A_80] : memref<65536xi32, #tpu.memory_space<hbm>> -> memref<256xi32, #tpu.memory_space<hbm>>
    tpu.wait_dma2 semaphore(%arg11 : memref<!tpu.dma_semaphore, #tpu.memory_space<semaphore_mem>>) src(%dma_wait3A_130 : memref<256xi32, #tpu.memory_space<hbm>>) dst(%arg5 : memref<256xi32, #tpu.memory_space<vmem>>)
    %dma_wait3A_131 = arith.constant 0 : i32
    %dma_wait3A_132 = tpu.memref_slice %arg4[%add3A_84, %dma_wait3A_131] : memref<65536x128xf32, #tpu.memory_space<hbm>> -> memref<256x128xf32, #tpu.memory_space<hbm>>
    %dma_wait3A_133 = arith.constant 0 : i32
    %dma_wait3A_134 = tpu.memref_slice %arg4[%add3A_84, %dma_wait3A_133] : memref<65536x128xf32, #tpu.memory_space<hbm>> -> memref<256x128xf32, #tpu.memory_space<hbm>>
    tpu.wait_dma2 semaphore(%arg17 : memref<!tpu.dma_semaphore, #tpu.memory_space<semaphore_mem>>) src(%arg8 : memref<256x128xf32, #tpu.memory_space<vmem>>) dst(%dma_wait3A_134 : memref<256x128xf32, #tpu.memory_space<hbm>>)
    %dma_start3A_135 = arith.constant 0 : i32
    %dma_start3A_136 = arith.constant 0 : i32
    %dma_start3A_137 = tpu.memref_slice %arg2[%dma_start3A_135, %dma_start3A_136] : memref<4096x128xf32, #tpu.memory_space<hbm>> -> memref<4096x128xf32, #tpu.memory_space<hbm>>
    tpu.enqueue_indirect_dma source(%dma_start3A_137 : memref<4096x128xf32, #tpu.memory_space<hbm>>) target(%arg8 : memref<256x128xf32, #tpu.memory_space<vmem>>) offsets(%arg5 : memref<256xi32, #tpu.memory_space<vmem>>) semaphore(%arg14 : memref<!tpu.dma_semaphore, #tpu.memory_space<semaphore_mem>>)
    %dma_wait3A_138 = arith.constant 0 : i32
    %dma_wait3A_139 = arith.constant 0 : i32
    %dma_wait3A_140 = tpu.memref_slice %arg2[%dma_wait3A_138, %dma_wait3A_139] : memref<4096x128xf32, #tpu.memory_space<hbm>> -> memref<4096x128xf32, #tpu.memory_space<hbm>>
    tpu.wait_indirect_dma semaphore(%arg14 : memref<!tpu.dma_semaphore, #tpu.memory_space<semaphore_mem>>) src(%dma_wait3A_140 : memref<4096x128xf32, #tpu.memory_space<hbm>>) dst(%arg8 : memref<256x128xf32, #tpu.memory_space<vmem>>)
    %add3A_141 = arith.constant 1536 : i32
    %add3A_142 = arith.addi %mul3A_2, %add3A_141 : i32
    %dma_start3A_143 = arith.constant 0 : i32
    %dma_start3A_144 = tpu.memref_slice %arg4[%add3A_142, %dma_start3A_143] : memref<65536x128xf32, #tpu.memory_space<hbm>> -> memref<256x128xf32, #tpu.memory_space<hbm>>
    %dma_start3A_145 = arith.constant 0 : i32
    %dma_start3A_146 = tpu.memref_slice %arg4[%add3A_142, %dma_start3A_145] : memref<65536x128xf32, #tpu.memory_space<hbm>> -> memref<256x128xf32, #tpu.memory_space<hbm>>
    tpu.enqueue_dma source(%arg8 : memref<256x128xf32, #tpu.memory_space<vmem>>) target(%dma_start3A_146 : memref<256x128xf32, #tpu.memory_space<hbm>>) target_semaphore(%arg17 : memref<!tpu.dma_semaphore, #tpu.memory_space<semaphore_mem>>)
    %dma_wait3A_147 = tpu.memref_slice %arg3[%add3A_102] : memref<65536xi32, #tpu.memory_space<hbm>> -> memref<256xi32, #tpu.memory_space<hbm>>
    %dma_wait3A_148 = tpu.memref_slice %arg3[%add3A_102] : memref<65536xi32, #tpu.memory_space<hbm>> -> memref<256xi32, #tpu.memory_space<hbm>>
    tpu.wait_dma2 semaphore(%arg12 : memref<!tpu.dma_semaphore, #tpu.memory_space<semaphore_mem>>) src(%dma_wait3A_148 : memref<256xi32, #tpu.memory_space<hbm>>) dst(%arg6 : memref<256xi32, #tpu.memory_space<vmem>>)
    %dma_wait3A_149 = arith.constant 0 : i32
    %dma_wait3A_150 = tpu.memref_slice %arg4[%add3A_106, %dma_wait3A_149] : memref<65536x128xf32, #tpu.memory_space<hbm>> -> memref<256x128xf32, #tpu.memory_space<hbm>>
    %dma_wait3A_151 = arith.constant 0 : i32
    %dma_wait3A_152 = tpu.memref_slice %arg4[%add3A_106, %dma_wait3A_151] : memref<65536x128xf32, #tpu.memory_space<hbm>> -> memref<256x128xf32, #tpu.memory_space<hbm>>
    tpu.wait_dma2 semaphore(%arg18 : memref<!tpu.dma_semaphore, #tpu.memory_space<semaphore_mem>>) src(%arg9 : memref<256x128xf32, #tpu.memory_space<vmem>>) dst(%dma_wait3A_152 : memref<256x128xf32, #tpu.memory_space<hbm>>)
    %dma_start3A_153 = arith.constant 0 : i32
    %dma_start3A_154 = arith.constant 0 : i32
    %dma_start3A_155 = tpu.memref_slice %arg2[%dma_start3A_153, %dma_start3A_154] : memref<4096x128xf32, #tpu.memory_space<hbm>> -> memref<4096x128xf32, #tpu.memory_space<hbm>>
    tpu.enqueue_indirect_dma source(%dma_start3A_155 : memref<4096x128xf32, #tpu.memory_space<hbm>>) target(%arg9 : memref<256x128xf32, #tpu.memory_space<vmem>>) offsets(%arg6 : memref<256xi32, #tpu.memory_space<vmem>>) semaphore(%arg15 : memref<!tpu.dma_semaphore, #tpu.memory_space<semaphore_mem>>)
    %dma_wait3A_156 = arith.constant 0 : i32
    %dma_wait3A_157 = arith.constant 0 : i32
    %dma_wait3A_158 = tpu.memref_slice %arg2[%dma_wait3A_156, %dma_wait3A_157] : memref<4096x128xf32, #tpu.memory_space<hbm>> -> memref<4096x128xf32, #tpu.memory_space<hbm>>
    tpu.wait_indirect_dma semaphore(%arg15 : memref<!tpu.dma_semaphore, #tpu.memory_space<semaphore_mem>>) src(%dma_wait3A_158 : memref<4096x128xf32, #tpu.memory_space<hbm>>) dst(%arg9 : memref<256x128xf32, #tpu.memory_space<vmem>>)
    %add3A_159 = arith.constant 1792 : i32
    %add3A_160 = arith.addi %mul3A_2, %add3A_159 : i32
    %dma_start3A_161 = arith.constant 0 : i32
    %dma_start3A_162 = tpu.memref_slice %arg4[%add3A_160, %dma_start3A_161] : memref<65536x128xf32, #tpu.memory_space<hbm>> -> memref<256x128xf32, #tpu.memory_space<hbm>>
    %dma_start3A_163 = arith.constant 0 : i32
    %dma_start3A_164 = tpu.memref_slice %arg4[%add3A_160, %dma_start3A_163] : memref<65536x128xf32, #tpu.memory_space<hbm>> -> memref<256x128xf32, #tpu.memory_space<hbm>>
    tpu.enqueue_dma source(%arg9 : memref<256x128xf32, #tpu.memory_space<vmem>>) target(%dma_start3A_164 : memref<256x128xf32, #tpu.memory_space<hbm>>) target_semaphore(%arg18 : memref<!tpu.dma_semaphore, #tpu.memory_space<semaphore_mem>>)
    %dma_wait3A_165 = arith.constant 0 : i32
    %dma_wait3A_166 = tpu.memref_slice %arg4[%add3A_124, %dma_wait3A_165] : memref<65536x128xf32, #tpu.memory_space<hbm>> -> memref<256x128xf32, #tpu.memory_space<hbm>>
    %dma_wait3A_167 = arith.constant 0 : i32
    %dma_wait3A_168 = tpu.memref_slice %arg4[%add3A_124, %dma_wait3A_167] : memref<65536x128xf32, #tpu.memory_space<hbm>> -> memref<256x128xf32, #tpu.memory_space<hbm>>
    tpu.wait_dma2 semaphore(%arg19 : memref<!tpu.dma_semaphore, #tpu.memory_space<semaphore_mem>>) src(%arg10 : memref<256x128xf32, #tpu.memory_space<vmem>>) dst(%dma_wait3A_168 : memref<256x128xf32, #tpu.memory_space<hbm>>)
    %dma_wait3A_169 = arith.constant 0 : i32
    %dma_wait3A_170 = tpu.memref_slice %arg4[%add3A_142, %dma_wait3A_169] : memref<65536x128xf32, #tpu.memory_space<hbm>> -> memref<256x128xf32, #tpu.memory_space<hbm>>
    %dma_wait3A_171 = arith.constant 0 : i32
    %dma_wait3A_172 = tpu.memref_slice %arg4[%add3A_142, %dma_wait3A_171] : memref<65536x128xf32, #tpu.memory_space<hbm>> -> memref<256x128xf32, #tpu.memory_space<hbm>>
    tpu.wait_dma2 semaphore(%arg17 : memref<!tpu.dma_semaphore, #tpu.memory_space<semaphore_mem>>) src(%arg8 : memref<256x128xf32, #tpu.memory_space<vmem>>) dst(%dma_wait3A_172 : memref<256x128xf32, #tpu.memory_space<hbm>>)
    %dma_wait3A_173 = arith.constant 0 : i32
    %dma_wait3A_174 = tpu.memref_slice %arg4[%add3A_160, %dma_wait3A_173] : memref<65536x128xf32, #tpu.memory_space<hbm>> -> memref<256x128xf32, #tpu.memory_space<hbm>>
    %dma_wait3A_175 = arith.constant 0 : i32
    %dma_wait3A_176 = tpu.memref_slice %arg4[%add3A_160, %dma_wait3A_175] : memref<65536x128xf32, #tpu.memory_space<hbm>> -> memref<256x128xf32, #tpu.memory_space<hbm>>
    tpu.wait_dma2 semaphore(%arg18 : memref<!tpu.dma_semaphore, #tpu.memory_space<semaphore_mem>>) src(%arg9 : memref<256x128xf32, #tpu.memory_space<vmem>>) dst(%dma_wait3A_176 : memref<256x128xf32, #tpu.memory_space<hbm>>)
    return
  }
}

#map = affine_map<(d0, d1) -> (0, 0)>
#map1 = affine_map<(d0, d1) -> (0)>
module attributes {stable_mosaic.version = 14 : i64} {
  func.func @gather_kernel(%arg0: i32, %arg1: i32, %arg2: memref<4096x128xf32, #tpu.memory_space<hbm>>, %arg3: memref<65536xi32, #tpu.memory_space<hbm>>, %arg4: memref<65536x128xf32, #tpu.memory_space<hbm>>, %arg5: memref<256xi32, #tpu.memory_space<vmem>>, %arg6: memref<256xi32, #tpu.memory_space<vmem>>, %arg7: memref<256xi32, #tpu.memory_space<vmem>>, %arg8: memref<256x128xf32, #tpu.memory_space<vmem>>, %arg9: memref<256x128xf32, #tpu.memory_space<vmem>>, %arg10: memref<256x128xf32, #tpu.memory_space<vmem>>, %arg11: memref<!tpu.dma_semaphore, #tpu.memory_space<semaphore_mem>>, %arg12: memref<!tpu.dma_semaphore, #tpu.memory_space<semaphore_mem>>, %arg13: memref<!tpu.dma_semaphore, #tpu.memory_space<semaphore_mem>>, %arg14: memref<!tpu.dma_semaphore, #tpu.memory_space<semaphore_mem>>, %arg15: memref<!tpu.dma_semaphore, #tpu.memory_space<semaphore_mem>>, %arg16: memref<!tpu.dma_semaphore, #tpu.memory_space<semaphore_mem>>, %arg17: memref<!tpu.dma_semaphore, #tpu.memory_space<semaphore_mem>>, %arg18: memref<!tpu.dma_semaphore, #tpu.memory_space<semaphore_mem>>, %arg19: memref<!tpu.dma_semaphore, #tpu.memory_space<semaphore_mem>>) attributes {dimension_semantics = [#tpu.dimension_semantics<core_parallel>, #tpu.dimension_semantics<subcore_parallel>], iteration_bounds = array<i64: 2, 16>, scalar_prefetch = 0 : i64, scratch_operands = 15 : i64, tpu.core_type = #tpu.core_type<sc_vector_subcore>, window_params = [{transform_indices = #map}, {transform_indices = #map1}, {transform_indices = #map}]} {
    %mul3A = arith.constant 2 : i32
    %mul3A_0 = arith.muli %arg1, %mul3A : i32
    %add3A = arith.addi %mul3A_0, %arg0 : i32
    %mul3A_1 = arith.constant 2048 : i32
    %mul3A_2 = arith.muli %add3A, %mul3A_1 : i32
    %add3A_3 = arith.constant 0 : i32
    %add3A_4 = arith.addi %mul3A_2, %add3A_3 : i32
    %dma_start3A = tpu.memref_slice %arg3[%add3A_4] : memref<65536xi32, #tpu.memory_space<hbm>> -> memref<256xi32, #tpu.memory_space<hbm>>
    %dma_start3A_5 = tpu.memref_slice %arg3[%add3A_4] : memref<65536xi32, #tpu.memory_space<hbm>> -> memref<256xi32, #tpu.memory_space<hbm>>
    tpu.enqueue_dma source(%dma_start3A_5 : memref<256xi32, #tpu.memory_space<hbm>>) target(%arg5 : memref<256xi32, #tpu.memory_space<vmem>>) target_semaphore(%arg11 : memref<!tpu.dma_semaphore, #tpu.memory_space<semaphore_mem>>)
    %add3A_6 = arith.constant 256 : i32
    %add3A_7 = arith.addi %mul3A_2, %add3A_6 : i32
    %dma_start3A_8 = tpu.memref_slice %arg3[%add3A_7] : memref<65536xi32, #tpu.memory_space<hbm>> -> memref<256xi32, #tpu.memory_space<hbm>>
    %dma_start3A_9 = tpu.memref_slice %arg3[%add3A_7] : memref<65536xi32, #tpu.memory_space<hbm>> -> memref<256xi32, #tpu.memory_space<hbm>>
    tpu.enqueue_dma source(%dma_start3A_9 : memref<256xi32, #tpu.memory_space<hbm>>) target(%arg6 : memref<256xi32, #tpu.memory_space<vmem>>) target_semaphore(%arg12 : memref<!tpu.dma_semaphore, #tpu.memory_space<semaphore_mem>>)
    %add3A_10 = arith.constant 512 : i32
    %add3A_11 = arith.addi %mul3A_2, %add3A_10 : i32
    %dma_start3A_12 = tpu.memref_slice %arg3[%add3A_11] : memref<65536xi32, #tpu.memory_space<hbm>> -> memref<256xi32, #tpu.memory_space<hbm>>
    %dma_start3A_13 = tpu.memref_slice %arg3[%add3A_11] : memref<65536xi32, #tpu.memory_space<hbm>> -> memref<256xi32, #tpu.memory_space<hbm>>
    tpu.enqueue_dma source(%dma_start3A_13 : memref<256xi32, #tpu.memory_space<hbm>>) target(%arg7 : memref<256xi32, #tpu.memory_space<vmem>>) target_semaphore(%arg13 : memref<!tpu.dma_semaphore, #tpu.memory_space<semaphore_mem>>)
    %dma_wait3A = tpu.memref_slice %arg3[%add3A_4] : memref<65536xi32, #tpu.memory_space<hbm>> -> memref<256xi32, #tpu.memory_space<hbm>>
    %dma_wait3A_14 = tpu.memref_slice %arg3[%add3A_4] : memref<65536xi32, #tpu.memory_space<hbm>> -> memref<256xi32, #tpu.memory_space<hbm>>
    tpu.wait_dma2 semaphore(%arg11 : memref<!tpu.dma_semaphore, #tpu.memory_space<semaphore_mem>>) src(%dma_wait3A_14 : memref<256xi32, #tpu.memory_space<hbm>>) dst(%arg5 : memref<256xi32, #tpu.memory_space<vmem>>)
    %dma_start3A_15 = arith.constant 0 : i32
    %dma_start3A_16 = arith.constant 0 : i32
    %dma_start3A_17 = tpu.memref_slice %arg2[%dma_start3A_15, %dma_start3A_16] : memref<4096x128xf32, #tpu.memory_space<hbm>> -> memref<4096x128xf32, #tpu.memory_space<hbm>>
    tpu.enqueue_indirect_dma source(%dma_start3A_17 : memref<4096x128xf32, #tpu.memory_space<hbm>>) target(%arg8 : memref<256x128xf32, #tpu.memory_space<vmem>>) offsets(%arg5 : memref<256xi32, #tpu.memory_space<vmem>>) semaphore(%arg14 : memref<!tpu.dma_semaphore, #tpu.memory_space<semaphore_mem>>)
    %dma_wait3A_18 = arith.constant 0 : i32
    %dma_wait3A_19 = arith.constant 0 : i32
    %dma_wait3A_20 = tpu.memref_slice %arg2[%dma_wait3A_18, %dma_wait3A_19] : memref<4096x128xf32, #tpu.memory_space<hbm>> -> memref<4096x128xf32, #tpu.memory_space<hbm>>
    tpu.wait_indirect_dma semaphore(%arg14 : memref<!tpu.dma_semaphore, #tpu.memory_space<semaphore_mem>>) src(%dma_wait3A_20 : memref<4096x128xf32, #tpu.memory_space<hbm>>) dst(%arg8 : memref<256x128xf32, #tpu.memory_space<vmem>>)
    %add3A_21 = arith.constant 768 : i32
    %add3A_22 = arith.addi %mul3A_2, %add3A_21 : i32
    %dma_start3A_23 = tpu.memref_slice %arg3[%add3A_22] : memref<65536xi32, #tpu.memory_space<hbm>> -> memref<256xi32, #tpu.memory_space<hbm>>
    %dma_start3A_24 = tpu.memref_slice %arg3[%add3A_22] : memref<65536xi32, #tpu.memory_space<hbm>> -> memref<256xi32, #tpu.memory_space<hbm>>
    tpu.enqueue_dma source(%dma_start3A_24 : memref<256xi32, #tpu.memory_space<hbm>>) target(%arg5 : memref<256xi32, #tpu.memory_space<vmem>>) target_semaphore(%arg11 : memref<!tpu.dma_semaphore, #tpu.memory_space<semaphore_mem>>)
    %add3A_25 = arith.constant 0 : i32
    %add3A_26 = arith.addi %mul3A_2, %add3A_25 : i32
    %dma_start3A_27 = arith.constant 0 : i32
    %dma_start3A_28 = tpu.memref_slice %arg4[%add3A_26, %dma_start3A_27] : memref<65536x128xf32, #tpu.memory_space<hbm>> -> memref<256x128xf32, #tpu.memory_space<hbm>>
    %dma_start3A_29 = arith.constant 0 : i32
    %dma_start3A_30 = tpu.memref_slice %arg4[%add3A_26, %dma_start3A_29] : memref<65536x128xf32, #tpu.memory_space<hbm>> -> memref<256x128xf32, #tpu.memory_space<hbm>>
    tpu.enqueue_dma source(%arg8 : memref<256x128xf32, #tpu.memory_space<vmem>>) target(%dma_start3A_30 : memref<256x128xf32, #tpu.memory_space<hbm>>) target_semaphore(%arg17 : memref<!tpu.dma_semaphore, #tpu.memory_space<semaphore_mem>>)
    %dma_wait3A_31 = tpu.memref_slice %arg3[%add3A_7] : memref<65536xi32, #tpu.memory_space<hbm>> -> memref<256xi32, #tpu.memory_space<hbm>>
    %dma_wait3A_32 = tpu.memref_slice %arg3[%add3A_7] : memref<65536xi32, #tpu.memory_space<hbm>> -> memref<256xi32, #tpu.memory_space<hbm>>
    tpu.wait_dma2 semaphore(%arg12 : memref<!tpu.dma_semaphore, #tpu.memory_space<semaphore_mem>>) src(%dma_wait3A_32 : memref<256xi32, #tpu.memory_space<hbm>>) dst(%arg6 : memref<256xi32, #tpu.memory_space<vmem>>)
    %dma_start3A_33 = arith.constant 0 : i32
    %dma_start3A_34 = arith.constant 0 : i32
    %dma_start3A_35 = tpu.memref_slice %arg2[%dma_start3A_33, %dma_start3A_34] : memref<4096x128xf32, #tpu.memory_space<hbm>> -> memref<4096x128xf32, #tpu.memory_space<hbm>>
    tpu.enqueue_indirect_dma source(%dma_start3A_35 : memref<4096x128xf32, #tpu.memory_space<hbm>>) target(%arg9 : memref<256x128xf32, #tpu.memory_space<vmem>>) offsets(%arg6 : memref<256xi32, #tpu.memory_space<vmem>>) semaphore(%arg15 : memref<!tpu.dma_semaphore, #tpu.memory_space<semaphore_mem>>)
    %dma_wait3A_36 = arith.constant 0 : i32
    %dma_wait3A_37 = arith.constant 0 : i32
    %dma_wait3A_38 = tpu.memref_slice %arg2[%dma_wait3A_36, %dma_wait3A_37] : memref<4096x128xf32, #tpu.memory_space<hbm>> -> memref<4096x128xf32, #tpu.memory_space<hbm>>
    tpu.wait_indirect_dma semaphore(%arg15 : memref<!tpu.dma_semaphore, #tpu.memory_space<semaphore_mem>>) src(%dma_wait3A_38 : memref<4096x128xf32, #tpu.memory_space<hbm>>) dst(%arg9 : memref<256x128xf32, #tpu.memory_space<vmem>>)
    %add3A_39 = arith.constant 1024 : i32
    %add3A_40 = arith.addi %mul3A_2, %add3A_39 : i32
    %dma_start3A_41 = tpu.memref_slice %arg3[%add3A_40] : memref<65536xi32, #tpu.memory_space<hbm>> -> memref<256xi32, #tpu.memory_space<hbm>>
    %dma_start3A_42 = tpu.memref_slice %arg3[%add3A_40] : memref<65536xi32, #tpu.memory_space<hbm>> -> memref<256xi32, #tpu.memory_space<hbm>>
    tpu.enqueue_dma source(%dma_start3A_42 : memref<256xi32, #tpu.memory_space<hbm>>) target(%arg6 : memref<256xi32, #tpu.memory_space<vmem>>) target_semaphore(%arg12 : memref<!tpu.dma_semaphore, #tpu.memory_space<semaphore_mem>>)
    %add3A_43 = arith.constant 256 : i32
    %add3A_44 = arith.addi %mul3A_2, %add3A_43 : i32
    %dma_start3A_45 = arith.constant 0 : i32
    %dma_start3A_46 = tpu.memref_slice %arg4[%add3A_44, %dma_start3A_45] : memref<65536x128xf32, #tpu.memory_space<hbm>> -> memref<256x128xf32, #tpu.memory_space<hbm>>
    %dma_start3A_47 = arith.constant 0 : i32
    %dma_start3A_48 = tpu.memref_slice %arg4[%add3A_44, %dma_start3A_47] : memref<65536x128xf32, #tpu.memory_space<hbm>> -> memref<256x128xf32, #tpu.memory_space<hbm>>
    tpu.enqueue_dma source(%arg9 : memref<256x128xf32, #tpu.memory_space<vmem>>) target(%dma_start3A_48 : memref<256x128xf32, #tpu.memory_space<hbm>>) target_semaphore(%arg18 : memref<!tpu.dma_semaphore, #tpu.memory_space<semaphore_mem>>)
    %dma_wait3A_49 = tpu.memref_slice %arg3[%add3A_11] : memref<65536xi32, #tpu.memory_space<hbm>> -> memref<256xi32, #tpu.memory_space<hbm>>
    %dma_wait3A_50 = tpu.memref_slice %arg3[%add3A_11] : memref<65536xi32, #tpu.memory_space<hbm>> -> memref<256xi32, #tpu.memory_space<hbm>>
    tpu.wait_dma2 semaphore(%arg13 : memref<!tpu.dma_semaphore, #tpu.memory_space<semaphore_mem>>) src(%dma_wait3A_50 : memref<256xi32, #tpu.memory_space<hbm>>) dst(%arg7 : memref<256xi32, #tpu.memory_space<vmem>>)
    %dma_start3A_51 = arith.constant 0 : i32
    %dma_start3A_52 = arith.constant 0 : i32
    %dma_start3A_53 = tpu.memref_slice %arg2[%dma_start3A_51, %dma_start3A_52] : memref<4096x128xf32, #tpu.memory_space<hbm>> -> memref<4096x128xf32, #tpu.memory_space<hbm>>
    tpu.enqueue_indirect_dma source(%dma_start3A_53 : memref<4096x128xf32, #tpu.memory_space<hbm>>) target(%arg10 : memref<256x128xf32, #tpu.memory_space<vmem>>) offsets(%arg7 : memref<256xi32, #tpu.memory_space<vmem>>) semaphore(%arg16 : memref<!tpu.dma_semaphore, #tpu.memory_space<semaphore_mem>>)
    %dma_wait3A_54 = arith.constant 0 : i32
    %dma_wait3A_55 = arith.constant 0 : i32
    %dma_wait3A_56 = tpu.memref_slice %arg2[%dma_wait3A_54, %dma_wait3A_55] : memref<4096x128xf32, #tpu.memory_space<hbm>> -> memref<4096x128xf32, #tpu.memory_space<hbm>>
    tpu.wait_indirect_dma semaphore(%arg16 : memref<!tpu.dma_semaphore, #tpu.memory_space<semaphore_mem>>) src(%dma_wait3A_56 : memref<4096x128xf32, #tpu.memory_space<hbm>>) dst(%arg10 : memref<256x128xf32, #tpu.memory_space<vmem>>)
    %add3A_57 = arith.constant 1280 : i32
    %add3A_58 = arith.addi %mul3A_2, %add3A_57 : i32
    %dma_start3A_59 = tpu.memref_slice %arg3[%add3A_58] : memref<65536xi32, #tpu.memory_space<hbm>> -> memref<256xi32, #tpu.memory_space<hbm>>
    %dma_start3A_60 = tpu.memref_slice %arg3[%add3A_58] : memref<65536xi32, #tpu.memory_space<hbm>> -> memref<256xi32, #tpu.memory_space<hbm>>
    tpu.enqueue_dma source(%dma_start3A_60 : memref<256xi32, #tpu.memory_space<hbm>>) target(%arg7 : memref<256xi32, #tpu.memory_space<vmem>>) target_semaphore(%arg13 : memref<!tpu.dma_semaphore, #tpu.memory_space<semaphore_mem>>)
    %add3A_61 = arith.constant 512 : i32
    %add3A_62 = arith.addi %mul3A_2, %add3A_61 : i32
    %dma_start3A_63 = arith.constant 0 : i32
    %dma_start3A_64 = tpu.memref_slice %arg4[%add3A_62, %dma_start3A_63] : memref<65536x128xf32, #tpu.memory_space<hbm>> -> memref<256x128xf32, #tpu.memory_space<hbm>>
    %dma_start3A_65 = arith.constant 0 : i32
    %dma_start3A_66 = tpu.memref_slice %arg4[%add3A_62, %dma_start3A_65] : memref<65536x128xf32, #tpu.memory_space<hbm>> -> memref<256x128xf32, #tpu.memory_space<hbm>>
    tpu.enqueue_dma source(%arg10 : memref<256x128xf32, #tpu.memory_space<vmem>>) target(%dma_start3A_66 : memref<256x128xf32, #tpu.memory_space<hbm>>) target_semaphore(%arg19 : memref<!tpu.dma_semaphore, #tpu.memory_space<semaphore_mem>>)
    %dma_wait3A_67 = tpu.memref_slice %arg3[%add3A_22] : memref<65536xi32, #tpu.memory_space<hbm>> -> memref<256xi32, #tpu.memory_space<hbm>>
    %dma_wait3A_68 = tpu.memref_slice %arg3[%add3A_22] : memref<65536xi32, #tpu.memory_space<hbm>> -> memref<256xi32, #tpu.memory_space<hbm>>
    tpu.wait_dma2 semaphore(%arg11 : memref<!tpu.dma_semaphore, #tpu.memory_space<semaphore_mem>>) src(%dma_wait3A_68 : memref<256xi32, #tpu.memory_space<hbm>>) dst(%arg5 : memref<256xi32, #tpu.memory_space<vmem>>)
    %dma_wait3A_69 = arith.constant 0 : i32
    %dma_wait3A_70 = tpu.memref_slice %arg4[%add3A_26, %dma_wait3A_69] : memref<65536x128xf32, #tpu.memory_space<hbm>> -> memref<256x128xf32, #tpu.memory_space<hbm>>
    %dma_wait3A_71 = arith.constant 0 : i32
    %dma_wait3A_72 = tpu.memref_slice %arg4[%add3A_26, %dma_wait3A_71] : memref<65536x128xf32, #tpu.memory_space<hbm>> -> memref<256x128xf32, #tpu.memory_space<hbm>>
    tpu.wait_dma2 semaphore(%arg17 : memref<!tpu.dma_semaphore, #tpu.memory_space<semaphore_mem>>) src(%arg8 : memref<256x128xf32, #tpu.memory_space<vmem>>) dst(%dma_wait3A_72 : memref<256x128xf32, #tpu.memory_space<hbm>>)
    %dma_start3A_73 = arith.constant 0 : i32
    %dma_start3A_74 = arith.constant 0 : i32
    %dma_start3A_75 = tpu.memref_slice %arg2[%dma_start3A_73, %dma_start3A_74] : memref<4096x128xf32, #tpu.memory_space<hbm>> -> memref<4096x128xf32, #tpu.memory_space<hbm>>
    tpu.enqueue_indirect_dma source(%dma_start3A_75 : memref<4096x128xf32, #tpu.memory_space<hbm>>) target(%arg8 : memref<256x128xf32, #tpu.memory_space<vmem>>) offsets(%arg5 : memref<256xi32, #tpu.memory_space<vmem>>) semaphore(%arg14 : memref<!tpu.dma_semaphore, #tpu.memory_space<semaphore_mem>>)
    %dma_wait3A_76 = arith.constant 0 : i32
    %dma_wait3A_77 = arith.constant 0 : i32
    %dma_wait3A_78 = tpu.memref_slice %arg2[%dma_wait3A_76, %dma_wait3A_77] : memref<4096x128xf32, #tpu.memory_space<hbm>> -> memref<4096x128xf32, #tpu.memory_space<hbm>>
    tpu.wait_indirect_dma semaphore(%arg14 : memref<!tpu.dma_semaphore, #tpu.memory_space<semaphore_mem>>) src(%dma_wait3A_78 : memref<4096x128xf32, #tpu.memory_space<hbm>>) dst(%arg8 : memref<256x128xf32, #tpu.memory_space<vmem>>)
    %add3A_79 = arith.constant 1536 : i32
    %add3A_80 = arith.addi %mul3A_2, %add3A_79 : i32
    %dma_start3A_81 = tpu.memref_slice %arg3[%add3A_80] : memref<65536xi32, #tpu.memory_space<hbm>> -> memref<256xi32, #tpu.memory_space<hbm>>
    %dma_start3A_82 = tpu.memref_slice %arg3[%add3A_80] : memref<65536xi32, #tpu.memory_space<hbm>> -> memref<256xi32, #tpu.memory_space<hbm>>
    tpu.enqueue_dma source(%dma_start3A_82 : memref<256xi32, #tpu.memory_space<hbm>>) target(%arg5 : memref<256xi32, #tpu.memory_space<vmem>>) target_semaphore(%arg11 : memref<!tpu.dma_semaphore, #tpu.memory_space<semaphore_mem>>)
    %add3A_83 = arith.constant 768 : i32
    %add3A_84 = arith.addi %mul3A_2, %add3A_83 : i32
    %dma_start3A_85 = arith.constant 0 : i32
    %dma_start3A_86 = tpu.memref_slice %arg4[%add3A_84, %dma_start3A_85] : memref<65536x128xf32, #tpu.memory_space<hbm>> -> memref<256x128xf32, #tpu.memory_space<hbm>>
    %dma_start3A_87 = arith.constant 0 : i32
    %dma_start3A_88 = tpu.memref_slice %arg4[%add3A_84, %dma_start3A_87] : memref<65536x128xf32, #tpu.memory_space<hbm>> -> memref<256x128xf32, #tpu.memory_space<hbm>>
    tpu.enqueue_dma source(%arg8 : memref<256x128xf32, #tpu.memory_space<vmem>>) target(%dma_start3A_88 : memref<256x128xf32, #tpu.memory_space<hbm>>) target_semaphore(%arg17 : memref<!tpu.dma_semaphore, #tpu.memory_space<semaphore_mem>>)
    %dma_wait3A_89 = tpu.memref_slice %arg3[%add3A_40] : memref<65536xi32, #tpu.memory_space<hbm>> -> memref<256xi32, #tpu.memory_space<hbm>>
    %dma_wait3A_90 = tpu.memref_slice %arg3[%add3A_40] : memref<65536xi32, #tpu.memory_space<hbm>> -> memref<256xi32, #tpu.memory_space<hbm>>
    tpu.wait_dma2 semaphore(%arg12 : memref<!tpu.dma_semaphore, #tpu.memory_space<semaphore_mem>>) src(%dma_wait3A_90 : memref<256xi32, #tpu.memory_space<hbm>>) dst(%arg6 : memref<256xi32, #tpu.memory_space<vmem>>)
    %dma_wait3A_91 = arith.constant 0 : i32
    %dma_wait3A_92 = tpu.memref_slice %arg4[%add3A_44, %dma_wait3A_91] : memref<65536x128xf32, #tpu.memory_space<hbm>> -> memref<256x128xf32, #tpu.memory_space<hbm>>
    %dma_wait3A_93 = arith.constant 0 : i32
    %dma_wait3A_94 = tpu.memref_slice %arg4[%add3A_44, %dma_wait3A_93] : memref<65536x128xf32, #tpu.memory_space<hbm>> -> memref<256x128xf32, #tpu.memory_space<hbm>>
    tpu.wait_dma2 semaphore(%arg18 : memref<!tpu.dma_semaphore, #tpu.memory_space<semaphore_mem>>) src(%arg9 : memref<256x128xf32, #tpu.memory_space<vmem>>) dst(%dma_wait3A_94 : memref<256x128xf32, #tpu.memory_space<hbm>>)
    %dma_start3A_95 = arith.constant 0 : i32
    %dma_start3A_96 = arith.constant 0 : i32
    %dma_start3A_97 = tpu.memref_slice %arg2[%dma_start3A_95, %dma_start3A_96] : memref<4096x128xf32, #tpu.memory_space<hbm>> -> memref<4096x128xf32, #tpu.memory_space<hbm>>
    tpu.enqueue_indirect_dma source(%dma_start3A_97 : memref<4096x128xf32, #tpu.memory_space<hbm>>) target(%arg9 : memref<256x128xf32, #tpu.memory_space<vmem>>) offsets(%arg6 : memref<256xi32, #tpu.memory_space<vmem>>) semaphore(%arg15 : memref<!tpu.dma_semaphore, #tpu.memory_space<semaphore_mem>>)
    %dma_wait3A_98 = arith.constant 0 : i32
    %dma_wait3A_99 = arith.constant 0 : i32
    %dma_wait3A_100 = tpu.memref_slice %arg2[%dma_wait3A_98, %dma_wait3A_99] : memref<4096x128xf32, #tpu.memory_space<hbm>> -> memref<4096x128xf32, #tpu.memory_space<hbm>>
    tpu.wait_indirect_dma semaphore(%arg15 : memref<!tpu.dma_semaphore, #tpu.memory_space<semaphore_mem>>) src(%dma_wait3A_100 : memref<4096x128xf32, #tpu.memory_space<hbm>>) dst(%arg9 : memref<256x128xf32, #tpu.memory_space<vmem>>)
    %add3A_101 = arith.constant 1792 : i32
    %add3A_102 = arith.addi %mul3A_2, %add3A_101 : i32
    %dma_start3A_103 = tpu.memref_slice %arg3[%add3A_102] : memref<65536xi32, #tpu.memory_space<hbm>> -> memref<256xi32, #tpu.memory_space<hbm>>
    %dma_start3A_104 = tpu.memref_slice %arg3[%add3A_102] : memref<65536xi32, #tpu.memory_space<hbm>> -> memref<256xi32, #tpu.memory_space<hbm>>
    tpu.enqueue_dma source(%dma_start3A_104 : memref<256xi32, #tpu.memory_space<hbm>>) target(%arg6 : memref<256xi32, #tpu.memory_space<vmem>>) target_semaphore(%arg12 : memref<!tpu.dma_semaphore, #tpu.memory_space<semaphore_mem>>)
    %add3A_105 = arith.constant 1024 : i32
    %add3A_106 = arith.addi %mul3A_2, %add3A_105 : i32
    %dma_start3A_107 = arith.constant 0 : i32
    %dma_start3A_108 = tpu.memref_slice %arg4[%add3A_106, %dma_start3A_107] : memref<65536x128xf32, #tpu.memory_space<hbm>> -> memref<256x128xf32, #tpu.memory_space<hbm>>
    %dma_start3A_109 = arith.constant 0 : i32
    %dma_start3A_110 = tpu.memref_slice %arg4[%add3A_106, %dma_start3A_109] : memref<65536x128xf32, #tpu.memory_space<hbm>> -> memref<256x128xf32, #tpu.memory_space<hbm>>
    tpu.enqueue_dma source(%arg9 : memref<256x128xf32, #tpu.memory_space<vmem>>) target(%dma_start3A_110 : memref<256x128xf32, #tpu.memory_space<hbm>>) target_semaphore(%arg18 : memref<!tpu.dma_semaphore, #tpu.memory_space<semaphore_mem>>)
    %dma_wait3A_111 = tpu.memref_slice %arg3[%add3A_58] : memref<65536xi32, #tpu.memory_space<hbm>> -> memref<256xi32, #tpu.memory_space<hbm>>
    %dma_wait3A_112 = tpu.memref_slice %arg3[%add3A_58] : memref<65536xi32, #tpu.memory_space<hbm>> -> memref<256xi32, #tpu.memory_space<hbm>>
    tpu.wait_dma2 semaphore(%arg13 : memref<!tpu.dma_semaphore, #tpu.memory_space<semaphore_mem>>) src(%dma_wait3A_112 : memref<256xi32, #tpu.memory_space<hbm>>) dst(%arg7 : memref<256xi32, #tpu.memory_space<vmem>>)
    %dma_wait3A_113 = arith.constant 0 : i32
    %dma_wait3A_114 = tpu.memref_slice %arg4[%add3A_62, %dma_wait3A_113] : memref<65536x128xf32, #tpu.memory_space<hbm>> -> memref<256x128xf32, #tpu.memory_space<hbm>>
    %dma_wait3A_115 = arith.constant 0 : i32
    %dma_wait3A_116 = tpu.memref_slice %arg4[%add3A_62, %dma_wait3A_115] : memref<65536x128xf32, #tpu.memory_space<hbm>> -> memref<256x128xf32, #tpu.memory_space<hbm>>
    tpu.wait_dma2 semaphore(%arg19 : memref<!tpu.dma_semaphore, #tpu.memory_space<semaphore_mem>>) src(%arg10 : memref<256x128xf32, #tpu.memory_space<vmem>>) dst(%dma_wait3A_116 : memref<256x128xf32, #tpu.memory_space<hbm>>)
    %dma_start3A_117 = arith.constant 0 : i32
    %dma_start3A_118 = arith.constant 0 : i32
    %dma_start3A_119 = tpu.memref_slice %arg2[%dma_start3A_117, %dma_start3A_118] : memref<4096x128xf32, #tpu.memory_space<hbm>> -> memref<4096x128xf32, #tpu.memory_space<hbm>>
    tpu.enqueue_indirect_dma source(%dma_start3A_119 : memref<4096x128xf32, #tpu.memory_space<hbm>>) target(%arg10 : memref<256x128xf32, #tpu.memory_space<vmem>>) offsets(%arg7 : memref<256xi32, #tpu.memory_space<vmem>>) semaphore(%arg16 : memref<!tpu.dma_semaphore, #tpu.memory_space<semaphore_mem>>)
    %dma_wait3A_120 = arith.constant 0 : i32
    %dma_wait3A_121 = arith.constant 0 : i32
    %dma_wait3A_122 = tpu.memref_slice %arg2[%dma_wait3A_120, %dma_wait3A_121] : memref<4096x128xf32, #tpu.memory_space<hbm>> -> memref<4096x128xf32, #tpu.memory_space<hbm>>
    tpu.wait_indirect_dma semaphore(%arg16 : memref<!tpu.dma_semaphore, #tpu.memory_space<semaphore_mem>>) src(%dma_wait3A_122 : memref<4096x128xf32, #tpu.memory_space<hbm>>) dst(%arg10 : memref<256x128xf32, #tpu.memory_space<vmem>>)
    %add3A_123 = arith.constant 1280 : i32
    %add3A_124 = arith.addi %mul3A_2, %add3A_123 : i32
    %dma_start3A_125 = arith.constant 0 : i32
    %dma_start3A_126 = tpu.memref_slice %arg4[%add3A_124, %dma_start3A_125] : memref<65536x128xf32, #tpu.memory_space<hbm>> -> memref<256x128xf32, #tpu.memory_space<hbm>>
    %dma_start3A_127 = arith.constant 0 : i32
    %dma_start3A_128 = tpu.memref_slice %arg4[%add3A_124, %dma_start3A_127] : memref<65536x128xf32, #tpu.memory_space<hbm>> -> memref<256x128xf32, #tpu.memory_space<hbm>>
    tpu.enqueue_dma source(%arg10 : memref<256x128xf32, #tpu.memory_space<vmem>>) target(%dma_start3A_128 : memref<256x128xf32, #tpu.memory_space<hbm>>) target_semaphore(%arg19 : memref<!tpu.dma_semaphore, #tpu.memory_space<semaphore_mem>>)
    %dma_wait3A_129 = tpu.memref_slice %arg3[%add3A_80] : memref<65536xi32, #tpu.memory_space<hbm>> -> memref<256xi32, #tpu.memory_space<hbm>>
    %dma_wait3A_130 = tpu.memref_slice %arg3[%add3A_80] : memref<65536xi32, #tpu.memory_space<hbm>> -> memref<256xi32, #tpu.memory_space<hbm>>
    tpu.wait_dma2 semaphore(%arg11 : memref<!tpu.dma_semaphore, #tpu.memory_space<semaphore_mem>>) src(%dma_wait3A_130 : memref<256xi32, #tpu.memory_space<hbm>>) dst(%arg5 : memref<256xi32, #tpu.memory_space<vmem>>)
    %dma_wait3A_131 = arith.constant 0 : i32
    %dma_wait3A_132 = tpu.memref_slice %arg4[%add3A_84, %dma_wait3A_131] : memref<65536x128xf32, #tpu.memory_space<hbm>> -> memref<256x128xf32, #tpu.memory_space<hbm>>
    %dma_wait3A_133 = arith.constant 0 : i32
    %dma_wait3A_134 = tpu.memref_slice %arg4[%add3A_84, %dma_wait3A_133] : memref<65536x128xf32, #tpu.memory_space<hbm>> -> memref<256x128xf32, #tpu.memory_space<hbm>>
    tpu.wait_dma2 semaphore(%arg17 : memref<!tpu.dma_semaphore, #tpu.memory_space<semaphore_mem>>) src(%arg8 : memref<256x128xf32, #tpu.memory_space<vmem>>) dst(%dma_wait3A_134 : memref<256x128xf32, #tpu.memory_space<hbm>>)
    %dma_start3A_135 = arith.constant 0 : i32
    %dma_start3A_136 = arith.constant 0 : i32
    %dma_start3A_137 = tpu.memref_slice %arg2[%dma_start3A_135, %dma_start3A_136] : memref<4096x128xf32, #tpu.memory_space<hbm>> -> memref<4096x128xf32, #tpu.memory_space<hbm>>
    tpu.enqueue_indirect_dma source(%dma_start3A_137 : memref<4096x128xf32, #tpu.memory_space<hbm>>) target(%arg8 : memref<256x128xf32, #tpu.memory_space<vmem>>) offsets(%arg5 : memref<256xi32, #tpu.memory_space<vmem>>) semaphore(%arg14 : memref<!tpu.dma_semaphore, #tpu.memory_space<semaphore_mem>>)
    %dma_wait3A_138 = arith.constant 0 : i32
    %dma_wait3A_139 = arith.constant 0 : i32
    %dma_wait3A_140 = tpu.memref_slice %arg2[%dma_wait3A_138, %dma_wait3A_139] : memref<4096x128xf32, #tpu.memory_space<hbm>> -> memref<4096x128xf32, #tpu.memory_space<hbm>>
    tpu.wait_indirect_dma semaphore(%arg14 : memref<!tpu.dma_semaphore, #tpu.memory_space<semaphore_mem>>) src(%dma_wait3A_140 : memref<4096x128xf32, #tpu.memory_space<hbm>>) dst(%arg8 : memref<256x128xf32, #tpu.memory_space<vmem>>)
    %add3A_141 = arith.constant 1536 : i32
    %add3A_142 = arith.addi %mul3A_2, %add3A_141 : i32
    %dma_start3A_143 = arith.constant 0 : i32
    %dma_start3A_144 = tpu.memref_slice %arg4[%add3A_142, %dma_start3A_143] : memref<65536x128xf32, #tpu.memory_space<hbm>> -> memref<256x128xf32, #tpu.memory_space<hbm>>
    %dma_start3A_145 = arith.constant 0 : i32
    %dma_start3A_146 = tpu.memref_slice %arg4[%add3A_142, %dma_start3A_145] : memref<65536x128xf32, #tpu.memory_space<hbm>> -> memref<256x128xf32, #tpu.memory_space<hbm>>
    tpu.enqueue_dma source(%arg8 : memref<256x128xf32, #tpu.memory_space<vmem>>) target(%dma_start3A_146 : memref<256x128xf32, #tpu.memory_space<hbm>>) target_semaphore(%arg17 : memref<!tpu.dma_semaphore, #tpu.memory_space<semaphore_mem>>)
    %dma_wait3A_147 = tpu.memref_slice %arg3[%add3A_102] : memref<65536xi32, #tpu.memory_space<hbm>> -> memref<256xi32, #tpu.memory_space<hbm>>
    %dma_wait3A_148 = tpu.memref_slice %arg3[%add3A_102] : memref<65536xi32, #tpu.memory_space<hbm>> -> memref<256xi32, #tpu.memory_space<hbm>>
    tpu.wait_dma2 semaphore(%arg12 : memref<!tpu.dma_semaphore, #tpu.memory_space<semaphore_mem>>) src(%dma_wait3A_148 : memref<256xi32, #tpu.memory_space<hbm>>) dst(%arg6 : memref<256xi32, #tpu.memory_space<vmem>>)
    %dma_wait3A_149 = arith.constant 0 : i32
    %dma_wait3A_150 = tpu.memref_slice %arg4[%add3A_106, %dma_wait3A_149] : memref<65536x128xf32, #tpu.memory_space<hbm>> -> memref<256x128xf32, #tpu.memory_space<hbm>>
    %dma_wait3A_151 = arith.constant 0 : i32
    %dma_wait3A_152 = tpu.memref_slice %arg4[%add3A_106, %dma_wait3A_151] : memref<65536x128xf32, #tpu.memory_space<hbm>> -> memref<256x128xf32, #tpu.memory_space<hbm>>
    tpu.wait_dma2 semaphore(%arg18 : memref<!tpu.dma_semaphore, #tpu.memory_space<semaphore_mem>>) src(%arg9 : memref<256x128xf32, #tpu.memory_space<vmem>>) dst(%dma_wait3A_152 : memref<256x128xf32, #tpu.memory_space<hbm>>)
    %dma_start3A_153 = arith.constant 0 : i32
    %dma_start3A_154 = arith.constant 0 : i32
    %dma_start3A_155 = tpu.memref_slice %arg2[%dma_start3A_153, %dma_start3A_154] : memref<4096x128xf32, #tpu.memory_space<hbm>> -> memref<4096x128xf32, #tpu.memory_space<hbm>>
    tpu.enqueue_indirect_dma source(%dma_start3A_155 : memref<4096x128xf32, #tpu.memory_space<hbm>>) target(%arg9 : memref<256x128xf32, #tpu.memory_space<vmem>>) offsets(%arg6 : memref<256xi32, #tpu.memory_space<vmem>>) semaphore(%arg15 : memref<!tpu.dma_semaphore, #tpu.memory_space<semaphore_mem>>)
    %dma_wait3A_156 = arith.constant 0 : i32
    %dma_wait3A_157 = arith.constant 0 : i32
    %dma_wait3A_158 = tpu.memref_slice %arg2[%dma_wait3A_156, %dma_wait3A_157] : memref<4096x128xf32, #tpu.memory_space<hbm>> -> memref<4096x128xf32, #tpu.memory_space<hbm>>
    tpu.wait_indirect_dma semaphore(%arg15 : memref<!tpu.dma_semaphore, #tpu.memory_space<semaphore_mem>>) src(%dma_wait3A_158 : memref<4096x128xf32, #tpu.memory_space<hbm>>) dst(%arg9 : memref<256x128xf32, #tpu.memory_space<vmem>>)
    %add3A_159 = arith.constant 1792 : i32
    %add3A_160 = arith.addi %mul3A_2, %add3A_159 : i32
    %dma_start3A_161 = arith.constant 0 : i32
    %dma_start3A_162 = tpu.memref_slice %arg4[%add3A_160, %dma_start3A_161] : memref<65536x128xf32, #tpu.memory_space<hbm>> -> memref<256x128xf32, #tpu.memory_space<hbm>>
    %dma_start3A_163 = arith.constant 0 : i32
    %dma_start3A_164 = tpu.memref_slice %arg4[%add3A_160, %dma_start3A_163] : memref<65536x128xf32, #tpu.memory_space<hbm>> -> memref<256x128xf32, #tpu.memory_space<hbm>>
    tpu.enqueue_dma source(%arg9 : memref<256x128xf32, #tpu.memory_space<vmem>>) target(%dma_start3A_164 : memref<256x128xf32, #tpu.memory_space<hbm>>) target_semaphore(%arg18 : memref<!tpu.dma_semaphore, #tpu.memory_space<semaphore_mem>>)
    %dma_wait3A_165 = arith.constant 0 : i32
    %dma_wait3A_166 = tpu.memref_slice %arg4[%add3A_124, %dma_wait3A_165] : memref<65536x128xf32, #tpu.memory_space<hbm>> -> memref<256x128xf32, #tpu.memory_space<hbm>>
    %dma_wait3A_167 = arith.constant 0 : i32
    %dma_wait3A_168 = tpu.memref_slice %arg4[%add3A_124, %dma_wait3A_167] : memref<65536x128xf32, #tpu.memory_space<hbm>> -> memref<256x128xf32, #tpu.memory_space<hbm>>
    tpu.wait_dma2 semaphore(%arg19 : memref<!tpu.dma_semaphore, #tpu.memory_space<semaphore_mem>>) src(%arg10 : memref<256x128xf32, #tpu.memory_space<vmem>>) dst(%dma_wait3A_168 : memref<256x128xf32, #tpu.memory_space<hbm>>)
    %dma_wait3A_169 = arith.constant 0 : i32
    %dma_wait3A_170 = tpu.memref_slice %arg4[%add3A_142, %dma_wait3A_169] : memref<65536x128xf32, #tpu.memory_space<hbm>> -> memref<256x128xf32, #tpu.memory_space<hbm>>
    %dma_wait3A_171 = arith.constant 0 : i32
    %dma_wait3A_172 = tpu.memref_slice %arg4[%add3A_142, %dma_wait3A_171] : memref<65536x128xf32, #tpu.memory_space<hbm>> -> memref<256x128xf32, #tpu.memory_space<hbm>>
    tpu.wait_dma2 semaphore(%arg17 : memref<!tpu.dma_semaphore, #tpu.memory_space<semaphore_mem>>) src(%arg8 : memref<256x128xf32, #tpu.memory_space<vmem>>) dst(%dma_wait3A_172 : memref<256x128xf32, #tpu.memory_space<hbm>>)
    %dma_wait3A_173 = arith.constant 0 : i32
    %dma_wait3A_174 = tpu.memref_slice %arg4[%add3A_160, %dma_wait3A_173] : memref<65536x128xf32, #tpu.memory_space<hbm>> -> memref<256x128xf32, #tpu.memory_space<hbm>>
    %dma_wait3A_175 = arith.constant 0 : i32
    %dma_wait3A_176 = tpu.memref_slice %arg4[%add3A_160, %dma_wait3A_175] : memref<65536x128xf32, #tpu.memory_space<hbm>> -> memref<256x128xf32, #tpu.memory_space<hbm>>
    tpu.wait_dma2 semaphore(%arg18 : memref<!tpu.dma_semaphore, #tpu.memory_space<semaphore_mem>>) src(%arg9 : memref<256x128xf32, #tpu.memory_space<vmem>>) dst(%dma_wait3A_176 : memref<256x128xf32, #tpu.memory_space<hbm>>)
    return
  }
}

#map = affine_map<(d0, d1) -> (0, 0)>
#map1 = affine_map<(d0, d1) -> (0)>
module attributes {stable_mosaic.version = 14 : i64} {
  func.func @gather_kernel(%arg0: i32, %arg1: i32, %arg2: memref<4096x128xf32, #tpu.memory_space<hbm>>, %arg3: memref<65536xi32, #tpu.memory_space<hbm>>, %arg4: memref<65536x128xf32, #tpu.memory_space<hbm>>, %arg5: memref<256xi32, #tpu.memory_space<vmem>>, %arg6: memref<256xi32, #tpu.memory_space<vmem>>, %arg7: memref<256xi32, #tpu.memory_space<vmem>>, %arg8: memref<256x128xf32, #tpu.memory_space<vmem>>, %arg9: memref<256x128xf32, #tpu.memory_space<vmem>>, %arg10: memref<256x128xf32, #tpu.memory_space<vmem>>, %arg11: memref<!tpu.dma_semaphore, #tpu.memory_space<semaphore_mem>>, %arg12: memref<!tpu.dma_semaphore, #tpu.memory_space<semaphore_mem>>, %arg13: memref<!tpu.dma_semaphore, #tpu.memory_space<semaphore_mem>>, %arg14: memref<!tpu.dma_semaphore, #tpu.memory_space<semaphore_mem>>, %arg15: memref<!tpu.dma_semaphore, #tpu.memory_space<semaphore_mem>>, %arg16: memref<!tpu.dma_semaphore, #tpu.memory_space<semaphore_mem>>, %arg17: memref<!tpu.dma_semaphore, #tpu.memory_space<semaphore_mem>>, %arg18: memref<!tpu.dma_semaphore, #tpu.memory_space<semaphore_mem>>, %arg19: memref<!tpu.dma_semaphore, #tpu.memory_space<semaphore_mem>>) attributes {dimension_semantics = [#tpu.dimension_semantics<core_parallel>, #tpu.dimension_semantics<subcore_parallel>], iteration_bounds = array<i64: 2, 16>, scalar_prefetch = 0 : i64, scratch_operands = 15 : i64, tpu.core_type = #tpu.core_type<sc_vector_subcore>, window_params = [{transform_indices = #map}, {transform_indices = #map1}, {transform_indices = #map}]} {
    %mul3A = arith.constant 2 : i32
    %mul3A_0 = arith.muli %arg1, %mul3A : i32
    %add3A = arith.addi %mul3A_0, %arg0 : i32
    %mul3A_1 = arith.constant 2048 : i32
    %mul3A_2 = arith.muli %add3A, %mul3A_1 : i32
    %add3A_3 = arith.constant 0 : i32
    %add3A_4 = arith.addi %mul3A_2, %add3A_3 : i32
    %dma_start3A = tpu.memref_slice %arg3[%add3A_4] : memref<65536xi32, #tpu.memory_space<hbm>> -> memref<256xi32, #tpu.memory_space<hbm>>
    %dma_start3A_5 = tpu.memref_slice %arg3[%add3A_4] : memref<65536xi32, #tpu.memory_space<hbm>> -> memref<256xi32, #tpu.memory_space<hbm>>
    tpu.enqueue_dma source(%dma_start3A_5 : memref<256xi32, #tpu.memory_space<hbm>>) target(%arg5 : memref<256xi32, #tpu.memory_space<vmem>>) target_semaphore(%arg11 : memref<!tpu.dma_semaphore, #tpu.memory_space<semaphore_mem>>)
    %add3A_6 = arith.constant 256 : i32
    %add3A_7 = arith.addi %mul3A_2, %add3A_6 : i32
    %dma_start3A_8 = tpu.memref_slice %arg3[%add3A_7] : memref<65536xi32, #tpu.memory_space<hbm>> -> memref<256xi32, #tpu.memory_space<hbm>>
    %dma_start3A_9 = tpu.memref_slice %arg3[%add3A_7] : memref<65536xi32, #tpu.memory_space<hbm>> -> memref<256xi32, #tpu.memory_space<hbm>>
    tpu.enqueue_dma source(%dma_start3A_9 : memref<256xi32, #tpu.memory_space<hbm>>) target(%arg6 : memref<256xi32, #tpu.memory_space<vmem>>) target_semaphore(%arg12 : memref<!tpu.dma_semaphore, #tpu.memory_space<semaphore_mem>>)
    %add3A_10 = arith.constant 512 : i32
    %add3A_11 = arith.addi %mul3A_2, %add3A_10 : i32
    %dma_start3A_12 = tpu.memref_slice %arg3[%add3A_11] : memref<65536xi32, #tpu.memory_space<hbm>> -> memref<256xi32, #tpu.memory_space<hbm>>
    %dma_start3A_13 = tpu.memref_slice %arg3[%add3A_11] : memref<65536xi32, #tpu.memory_space<hbm>> -> memref<256xi32, #tpu.memory_space<hbm>>
    tpu.enqueue_dma source(%dma_start3A_13 : memref<256xi32, #tpu.memory_space<hbm>>) target(%arg7 : memref<256xi32, #tpu.memory_space<vmem>>) target_semaphore(%arg13 : memref<!tpu.dma_semaphore, #tpu.memory_space<semaphore_mem>>)
    %dma_wait3A = tpu.memref_slice %arg3[%add3A_4] : memref<65536xi32, #tpu.memory_space<hbm>> -> memref<256xi32, #tpu.memory_space<hbm>>
    %dma_wait3A_14 = tpu.memref_slice %arg3[%add3A_4] : memref<65536xi32, #tpu.memory_space<hbm>> -> memref<256xi32, #tpu.memory_space<hbm>>
    tpu.wait_dma2 semaphore(%arg11 : memref<!tpu.dma_semaphore, #tpu.memory_space<semaphore_mem>>) src(%dma_wait3A_14 : memref<256xi32, #tpu.memory_space<hbm>>) dst(%arg5 : memref<256xi32, #tpu.memory_space<vmem>>)
    %dma_start3A_15 = arith.constant 0 : i32
    %dma_start3A_16 = arith.constant 0 : i32
    %dma_start3A_17 = tpu.memref_slice %arg2[%dma_start3A_15, %dma_start3A_16] : memref<4096x128xf32, #tpu.memory_space<hbm>> -> memref<4096x128xf32, #tpu.memory_space<hbm>>
    tpu.enqueue_indirect_dma source(%dma_start3A_17 : memref<4096x128xf32, #tpu.memory_space<hbm>>) target(%arg8 : memref<256x128xf32, #tpu.memory_space<vmem>>) offsets(%arg5 : memref<256xi32, #tpu.memory_space<vmem>>) semaphore(%arg14 : memref<!tpu.dma_semaphore, #tpu.memory_space<semaphore_mem>>)
    %dma_wait3A_18 = arith.constant 0 : i32
    %dma_wait3A_19 = arith.constant 0 : i32
    %dma_wait3A_20 = tpu.memref_slice %arg2[%dma_wait3A_18, %dma_wait3A_19] : memref<4096x128xf32, #tpu.memory_space<hbm>> -> memref<4096x128xf32, #tpu.memory_space<hbm>>
    tpu.wait_indirect_dma semaphore(%arg14 : memref<!tpu.dma_semaphore, #tpu.memory_space<semaphore_mem>>) src(%dma_wait3A_20 : memref<4096x128xf32, #tpu.memory_space<hbm>>) dst(%arg8 : memref<256x128xf32, #tpu.memory_space<vmem>>)
    %add3A_21 = arith.constant 768 : i32
    %add3A_22 = arith.addi %mul3A_2, %add3A_21 : i32
    %dma_start3A_23 = tpu.memref_slice %arg3[%add3A_22] : memref<65536xi32, #tpu.memory_space<hbm>> -> memref<256xi32, #tpu.memory_space<hbm>>
    %dma_start3A_24 = tpu.memref_slice %arg3[%add3A_22] : memref<65536xi32, #tpu.memory_space<hbm>> -> memref<256xi32, #tpu.memory_space<hbm>>
    tpu.enqueue_dma source(%dma_start3A_24 : memref<256xi32, #tpu.memory_space<hbm>>) target(%arg5 : memref<256xi32, #tpu.memory_space<vmem>>) target_semaphore(%arg11 : memref<!tpu.dma_semaphore, #tpu.memory_space<semaphore_mem>>)
    %add3A_25 = arith.constant 0 : i32
    %add3A_26 = arith.addi %mul3A_2, %add3A_25 : i32
    %dma_start3A_27 = arith.constant 0 : i32
    %dma_start3A_28 = tpu.memref_slice %arg4[%add3A_26, %dma_start3A_27] : memref<65536x128xf32, #tpu.memory_space<hbm>> -> memref<256x128xf32, #tpu.memory_space<hbm>>
    %dma_start3A_29 = arith.constant 0 : i32
    %dma_start3A_30 = tpu.memref_slice %arg4[%add3A_26, %dma_start3A_29] : memref<65536x128xf32, #tpu.memory_space<hbm>> -> memref<256x128xf32, #tpu.memory_space<hbm>>
    tpu.enqueue_dma source(%arg8 : memref<256x128xf32, #tpu.memory_space<vmem>>) target(%dma_start3A_30 : memref<256x128xf32, #tpu.memory_space<hbm>>) target_semaphore(%arg17 : memref<!tpu.dma_semaphore, #tpu.memory_space<semaphore_mem>>)
    %dma_wait3A_31 = tpu.memref_slice %arg3[%add3A_7] : memref<65536xi32, #tpu.memory_space<hbm>> -> memref<256xi32, #tpu.memory_space<hbm>>
    %dma_wait3A_32 = tpu.memref_slice %arg3[%add3A_7] : memref<65536xi32, #tpu.memory_space<hbm>> -> memref<256xi32, #tpu.memory_space<hbm>>
    tpu.wait_dma2 semaphore(%arg12 : memref<!tpu.dma_semaphore, #tpu.memory_space<semaphore_mem>>) src(%dma_wait3A_32 : memref<256xi32, #tpu.memory_space<hbm>>) dst(%arg6 : memref<256xi32, #tpu.memory_space<vmem>>)
    %dma_start3A_33 = arith.constant 0 : i32
    %dma_start3A_34 = arith.constant 0 : i32
    %dma_start3A_35 = tpu.memref_slice %arg2[%dma_start3A_33, %dma_start3A_34] : memref<4096x128xf32, #tpu.memory_space<hbm>> -> memref<4096x128xf32, #tpu.memory_space<hbm>>
    tpu.enqueue_indirect_dma source(%dma_start3A_35 : memref<4096x128xf32, #tpu.memory_space<hbm>>) target(%arg9 : memref<256x128xf32, #tpu.memory_space<vmem>>) offsets(%arg6 : memref<256xi32, #tpu.memory_space<vmem>>) semaphore(%arg15 : memref<!tpu.dma_semaphore, #tpu.memory_space<semaphore_mem>>)
    %dma_wait3A_36 = arith.constant 0 : i32
    %dma_wait3A_37 = arith.constant 0 : i32
    %dma_wait3A_38 = tpu.memref_slice %arg2[%dma_wait3A_36, %dma_wait3A_37] : memref<4096x128xf32, #tpu.memory_space<hbm>> -> memref<4096x128xf32, #tpu.memory_space<hbm>>
    tpu.wait_indirect_dma semaphore(%arg15 : memref<!tpu.dma_semaphore, #tpu.memory_space<semaphore_mem>>) src(%dma_wait3A_38 : memref<4096x128xf32, #tpu.memory_space<hbm>>) dst(%arg9 : memref<256x128xf32, #tpu.memory_space<vmem>>)
    %add3A_39 = arith.constant 1024 : i32
    %add3A_40 = arith.addi %mul3A_2, %add3A_39 : i32
    %dma_start3A_41 = tpu.memref_slice %arg3[%add3A_40] : memref<65536xi32, #tpu.memory_space<hbm>> -> memref<256xi32, #tpu.memory_space<hbm>>
    %dma_start3A_42 = tpu.memref_slice %arg3[%add3A_40] : memref<65536xi32, #tpu.memory_space<hbm>> -> memref<256xi32, #tpu.memory_space<hbm>>
    tpu.enqueue_dma source(%dma_start3A_42 : memref<256xi32, #tpu.memory_space<hbm>>) target(%arg6 : memref<256xi32, #tpu.memory_space<vmem>>) target_semaphore(%arg12 : memref<!tpu.dma_semaphore, #tpu.memory_space<semaphore_mem>>)
    %add3A_43 = arith.constant 256 : i32
    %add3A_44 = arith.addi %mul3A_2, %add3A_43 : i32
    %dma_start3A_45 = arith.constant 0 : i32
    %dma_start3A_46 = tpu.memref_slice %arg4[%add3A_44, %dma_start3A_45] : memref<65536x128xf32, #tpu.memory_space<hbm>> -> memref<256x128xf32, #tpu.memory_space<hbm>>
    %dma_start3A_47 = arith.constant 0 : i32
    %dma_start3A_48 = tpu.memref_slice %arg4[%add3A_44, %dma_start3A_47] : memref<65536x128xf32, #tpu.memory_space<hbm>> -> memref<256x128xf32, #tpu.memory_space<hbm>>
    tpu.enqueue_dma source(%arg9 : memref<256x128xf32, #tpu.memory_space<vmem>>) target(%dma_start3A_48 : memref<256x128xf32, #tpu.memory_space<hbm>>) target_semaphore(%arg18 : memref<!tpu.dma_semaphore, #tpu.memory_space<semaphore_mem>>)
    %dma_wait3A_49 = tpu.memref_slice %arg3[%add3A_11] : memref<65536xi32, #tpu.memory_space<hbm>> -> memref<256xi32, #tpu.memory_space<hbm>>
    %dma_wait3A_50 = tpu.memref_slice %arg3[%add3A_11] : memref<65536xi32, #tpu.memory_space<hbm>> -> memref<256xi32, #tpu.memory_space<hbm>>
    tpu.wait_dma2 semaphore(%arg13 : memref<!tpu.dma_semaphore, #tpu.memory_space<semaphore_mem>>) src(%dma_wait3A_50 : memref<256xi32, #tpu.memory_space<hbm>>) dst(%arg7 : memref<256xi32, #tpu.memory_space<vmem>>)
    %dma_start3A_51 = arith.constant 0 : i32
    %dma_start3A_52 = arith.constant 0 : i32
    %dma_start3A_53 = tpu.memref_slice %arg2[%dma_start3A_51, %dma_start3A_52] : memref<4096x128xf32, #tpu.memory_space<hbm>> -> memref<4096x128xf32, #tpu.memory_space<hbm>>
    tpu.enqueue_indirect_dma source(%dma_start3A_53 : memref<4096x128xf32, #tpu.memory_space<hbm>>) target(%arg10 : memref<256x128xf32, #tpu.memory_space<vmem>>) offsets(%arg7 : memref<256xi32, #tpu.memory_space<vmem>>) semaphore(%arg16 : memref<!tpu.dma_semaphore, #tpu.memory_space<semaphore_mem>>)
    %dma_wait3A_54 = arith.constant 0 : i32
    %dma_wait3A_55 = arith.constant 0 : i32
    %dma_wait3A_56 = tpu.memref_slice %arg2[%dma_wait3A_54, %dma_wait3A_55] : memref<4096x128xf32, #tpu.memory_space<hbm>> -> memref<4096x128xf32, #tpu.memory_space<hbm>>
    tpu.wait_indirect_dma semaphore(%arg16 : memref<!tpu.dma_semaphore, #tpu.memory_space<semaphore_mem>>) src(%dma_wait3A_56 : memref<4096x128xf32, #tpu.memory_space<hbm>>) dst(%arg10 : memref<256x128xf32, #tpu.memory_space<vmem>>)
    %add3A_57 = arith.constant 1280 : i32
    %add3A_58 = arith.addi %mul3A_2, %add3A_57 : i32
    %dma_start3A_59 = tpu.memref_slice %arg3[%add3A_58] : memref<65536xi32, #tpu.memory_space<hbm>> -> memref<256xi32, #tpu.memory_space<hbm>>
    %dma_start3A_60 = tpu.memref_slice %arg3[%add3A_58] : memref<65536xi32, #tpu.memory_space<hbm>> -> memref<256xi32, #tpu.memory_space<hbm>>
    tpu.enqueue_dma source(%dma_start3A_60 : memref<256xi32, #tpu.memory_space<hbm>>) target(%arg7 : memref<256xi32, #tpu.memory_space<vmem>>) target_semaphore(%arg13 : memref<!tpu.dma_semaphore, #tpu.memory_space<semaphore_mem>>)
    %add3A_61 = arith.constant 512 : i32
    %add3A_62 = arith.addi %mul3A_2, %add3A_61 : i32
    %dma_start3A_63 = arith.constant 0 : i32
    %dma_start3A_64 = tpu.memref_slice %arg4[%add3A_62, %dma_start3A_63] : memref<65536x128xf32, #tpu.memory_space<hbm>> -> memref<256x128xf32, #tpu.memory_space<hbm>>
    %dma_start3A_65 = arith.constant 0 : i32
    %dma_start3A_66 = tpu.memref_slice %arg4[%add3A_62, %dma_start3A_65] : memref<65536x128xf32, #tpu.memory_space<hbm>> -> memref<256x128xf32, #tpu.memory_space<hbm>>
    tpu.enqueue_dma source(%arg10 : memref<256x128xf32, #tpu.memory_space<vmem>>) target(%dma_start3A_66 : memref<256x128xf32, #tpu.memory_space<hbm>>) target_semaphore(%arg19 : memref<!tpu.dma_semaphore, #tpu.memory_space<semaphore_mem>>)
    %dma_wait3A_67 = tpu.memref_slice %arg3[%add3A_22] : memref<65536xi32, #tpu.memory_space<hbm>> -> memref<256xi32, #tpu.memory_space<hbm>>
    %dma_wait3A_68 = tpu.memref_slice %arg3[%add3A_22] : memref<65536xi32, #tpu.memory_space<hbm>> -> memref<256xi32, #tpu.memory_space<hbm>>
    tpu.wait_dma2 semaphore(%arg11 : memref<!tpu.dma_semaphore, #tpu.memory_space<semaphore_mem>>) src(%dma_wait3A_68 : memref<256xi32, #tpu.memory_space<hbm>>) dst(%arg5 : memref<256xi32, #tpu.memory_space<vmem>>)
    %dma_wait3A_69 = arith.constant 0 : i32
    %dma_wait3A_70 = tpu.memref_slice %arg4[%add3A_26, %dma_wait3A_69] : memref<65536x128xf32, #tpu.memory_space<hbm>> -> memref<256x128xf32, #tpu.memory_space<hbm>>
    %dma_wait3A_71 = arith.constant 0 : i32
    %dma_wait3A_72 = tpu.memref_slice %arg4[%add3A_26, %dma_wait3A_71] : memref<65536x128xf32, #tpu.memory_space<hbm>> -> memref<256x128xf32, #tpu.memory_space<hbm>>
    tpu.wait_dma2 semaphore(%arg17 : memref<!tpu.dma_semaphore, #tpu.memory_space<semaphore_mem>>) src(%arg8 : memref<256x128xf32, #tpu.memory_space<vmem>>) dst(%dma_wait3A_72 : memref<256x128xf32, #tpu.memory_space<hbm>>)
    %dma_start3A_73 = arith.constant 0 : i32
    %dma_start3A_74 = arith.constant 0 : i32
    %dma_start3A_75 = tpu.memref_slice %arg2[%dma_start3A_73, %dma_start3A_74] : memref<4096x128xf32, #tpu.memory_space<hbm>> -> memref<4096x128xf32, #tpu.memory_space<hbm>>
    tpu.enqueue_indirect_dma source(%dma_start3A_75 : memref<4096x128xf32, #tpu.memory_space<hbm>>) target(%arg8 : memref<256x128xf32, #tpu.memory_space<vmem>>) offsets(%arg5 : memref<256xi32, #tpu.memory_space<vmem>>) semaphore(%arg14 : memref<!tpu.dma_semaphore, #tpu.memory_space<semaphore_mem>>)
    %dma_wait3A_76 = arith.constant 0 : i32
    %dma_wait3A_77 = arith.constant 0 : i32
    %dma_wait3A_78 = tpu.memref_slice %arg2[%dma_wait3A_76, %dma_wait3A_77] : memref<4096x128xf32, #tpu.memory_space<hbm>> -> memref<4096x128xf32, #tpu.memory_space<hbm>>
    tpu.wait_indirect_dma semaphore(%arg14 : memref<!tpu.dma_semaphore, #tpu.memory_space<semaphore_mem>>) src(%dma_wait3A_78 : memref<4096x128xf32, #tpu.memory_space<hbm>>) dst(%arg8 : memref<256x128xf32, #tpu.memory_space<vmem>>)
    %add3A_79 = arith.constant 1536 : i32
    %add3A_80 = arith.addi %mul3A_2, %add3A_79 : i32
    %dma_start3A_81 = tpu.memref_slice %arg3[%add3A_80] : memref<65536xi32, #tpu.memory_space<hbm>> -> memref<256xi32, #tpu.memory_space<hbm>>
    %dma_start3A_82 = tpu.memref_slice %arg3[%add3A_80] : memref<65536xi32, #tpu.memory_space<hbm>> -> memref<256xi32, #tpu.memory_space<hbm>>
    tpu.enqueue_dma source(%dma_start3A_82 : memref<256xi32, #tpu.memory_space<hbm>>) target(%arg5 : memref<256xi32, #tpu.memory_space<vmem>>) target_semaphore(%arg11 : memref<!tpu.dma_semaphore, #tpu.memory_space<semaphore_mem>>)
    %add3A_83 = arith.constant 768 : i32
    %add3A_84 = arith.addi %mul3A_2, %add3A_83 : i32
    %dma_start3A_85 = arith.constant 0 : i32
    %dma_start3A_86 = tpu.memref_slice %arg4[%add3A_84, %dma_start3A_85] : memref<65536x128xf32, #tpu.memory_space<hbm>> -> memref<256x128xf32, #tpu.memory_space<hbm>>
    %dma_start3A_87 = arith.constant 0 : i32
    %dma_start3A_88 = tpu.memref_slice %arg4[%add3A_84, %dma_start3A_87] : memref<65536x128xf32, #tpu.memory_space<hbm>> -> memref<256x128xf32, #tpu.memory_space<hbm>>
    tpu.enqueue_dma source(%arg8 : memref<256x128xf32, #tpu.memory_space<vmem>>) target(%dma_start3A_88 : memref<256x128xf32, #tpu.memory_space<hbm>>) target_semaphore(%arg17 : memref<!tpu.dma_semaphore, #tpu.memory_space<semaphore_mem>>)
    %dma_wait3A_89 = tpu.memref_slice %arg3[%add3A_40] : memref<65536xi32, #tpu.memory_space<hbm>> -> memref<256xi32, #tpu.memory_space<hbm>>
    %dma_wait3A_90 = tpu.memref_slice %arg3[%add3A_40] : memref<65536xi32, #tpu.memory_space<hbm>> -> memref<256xi32, #tpu.memory_space<hbm>>
    tpu.wait_dma2 semaphore(%arg12 : memref<!tpu.dma_semaphore, #tpu.memory_space<semaphore_mem>>) src(%dma_wait3A_90 : memref<256xi32, #tpu.memory_space<hbm>>) dst(%arg6 : memref<256xi32, #tpu.memory_space<vmem>>)
    %dma_wait3A_91 = arith.constant 0 : i32
    %dma_wait3A_92 = tpu.memref_slice %arg4[%add3A_44, %dma_wait3A_91] : memref<65536x128xf32, #tpu.memory_space<hbm>> -> memref<256x128xf32, #tpu.memory_space<hbm>>
    %dma_wait3A_93 = arith.constant 0 : i32
    %dma_wait3A_94 = tpu.memref_slice %arg4[%add3A_44, %dma_wait3A_93] : memref<65536x128xf32, #tpu.memory_space<hbm>> -> memref<256x128xf32, #tpu.memory_space<hbm>>
    tpu.wait_dma2 semaphore(%arg18 : memref<!tpu.dma_semaphore, #tpu.memory_space<semaphore_mem>>) src(%arg9 : memref<256x128xf32, #tpu.memory_space<vmem>>) dst(%dma_wait3A_94 : memref<256x128xf32, #tpu.memory_space<hbm>>)
    %dma_start3A_95 = arith.constant 0 : i32
    %dma_start3A_96 = arith.constant 0 : i32
    %dma_start3A_97 = tpu.memref_slice %arg2[%dma_start3A_95, %dma_start3A_96] : memref<4096x128xf32, #tpu.memory_space<hbm>> -> memref<4096x128xf32, #tpu.memory_space<hbm>>
    tpu.enqueue_indirect_dma source(%dma_start3A_97 : memref<4096x128xf32, #tpu.memory_space<hbm>>) target(%arg9 : memref<256x128xf32, #tpu.memory_space<vmem>>) offsets(%arg6 : memref<256xi32, #tpu.memory_space<vmem>>) semaphore(%arg15 : memref<!tpu.dma_semaphore, #tpu.memory_space<semaphore_mem>>)
    %dma_wait3A_98 = arith.constant 0 : i32
    %dma_wait3A_99 = arith.constant 0 : i32
    %dma_wait3A_100 = tpu.memref_slice %arg2[%dma_wait3A_98, %dma_wait3A_99] : memref<4096x128xf32, #tpu.memory_space<hbm>> -> memref<4096x128xf32, #tpu.memory_space<hbm>>
    tpu.wait_indirect_dma semaphore(%arg15 : memref<!tpu.dma_semaphore, #tpu.memory_space<semaphore_mem>>) src(%dma_wait3A_100 : memref<4096x128xf32, #tpu.memory_space<hbm>>) dst(%arg9 : memref<256x128xf32, #tpu.memory_space<vmem>>)
    %add3A_101 = arith.constant 1792 : i32
    %add3A_102 = arith.addi %mul3A_2, %add3A_101 : i32
    %dma_start3A_103 = tpu.memref_slice %arg3[%add3A_102] : memref<65536xi32, #tpu.memory_space<hbm>> -> memref<256xi32, #tpu.memory_space<hbm>>
    %dma_start3A_104 = tpu.memref_slice %arg3[%add3A_102] : memref<65536xi32, #tpu.memory_space<hbm>> -> memref<256xi32, #tpu.memory_space<hbm>>
    tpu.enqueue_dma source(%dma_start3A_104 : memref<256xi32, #tpu.memory_space<hbm>>) target(%arg6 : memref<256xi32, #tpu.memory_space<vmem>>) target_semaphore(%arg12 : memref<!tpu.dma_semaphore, #tpu.memory_space<semaphore_mem>>)
    %add3A_105 = arith.constant 1024 : i32
    %add3A_106 = arith.addi %mul3A_2, %add3A_105 : i32
    %dma_start3A_107 = arith.constant 0 : i32
    %dma_start3A_108 = tpu.memref_slice %arg4[%add3A_106, %dma_start3A_107] : memref<65536x128xf32, #tpu.memory_space<hbm>> -> memref<256x128xf32, #tpu.memory_space<hbm>>
    %dma_start3A_109 = arith.constant 0 : i32
    %dma_start3A_110 = tpu.memref_slice %arg4[%add3A_106, %dma_start3A_109] : memref<65536x128xf32, #tpu.memory_space<hbm>> -> memref<256x128xf32, #tpu.memory_space<hbm>>
    tpu.enqueue_dma source(%arg9 : memref<256x128xf32, #tpu.memory_space<vmem>>) target(%dma_start3A_110 : memref<256x128xf32, #tpu.memory_space<hbm>>) target_semaphore(%arg18 : memref<!tpu.dma_semaphore, #tpu.memory_space<semaphore_mem>>)
    %dma_wait3A_111 = tpu.memref_slice %arg3[%add3A_58] : memref<65536xi32, #tpu.memory_space<hbm>> -> memref<256xi32, #tpu.memory_space<hbm>>
    %dma_wait3A_112 = tpu.memref_slice %arg3[%add3A_58] : memref<65536xi32, #tpu.memory_space<hbm>> -> memref<256xi32, #tpu.memory_space<hbm>>
    tpu.wait_dma2 semaphore(%arg13 : memref<!tpu.dma_semaphore, #tpu.memory_space<semaphore_mem>>) src(%dma_wait3A_112 : memref<256xi32, #tpu.memory_space<hbm>>) dst(%arg7 : memref<256xi32, #tpu.memory_space<vmem>>)
    %dma_wait3A_113 = arith.constant 0 : i32
    %dma_wait3A_114 = tpu.memref_slice %arg4[%add3A_62, %dma_wait3A_113] : memref<65536x128xf32, #tpu.memory_space<hbm>> -> memref<256x128xf32, #tpu.memory_space<hbm>>
    %dma_wait3A_115 = arith.constant 0 : i32
    %dma_wait3A_116 = tpu.memref_slice %arg4[%add3A_62, %dma_wait3A_115] : memref<65536x128xf32, #tpu.memory_space<hbm>> -> memref<256x128xf32, #tpu.memory_space<hbm>>
    tpu.wait_dma2 semaphore(%arg19 : memref<!tpu.dma_semaphore, #tpu.memory_space<semaphore_mem>>) src(%arg10 : memref<256x128xf32, #tpu.memory_space<vmem>>) dst(%dma_wait3A_116 : memref<256x128xf32, #tpu.memory_space<hbm>>)
    %dma_start3A_117 = arith.constant 0 : i32
    %dma_start3A_118 = arith.constant 0 : i32
    %dma_start3A_119 = tpu.memref_slice %arg2[%dma_start3A_117, %dma_start3A_118] : memref<4096x128xf32, #tpu.memory_space<hbm>> -> memref<4096x128xf32, #tpu.memory_space<hbm>>
    tpu.enqueue_indirect_dma source(%dma_start3A_119 : memref<4096x128xf32, #tpu.memory_space<hbm>>) target(%arg10 : memref<256x128xf32, #tpu.memory_space<vmem>>) offsets(%arg7 : memref<256xi32, #tpu.memory_space<vmem>>) semaphore(%arg16 : memref<!tpu.dma_semaphore, #tpu.memory_space<semaphore_mem>>)
    %dma_wait3A_120 = arith.constant 0 : i32
    %dma_wait3A_121 = arith.constant 0 : i32
    %dma_wait3A_122 = tpu.memref_slice %arg2[%dma_wait3A_120, %dma_wait3A_121] : memref<4096x128xf32, #tpu.memory_space<hbm>> -> memref<4096x128xf32, #tpu.memory_space<hbm>>
    tpu.wait_indirect_dma semaphore(%arg16 : memref<!tpu.dma_semaphore, #tpu.memory_space<semaphore_mem>>) src(%dma_wait3A_122 : memref<4096x128xf32, #tpu.memory_space<hbm>>) dst(%arg10 : memref<256x128xf32, #tpu.memory_space<vmem>>)
    %add3A_123 = arith.constant 1280 : i32
    %add3A_124 = arith.addi %mul3A_2, %add3A_123 : i32
    %dma_start3A_125 = arith.constant 0 : i32
    %dma_start3A_126 = tpu.memref_slice %arg4[%add3A_124, %dma_start3A_125] : memref<65536x128xf32, #tpu.memory_space<hbm>> -> memref<256x128xf32, #tpu.memory_space<hbm>>
    %dma_start3A_127 = arith.constant 0 : i32
    %dma_start3A_128 = tpu.memref_slice %arg4[%add3A_124, %dma_start3A_127] : memref<65536x128xf32, #tpu.memory_space<hbm>> -> memref<256x128xf32, #tpu.memory_space<hbm>>
    tpu.enqueue_dma source(%arg10 : memref<256x128xf32, #tpu.memory_space<vmem>>) target(%dma_start3A_128 : memref<256x128xf32, #tpu.memory_space<hbm>>) target_semaphore(%arg19 : memref<!tpu.dma_semaphore, #tpu.memory_space<semaphore_mem>>)
    %dma_wait3A_129 = tpu.memref_slice %arg3[%add3A_80] : memref<65536xi32, #tpu.memory_space<hbm>> -> memref<256xi32, #tpu.memory_space<hbm>>
    %dma_wait3A_130 = tpu.memref_slice %arg3[%add3A_80] : memref<65536xi32, #tpu.memory_space<hbm>> -> memref<256xi32, #tpu.memory_space<hbm>>
    tpu.wait_dma2 semaphore(%arg11 : memref<!tpu.dma_semaphore, #tpu.memory_space<semaphore_mem>>) src(%dma_wait3A_130 : memref<256xi32, #tpu.memory_space<hbm>>) dst(%arg5 : memref<256xi32, #tpu.memory_space<vmem>>)
    %dma_wait3A_131 = arith.constant 0 : i32
    %dma_wait3A_132 = tpu.memref_slice %arg4[%add3A_84, %dma_wait3A_131] : memref<65536x128xf32, #tpu.memory_space<hbm>> -> memref<256x128xf32, #tpu.memory_space<hbm>>
    %dma_wait3A_133 = arith.constant 0 : i32
    %dma_wait3A_134 = tpu.memref_slice %arg4[%add3A_84, %dma_wait3A_133] : memref<65536x128xf32, #tpu.memory_space<hbm>> -> memref<256x128xf32, #tpu.memory_space<hbm>>
    tpu.wait_dma2 semaphore(%arg17 : memref<!tpu.dma_semaphore, #tpu.memory_space<semaphore_mem>>) src(%arg8 : memref<256x128xf32, #tpu.memory_space<vmem>>) dst(%dma_wait3A_134 : memref<256x128xf32, #tpu.memory_space<hbm>>)
    %dma_start3A_135 = arith.constant 0 : i32
    %dma_start3A_136 = arith.constant 0 : i32
    %dma_start3A_137 = tpu.memref_slice %arg2[%dma_start3A_135, %dma_start3A_136] : memref<4096x128xf32, #tpu.memory_space<hbm>> -> memref<4096x128xf32, #tpu.memory_space<hbm>>
    tpu.enqueue_indirect_dma source(%dma_start3A_137 : memref<4096x128xf32, #tpu.memory_space<hbm>>) target(%arg8 : memref<256x128xf32, #tpu.memory_space<vmem>>) offsets(%arg5 : memref<256xi32, #tpu.memory_space<vmem>>) semaphore(%arg14 : memref<!tpu.dma_semaphore, #tpu.memory_space<semaphore_mem>>)
    %dma_wait3A_138 = arith.constant 0 : i32
    %dma_wait3A_139 = arith.constant 0 : i32
    %dma_wait3A_140 = tpu.memref_slice %arg2[%dma_wait3A_138, %dma_wait3A_139] : memref<4096x128xf32, #tpu.memory_space<hbm>> -> memref<4096x128xf32, #tpu.memory_space<hbm>>
    tpu.wait_indirect_dma semaphore(%arg14 : memref<!tpu.dma_semaphore, #tpu.memory_space<semaphore_mem>>) src(%dma_wait3A_140 : memref<4096x128xf32, #tpu.memory_space<hbm>>) dst(%arg8 : memref<256x128xf32, #tpu.memory_space<vmem>>)
    %add3A_141 = arith.constant 1536 : i32
    %add3A_142 = arith.addi %mul3A_2, %add3A_141 : i32
    %dma_start3A_143 = arith.constant 0 : i32
    %dma_start3A_144 = tpu.memref_slice %arg4[%add3A_142, %dma_start3A_143] : memref<65536x128xf32, #tpu.memory_space<hbm>> -> memref<256x128xf32, #tpu.memory_space<hbm>>
    %dma_start3A_145 = arith.constant 0 : i32
    %dma_start3A_146 = tpu.memref_slice %arg4[%add3A_142, %dma_start3A_145] : memref<65536x128xf32, #tpu.memory_space<hbm>> -> memref<256x128xf32, #tpu.memory_space<hbm>>
    tpu.enqueue_dma source(%arg8 : memref<256x128xf32, #tpu.memory_space<vmem>>) target(%dma_start3A_146 : memref<256x128xf32, #tpu.memory_space<hbm>>) target_semaphore(%arg17 : memref<!tpu.dma_semaphore, #tpu.memory_space<semaphore_mem>>)
    %dma_wait3A_147 = tpu.memref_slice %arg3[%add3A_102] : memref<65536xi32, #tpu.memory_space<hbm>> -> memref<256xi32, #tpu.memory_space<hbm>>
    %dma_wait3A_148 = tpu.memref_slice %arg3[%add3A_102] : memref<65536xi32, #tpu.memory_space<hbm>> -> memref<256xi32, #tpu.memory_space<hbm>>
    tpu.wait_dma2 semaphore(%arg12 : memref<!tpu.dma_semaphore, #tpu.memory_space<semaphore_mem>>) src(%dma_wait3A_148 : memref<256xi32, #tpu.memory_space<hbm>>) dst(%arg6 : memref<256xi32, #tpu.memory_space<vmem>>)
    %dma_wait3A_149 = arith.constant 0 : i32
    %dma_wait3A_150 = tpu.memref_slice %arg4[%add3A_106, %dma_wait3A_149] : memref<65536x128xf32, #tpu.memory_space<hbm>> -> memref<256x128xf32, #tpu.memory_space<hbm>>
    %dma_wait3A_151 = arith.constant 0 : i32
    %dma_wait3A_152 = tpu.memref_slice %arg4[%add3A_106, %dma_wait3A_151] : memref<65536x128xf32, #tpu.memory_space<hbm>> -> memref<256x128xf32, #tpu.memory_space<hbm>>
    tpu.wait_dma2 semaphore(%arg18 : memref<!tpu.dma_semaphore, #tpu.memory_space<semaphore_mem>>) src(%arg9 : memref<256x128xf32, #tpu.memory_space<vmem>>) dst(%dma_wait3A_152 : memref<256x128xf32, #tpu.memory_space<hbm>>)
    %dma_start3A_153 = arith.constant 0 : i32
    %dma_start3A_154 = arith.constant 0 : i32
    %dma_start3A_155 = tpu.memref_slice %arg2[%dma_start3A_153, %dma_start3A_154] : memref<4096x128xf32, #tpu.memory_space<hbm>> -> memref<4096x128xf32, #tpu.memory_space<hbm>>
    tpu.enqueue_indirect_dma source(%dma_start3A_155 : memref<4096x128xf32, #tpu.memory_space<hbm>>) target(%arg9 : memref<256x128xf32, #tpu.memory_space<vmem>>) offsets(%arg6 : memref<256xi32, #tpu.memory_space<vmem>>) semaphore(%arg15 : memref<!tpu.dma_semaphore, #tpu.memory_space<semaphore_mem>>)
    %dma_wait3A_156 = arith.constant 0 : i32
    %dma_wait3A_157 = arith.constant 0 : i32
    %dma_wait3A_158 = tpu.memref_slice %arg2[%dma_wait3A_156, %dma_wait3A_157] : memref<4096x128xf32, #tpu.memory_space<hbm>> -> memref<4096x128xf32, #tpu.memory_space<hbm>>
    tpu.wait_indirect_dma semaphore(%arg15 : memref<!tpu.dma_semaphore, #tpu.memory_space<semaphore_mem>>) src(%dma_wait3A_158 : memref<4096x128xf32, #tpu.memory_space<hbm>>) dst(%arg9 : memref<256x128xf32, #tpu.memory_space<vmem>>)
    %add3A_159 = arith.constant 1792 : i32
    %add3A_160 = arith.addi %mul3A_2, %add3A_159 : i32
    %dma_start3A_161 = arith.constant 0 : i32
    %dma_start3A_162 = tpu.memref_slice %arg4[%add3A_160, %dma_start3A_161] : memref<65536x128xf32, #tpu.memory_space<hbm>> -> memref<256x128xf32, #tpu.memory_space<hbm>>
    %dma_start3A_163 = arith.constant 0 : i32
    %dma_start3A_164 = tpu.memref_slice %arg4[%add3A_160, %dma_start3A_163] : memref<65536x128xf32, #tpu.memory_space<hbm>> -> memref<256x128xf32, #tpu.memory_space<hbm>>
    tpu.enqueue_dma source(%arg9 : memref<256x128xf32, #tpu.memory_space<vmem>>) target(%dma_start3A_164 : memref<256x128xf32, #tpu.memory_space<hbm>>) target_semaphore(%arg18 : memref<!tpu.dma_semaphore, #tpu.memory_space<semaphore_mem>>)
    %dma_wait3A_165 = arith.constant 0 : i32
    %dma_wait3A_166 = tpu.memref_slice %arg4[%add3A_124, %dma_wait3A_165] : memref<65536x128xf32, #tpu.memory_space<hbm>> -> memref<256x128xf32, #tpu.memory_space<hbm>>
    %dma_wait3A_167 = arith.constant 0 : i32
    %dma_wait3A_168 = tpu.memref_slice %arg4[%add3A_124, %dma_wait3A_167] : memref<65536x128xf32, #tpu.memory_space<hbm>> -> memref<256x128xf32, #tpu.memory_space<hbm>>
    tpu.wait_dma2 semaphore(%arg19 : memref<!tpu.dma_semaphore, #tpu.memory_space<semaphore_mem>>) src(%arg10 : memref<256x128xf32, #tpu.memory_space<vmem>>) dst(%dma_wait3A_168 : memref<256x128xf32, #tpu.memory_space<hbm>>)
    %dma_wait3A_169 = arith.constant 0 : i32
    %dma_wait3A_170 = tpu.memref_slice %arg4[%add3A_142, %dma_wait3A_169] : memref<65536x128xf32, #tpu.memory_space<hbm>> -> memref<256x128xf32, #tpu.memory_space<hbm>>
    %dma_wait3A_171 = arith.constant 0 : i32
    %dma_wait3A_172 = tpu.memref_slice %arg4[%add3A_142, %dma_wait3A_171] : memref<65536x128xf32, #tpu.memory_space<hbm>> -> memref<256x128xf32, #tpu.memory_space<hbm>>
    tpu.wait_dma2 semaphore(%arg17 : memref<!tpu.dma_semaphore, #tpu.memory_space<semaphore_mem>>) src(%arg8 : memref<256x128xf32, #tpu.memory_space<vmem>>) dst(%dma_wait3A_172 : memref<256x128xf32, #tpu.memory_space<hbm>>)
    %dma_wait3A_173 = arith.constant 0 : i32
    %dma_wait3A_174 = tpu.memref_slice %arg4[%add3A_160, %dma_wait3A_173] : memref<65536x128xf32, #tpu.memory_space<hbm>> -> memref<256x128xf32, #tpu.memory_space<hbm>>
    %dma_wait3A_175 = arith.constant 0 : i32
    %dma_wait3A_176 = tpu.memref_slice %arg4[%add3A_160, %dma_wait3A_175] : memref<65536x128xf32, #tpu.memory_space<hbm>> -> memref<256x128xf32, #tpu.memory_space<hbm>>
    tpu.wait_dma2 semaphore(%arg18 : memref<!tpu.dma_semaphore, #tpu.memory_space<semaphore_mem>>) src(%arg9 : memref<256x128xf32, #tpu.memory_space<vmem>>) dst(%dma_wait3A_176 : memref<256x128xf32, #tpu.memory_space<hbm>>)
    return
  }
}

#map = affine_map<(d0, d1) -> (0, 0)>
#map1 = affine_map<(d0, d1) -> (0)>
module attributes {stable_mosaic.version = 14 : i64} {
  func.func @gather_kernel(%arg0: i32, %arg1: i32, %arg2: memref<4096x128xf32, #tpu.memory_space<hbm>>, %arg3: memref<65536xi32, #tpu.memory_space<hbm>>, %arg4: memref<65536x128xf32, #tpu.memory_space<hbm>>, %arg5: memref<256xi32, #tpu.memory_space<vmem>>, %arg6: memref<256xi32, #tpu.memory_space<vmem>>, %arg7: memref<256xi32, #tpu.memory_space<vmem>>, %arg8: memref<256x128xf32, #tpu.memory_space<vmem>>, %arg9: memref<256x128xf32, #tpu.memory_space<vmem>>, %arg10: memref<256x128xf32, #tpu.memory_space<vmem>>, %arg11: memref<!tpu.dma_semaphore, #tpu.memory_space<semaphore_mem>>, %arg12: memref<!tpu.dma_semaphore, #tpu.memory_space<semaphore_mem>>, %arg13: memref<!tpu.dma_semaphore, #tpu.memory_space<semaphore_mem>>, %arg14: memref<!tpu.dma_semaphore, #tpu.memory_space<semaphore_mem>>, %arg15: memref<!tpu.dma_semaphore, #tpu.memory_space<semaphore_mem>>, %arg16: memref<!tpu.dma_semaphore, #tpu.memory_space<semaphore_mem>>, %arg17: memref<!tpu.dma_semaphore, #tpu.memory_space<semaphore_mem>>, %arg18: memref<!tpu.dma_semaphore, #tpu.memory_space<semaphore_mem>>, %arg19: memref<!tpu.dma_semaphore, #tpu.memory_space<semaphore_mem>>) attributes {dimension_semantics = [#tpu.dimension_semantics<core_parallel>, #tpu.dimension_semantics<subcore_parallel>], iteration_bounds = array<i64: 2, 16>, scalar_prefetch = 0 : i64, scratch_operands = 15 : i64, tpu.core_type = #tpu.core_type<sc_vector_subcore>, window_params = [{transform_indices = #map}, {transform_indices = #map1}, {transform_indices = #map}]} {
    %mul3A = arith.constant 2 : i32
    %mul3A_0 = arith.muli %arg1, %mul3A : i32
    %add3A = arith.addi %mul3A_0, %arg0 : i32
    %mul3A_1 = arith.constant 2048 : i32
    %mul3A_2 = arith.muli %add3A, %mul3A_1 : i32
    %add3A_3 = arith.constant 0 : i32
    %add3A_4 = arith.addi %mul3A_2, %add3A_3 : i32
    %dma_start3A = tpu.memref_slice %arg3[%add3A_4] : memref<65536xi32, #tpu.memory_space<hbm>> -> memref<256xi32, #tpu.memory_space<hbm>>
    %dma_start3A_5 = tpu.memref_slice %arg3[%add3A_4] : memref<65536xi32, #tpu.memory_space<hbm>> -> memref<256xi32, #tpu.memory_space<hbm>>
    tpu.enqueue_dma source(%dma_start3A_5 : memref<256xi32, #tpu.memory_space<hbm>>) target(%arg5 : memref<256xi32, #tpu.memory_space<vmem>>) target_semaphore(%arg11 : memref<!tpu.dma_semaphore, #tpu.memory_space<semaphore_mem>>)
    %add3A_6 = arith.constant 256 : i32
    %add3A_7 = arith.addi %mul3A_2, %add3A_6 : i32
    %dma_start3A_8 = tpu.memref_slice %arg3[%add3A_7] : memref<65536xi32, #tpu.memory_space<hbm>> -> memref<256xi32, #tpu.memory_space<hbm>>
    %dma_start3A_9 = tpu.memref_slice %arg3[%add3A_7] : memref<65536xi32, #tpu.memory_space<hbm>> -> memref<256xi32, #tpu.memory_space<hbm>>
    tpu.enqueue_dma source(%dma_start3A_9 : memref<256xi32, #tpu.memory_space<hbm>>) target(%arg6 : memref<256xi32, #tpu.memory_space<vmem>>) target_semaphore(%arg12 : memref<!tpu.dma_semaphore, #tpu.memory_space<semaphore_mem>>)
    %add3A_10 = arith.constant 512 : i32
    %add3A_11 = arith.addi %mul3A_2, %add3A_10 : i32
    %dma_start3A_12 = tpu.memref_slice %arg3[%add3A_11] : memref<65536xi32, #tpu.memory_space<hbm>> -> memref<256xi32, #tpu.memory_space<hbm>>
    %dma_start3A_13 = tpu.memref_slice %arg3[%add3A_11] : memref<65536xi32, #tpu.memory_space<hbm>> -> memref<256xi32, #tpu.memory_space<hbm>>
    tpu.enqueue_dma source(%dma_start3A_13 : memref<256xi32, #tpu.memory_space<hbm>>) target(%arg7 : memref<256xi32, #tpu.memory_space<vmem>>) target_semaphore(%arg13 : memref<!tpu.dma_semaphore, #tpu.memory_space<semaphore_mem>>)
    %dma_wait3A = tpu.memref_slice %arg3[%add3A_4] : memref<65536xi32, #tpu.memory_space<hbm>> -> memref<256xi32, #tpu.memory_space<hbm>>
    %dma_wait3A_14 = tpu.memref_slice %arg3[%add3A_4] : memref<65536xi32, #tpu.memory_space<hbm>> -> memref<256xi32, #tpu.memory_space<hbm>>
    tpu.wait_dma2 semaphore(%arg11 : memref<!tpu.dma_semaphore, #tpu.memory_space<semaphore_mem>>) src(%dma_wait3A_14 : memref<256xi32, #tpu.memory_space<hbm>>) dst(%arg5 : memref<256xi32, #tpu.memory_space<vmem>>)
    %dma_start3A_15 = arith.constant 0 : i32
    %dma_start3A_16 = arith.constant 0 : i32
    %dma_start3A_17 = tpu.memref_slice %arg2[%dma_start3A_15, %dma_start3A_16] : memref<4096x128xf32, #tpu.memory_space<hbm>> -> memref<4096x128xf32, #tpu.memory_space<hbm>>
    tpu.enqueue_indirect_dma source(%dma_start3A_17 : memref<4096x128xf32, #tpu.memory_space<hbm>>) target(%arg8 : memref<256x128xf32, #tpu.memory_space<vmem>>) offsets(%arg5 : memref<256xi32, #tpu.memory_space<vmem>>) semaphore(%arg14 : memref<!tpu.dma_semaphore, #tpu.memory_space<semaphore_mem>>)
    %dma_wait3A_18 = arith.constant 0 : i32
    %dma_wait3A_19 = arith.constant 0 : i32
    %dma_wait3A_20 = tpu.memref_slice %arg2[%dma_wait3A_18, %dma_wait3A_19] : memref<4096x128xf32, #tpu.memory_space<hbm>> -> memref<4096x128xf32, #tpu.memory_space<hbm>>
    tpu.wait_indirect_dma semaphore(%arg14 : memref<!tpu.dma_semaphore, #tpu.memory_space<semaphore_mem>>) src(%dma_wait3A_20 : memref<4096x128xf32, #tpu.memory_space<hbm>>) dst(%arg8 : memref<256x128xf32, #tpu.memory_space<vmem>>)
    %add3A_21 = arith.constant 768 : i32
    %add3A_22 = arith.addi %mul3A_2, %add3A_21 : i32
    %dma_start3A_23 = tpu.memref_slice %arg3[%add3A_22] : memref<65536xi32, #tpu.memory_space<hbm>> -> memref<256xi32, #tpu.memory_space<hbm>>
    %dma_start3A_24 = tpu.memref_slice %arg3[%add3A_22] : memref<65536xi32, #tpu.memory_space<hbm>> -> memref<256xi32, #tpu.memory_space<hbm>>
    tpu.enqueue_dma source(%dma_start3A_24 : memref<256xi32, #tpu.memory_space<hbm>>) target(%arg5 : memref<256xi32, #tpu.memory_space<vmem>>) target_semaphore(%arg11 : memref<!tpu.dma_semaphore, #tpu.memory_space<semaphore_mem>>)
    %add3A_25 = arith.constant 0 : i32
    %add3A_26 = arith.addi %mul3A_2, %add3A_25 : i32
    %dma_start3A_27 = arith.constant 0 : i32
    %dma_start3A_28 = tpu.memref_slice %arg4[%add3A_26, %dma_start3A_27] : memref<65536x128xf32, #tpu.memory_space<hbm>> -> memref<256x128xf32, #tpu.memory_space<hbm>>
    %dma_start3A_29 = arith.constant 0 : i32
    %dma_start3A_30 = tpu.memref_slice %arg4[%add3A_26, %dma_start3A_29] : memref<65536x128xf32, #tpu.memory_space<hbm>> -> memref<256x128xf32, #tpu.memory_space<hbm>>
    tpu.enqueue_dma source(%arg8 : memref<256x128xf32, #tpu.memory_space<vmem>>) target(%dma_start3A_30 : memref<256x128xf32, #tpu.memory_space<hbm>>) target_semaphore(%arg17 : memref<!tpu.dma_semaphore, #tpu.memory_space<semaphore_mem>>)
    %dma_wait3A_31 = tpu.memref_slice %arg3[%add3A_7] : memref<65536xi32, #tpu.memory_space<hbm>> -> memref<256xi32, #tpu.memory_space<hbm>>
    %dma_wait3A_32 = tpu.memref_slice %arg3[%add3A_7] : memref<65536xi32, #tpu.memory_space<hbm>> -> memref<256xi32, #tpu.memory_space<hbm>>
    tpu.wait_dma2 semaphore(%arg12 : memref<!tpu.dma_semaphore, #tpu.memory_space<semaphore_mem>>) src(%dma_wait3A_32 : memref<256xi32, #tpu.memory_space<hbm>>) dst(%arg6 : memref<256xi32, #tpu.memory_space<vmem>>)
    %dma_start3A_33 = arith.constant 0 : i32
    %dma_start3A_34 = arith.constant 0 : i32
    %dma_start3A_35 = tpu.memref_slice %arg2[%dma_start3A_33, %dma_start3A_34] : memref<4096x128xf32, #tpu.memory_space<hbm>> -> memref<4096x128xf32, #tpu.memory_space<hbm>>
    tpu.enqueue_indirect_dma source(%dma_start3A_35 : memref<4096x128xf32, #tpu.memory_space<hbm>>) target(%arg9 : memref<256x128xf32, #tpu.memory_space<vmem>>) offsets(%arg6 : memref<256xi32, #tpu.memory_space<vmem>>) semaphore(%arg15 : memref<!tpu.dma_semaphore, #tpu.memory_space<semaphore_mem>>)
    %dma_wait3A_36 = arith.constant 0 : i32
    %dma_wait3A_37 = arith.constant 0 : i32
    %dma_wait3A_38 = tpu.memref_slice %arg2[%dma_wait3A_36, %dma_wait3A_37] : memref<4096x128xf32, #tpu.memory_space<hbm>> -> memref<4096x128xf32, #tpu.memory_space<hbm>>
    tpu.wait_indirect_dma semaphore(%arg15 : memref<!tpu.dma_semaphore, #tpu.memory_space<semaphore_mem>>) src(%dma_wait3A_38 : memref<4096x128xf32, #tpu.memory_space<hbm>>) dst(%arg9 : memref<256x128xf32, #tpu.memory_space<vmem>>)
    %add3A_39 = arith.constant 1024 : i32
    %add3A_40 = arith.addi %mul3A_2, %add3A_39 : i32
    %dma_start3A_41 = tpu.memref_slice %arg3[%add3A_40] : memref<65536xi32, #tpu.memory_space<hbm>> -> memref<256xi32, #tpu.memory_space<hbm>>
    %dma_start3A_42 = tpu.memref_slice %arg3[%add3A_40] : memref<65536xi32, #tpu.memory_space<hbm>> -> memref<256xi32, #tpu.memory_space<hbm>>
    tpu.enqueue_dma source(%dma_start3A_42 : memref<256xi32, #tpu.memory_space<hbm>>) target(%arg6 : memref<256xi32, #tpu.memory_space<vmem>>) target_semaphore(%arg12 : memref<!tpu.dma_semaphore, #tpu.memory_space<semaphore_mem>>)
    %add3A_43 = arith.constant 256 : i32
    %add3A_44 = arith.addi %mul3A_2, %add3A_43 : i32
    %dma_start3A_45 = arith.constant 0 : i32
    %dma_start3A_46 = tpu.memref_slice %arg4[%add3A_44, %dma_start3A_45] : memref<65536x128xf32, #tpu.memory_space<hbm>> -> memref<256x128xf32, #tpu.memory_space<hbm>>
    %dma_start3A_47 = arith.constant 0 : i32
    %dma_start3A_48 = tpu.memref_slice %arg4[%add3A_44, %dma_start3A_47] : memref<65536x128xf32, #tpu.memory_space<hbm>> -> memref<256x128xf32, #tpu.memory_space<hbm>>
    tpu.enqueue_dma source(%arg9 : memref<256x128xf32, #tpu.memory_space<vmem>>) target(%dma_start3A_48 : memref<256x128xf32, #tpu.memory_space<hbm>>) target_semaphore(%arg18 : memref<!tpu.dma_semaphore, #tpu.memory_space<semaphore_mem>>)
    %dma_wait3A_49 = tpu.memref_slice %arg3[%add3A_11] : memref<65536xi32, #tpu.memory_space<hbm>> -> memref<256xi32, #tpu.memory_space<hbm>>
    %dma_wait3A_50 = tpu.memref_slice %arg3[%add3A_11] : memref<65536xi32, #tpu.memory_space<hbm>> -> memref<256xi32, #tpu.memory_space<hbm>>
    tpu.wait_dma2 semaphore(%arg13 : memref<!tpu.dma_semaphore, #tpu.memory_space<semaphore_mem>>) src(%dma_wait3A_50 : memref<256xi32, #tpu.memory_space<hbm>>) dst(%arg7 : memref<256xi32, #tpu.memory_space<vmem>>)
    %dma_start3A_51 = arith.constant 0 : i32
    %dma_start3A_52 = arith.constant 0 : i32
    %dma_start3A_53 = tpu.memref_slice %arg2[%dma_start3A_51, %dma_start3A_52] : memref<4096x128xf32, #tpu.memory_space<hbm>> -> memref<4096x128xf32, #tpu.memory_space<hbm>>
    tpu.enqueue_indirect_dma source(%dma_start3A_53 : memref<4096x128xf32, #tpu.memory_space<hbm>>) target(%arg10 : memref<256x128xf32, #tpu.memory_space<vmem>>) offsets(%arg7 : memref<256xi32, #tpu.memory_space<vmem>>) semaphore(%arg16 : memref<!tpu.dma_semaphore, #tpu.memory_space<semaphore_mem>>)
    %dma_wait3A_54 = arith.constant 0 : i32
    %dma_wait3A_55 = arith.constant 0 : i32
    %dma_wait3A_56 = tpu.memref_slice %arg2[%dma_wait3A_54, %dma_wait3A_55] : memref<4096x128xf32, #tpu.memory_space<hbm>> -> memref<4096x128xf32, #tpu.memory_space<hbm>>
    tpu.wait_indirect_dma semaphore(%arg16 : memref<!tpu.dma_semaphore, #tpu.memory_space<semaphore_mem>>) src(%dma_wait3A_56 : memref<4096x128xf32, #tpu.memory_space<hbm>>) dst(%arg10 : memref<256x128xf32, #tpu.memory_space<vmem>>)
    %add3A_57 = arith.constant 1280 : i32
    %add3A_58 = arith.addi %mul3A_2, %add3A_57 : i32
    %dma_start3A_59 = tpu.memref_slice %arg3[%add3A_58] : memref<65536xi32, #tpu.memory_space<hbm>> -> memref<256xi32, #tpu.memory_space<hbm>>
    %dma_start3A_60 = tpu.memref_slice %arg3[%add3A_58] : memref<65536xi32, #tpu.memory_space<hbm>> -> memref<256xi32, #tpu.memory_space<hbm>>
    tpu.enqueue_dma source(%dma_start3A_60 : memref<256xi32, #tpu.memory_space<hbm>>) target(%arg7 : memref<256xi32, #tpu.memory_space<vmem>>) target_semaphore(%arg13 : memref<!tpu.dma_semaphore, #tpu.memory_space<semaphore_mem>>)
    %add3A_61 = arith.constant 512 : i32
    %add3A_62 = arith.addi %mul3A_2, %add3A_61 : i32
    %dma_start3A_63 = arith.constant 0 : i32
    %dma_start3A_64 = tpu.memref_slice %arg4[%add3A_62, %dma_start3A_63] : memref<65536x128xf32, #tpu.memory_space<hbm>> -> memref<256x128xf32, #tpu.memory_space<hbm>>
    %dma_start3A_65 = arith.constant 0 : i32
    %dma_start3A_66 = tpu.memref_slice %arg4[%add3A_62, %dma_start3A_65] : memref<65536x128xf32, #tpu.memory_space<hbm>> -> memref<256x128xf32, #tpu.memory_space<hbm>>
    tpu.enqueue_dma source(%arg10 : memref<256x128xf32, #tpu.memory_space<vmem>>) target(%dma_start3A_66 : memref<256x128xf32, #tpu.memory_space<hbm>>) target_semaphore(%arg19 : memref<!tpu.dma_semaphore, #tpu.memory_space<semaphore_mem>>)
    %dma_wait3A_67 = tpu.memref_slice %arg3[%add3A_22] : memref<65536xi32, #tpu.memory_space<hbm>> -> memref<256xi32, #tpu.memory_space<hbm>>
    %dma_wait3A_68 = tpu.memref_slice %arg3[%add3A_22] : memref<65536xi32, #tpu.memory_space<hbm>> -> memref<256xi32, #tpu.memory_space<hbm>>
    tpu.wait_dma2 semaphore(%arg11 : memref<!tpu.dma_semaphore, #tpu.memory_space<semaphore_mem>>) src(%dma_wait3A_68 : memref<256xi32, #tpu.memory_space<hbm>>) dst(%arg5 : memref<256xi32, #tpu.memory_space<vmem>>)
    %dma_wait3A_69 = arith.constant 0 : i32
    %dma_wait3A_70 = tpu.memref_slice %arg4[%add3A_26, %dma_wait3A_69] : memref<65536x128xf32, #tpu.memory_space<hbm>> -> memref<256x128xf32, #tpu.memory_space<hbm>>
    %dma_wait3A_71 = arith.constant 0 : i32
    %dma_wait3A_72 = tpu.memref_slice %arg4[%add3A_26, %dma_wait3A_71] : memref<65536x128xf32, #tpu.memory_space<hbm>> -> memref<256x128xf32, #tpu.memory_space<hbm>>
    tpu.wait_dma2 semaphore(%arg17 : memref<!tpu.dma_semaphore, #tpu.memory_space<semaphore_mem>>) src(%arg8 : memref<256x128xf32, #tpu.memory_space<vmem>>) dst(%dma_wait3A_72 : memref<256x128xf32, #tpu.memory_space<hbm>>)
    %dma_start3A_73 = arith.constant 0 : i32
    %dma_start3A_74 = arith.constant 0 : i32
    %dma_start3A_75 = tpu.memref_slice %arg2[%dma_start3A_73, %dma_start3A_74] : memref<4096x128xf32, #tpu.memory_space<hbm>> -> memref<4096x128xf32, #tpu.memory_space<hbm>>
    tpu.enqueue_indirect_dma source(%dma_start3A_75 : memref<4096x128xf32, #tpu.memory_space<hbm>>) target(%arg8 : memref<256x128xf32, #tpu.memory_space<vmem>>) offsets(%arg5 : memref<256xi32, #tpu.memory_space<vmem>>) semaphore(%arg14 : memref<!tpu.dma_semaphore, #tpu.memory_space<semaphore_mem>>)
    %dma_wait3A_76 = arith.constant 0 : i32
    %dma_wait3A_77 = arith.constant 0 : i32
    %dma_wait3A_78 = tpu.memref_slice %arg2[%dma_wait3A_76, %dma_wait3A_77] : memref<4096x128xf32, #tpu.memory_space<hbm>> -> memref<4096x128xf32, #tpu.memory_space<hbm>>
    tpu.wait_indirect_dma semaphore(%arg14 : memref<!tpu.dma_semaphore, #tpu.memory_space<semaphore_mem>>) src(%dma_wait3A_78 : memref<4096x128xf32, #tpu.memory_space<hbm>>) dst(%arg8 : memref<256x128xf32, #tpu.memory_space<vmem>>)
    %add3A_79 = arith.constant 1536 : i32
    %add3A_80 = arith.addi %mul3A_2, %add3A_79 : i32
    %dma_start3A_81 = tpu.memref_slice %arg3[%add3A_80] : memref<65536xi32, #tpu.memory_space<hbm>> -> memref<256xi32, #tpu.memory_space<hbm>>
    %dma_start3A_82 = tpu.memref_slice %arg3[%add3A_80] : memref<65536xi32, #tpu.memory_space<hbm>> -> memref<256xi32, #tpu.memory_space<hbm>>
    tpu.enqueue_dma source(%dma_start3A_82 : memref<256xi32, #tpu.memory_space<hbm>>) target(%arg5 : memref<256xi32, #tpu.memory_space<vmem>>) target_semaphore(%arg11 : memref<!tpu.dma_semaphore, #tpu.memory_space<semaphore_mem>>)
    %add3A_83 = arith.constant 768 : i32
    %add3A_84 = arith.addi %mul3A_2, %add3A_83 : i32
    %dma_start3A_85 = arith.constant 0 : i32
    %dma_start3A_86 = tpu.memref_slice %arg4[%add3A_84, %dma_start3A_85] : memref<65536x128xf32, #tpu.memory_space<hbm>> -> memref<256x128xf32, #tpu.memory_space<hbm>>
    %dma_start3A_87 = arith.constant 0 : i32
    %dma_start3A_88 = tpu.memref_slice %arg4[%add3A_84, %dma_start3A_87] : memref<65536x128xf32, #tpu.memory_space<hbm>> -> memref<256x128xf32, #tpu.memory_space<hbm>>
    tpu.enqueue_dma source(%arg8 : memref<256x128xf32, #tpu.memory_space<vmem>>) target(%dma_start3A_88 : memref<256x128xf32, #tpu.memory_space<hbm>>) target_semaphore(%arg17 : memref<!tpu.dma_semaphore, #tpu.memory_space<semaphore_mem>>)
    %dma_wait3A_89 = tpu.memref_slice %arg3[%add3A_40] : memref<65536xi32, #tpu.memory_space<hbm>> -> memref<256xi32, #tpu.memory_space<hbm>>
    %dma_wait3A_90 = tpu.memref_slice %arg3[%add3A_40] : memref<65536xi32, #tpu.memory_space<hbm>> -> memref<256xi32, #tpu.memory_space<hbm>>
    tpu.wait_dma2 semaphore(%arg12 : memref<!tpu.dma_semaphore, #tpu.memory_space<semaphore_mem>>) src(%dma_wait3A_90 : memref<256xi32, #tpu.memory_space<hbm>>) dst(%arg6 : memref<256xi32, #tpu.memory_space<vmem>>)
    %dma_wait3A_91 = arith.constant 0 : i32
    %dma_wait3A_92 = tpu.memref_slice %arg4[%add3A_44, %dma_wait3A_91] : memref<65536x128xf32, #tpu.memory_space<hbm>> -> memref<256x128xf32, #tpu.memory_space<hbm>>
    %dma_wait3A_93 = arith.constant 0 : i32
    %dma_wait3A_94 = tpu.memref_slice %arg4[%add3A_44, %dma_wait3A_93] : memref<65536x128xf32, #tpu.memory_space<hbm>> -> memref<256x128xf32, #tpu.memory_space<hbm>>
    tpu.wait_dma2 semaphore(%arg18 : memref<!tpu.dma_semaphore, #tpu.memory_space<semaphore_mem>>) src(%arg9 : memref<256x128xf32, #tpu.memory_space<vmem>>) dst(%dma_wait3A_94 : memref<256x128xf32, #tpu.memory_space<hbm>>)
    %dma_start3A_95 = arith.constant 0 : i32
    %dma_start3A_96 = arith.constant 0 : i32
    %dma_start3A_97 = tpu.memref_slice %arg2[%dma_start3A_95, %dma_start3A_96] : memref<4096x128xf32, #tpu.memory_space<hbm>> -> memref<4096x128xf32, #tpu.memory_space<hbm>>
    tpu.enqueue_indirect_dma source(%dma_start3A_97 : memref<4096x128xf32, #tpu.memory_space<hbm>>) target(%arg9 : memref<256x128xf32, #tpu.memory_space<vmem>>) offsets(%arg6 : memref<256xi32, #tpu.memory_space<vmem>>) semaphore(%arg15 : memref<!tpu.dma_semaphore, #tpu.memory_space<semaphore_mem>>)
    %dma_wait3A_98 = arith.constant 0 : i32
    %dma_wait3A_99 = arith.constant 0 : i32
    %dma_wait3A_100 = tpu.memref_slice %arg2[%dma_wait3A_98, %dma_wait3A_99] : memref<4096x128xf32, #tpu.memory_space<hbm>> -> memref<4096x128xf32, #tpu.memory_space<hbm>>
    tpu.wait_indirect_dma semaphore(%arg15 : memref<!tpu.dma_semaphore, #tpu.memory_space<semaphore_mem>>) src(%dma_wait3A_100 : memref<4096x128xf32, #tpu.memory_space<hbm>>) dst(%arg9 : memref<256x128xf32, #tpu.memory_space<vmem>>)
    %add3A_101 = arith.constant 1792 : i32
    %add3A_102 = arith.addi %mul3A_2, %add3A_101 : i32
    %dma_start3A_103 = tpu.memref_slice %arg3[%add3A_102] : memref<65536xi32, #tpu.memory_space<hbm>> -> memref<256xi32, #tpu.memory_space<hbm>>
    %dma_start3A_104 = tpu.memref_slice %arg3[%add3A_102] : memref<65536xi32, #tpu.memory_space<hbm>> -> memref<256xi32, #tpu.memory_space<hbm>>
    tpu.enqueue_dma source(%dma_start3A_104 : memref<256xi32, #tpu.memory_space<hbm>>) target(%arg6 : memref<256xi32, #tpu.memory_space<vmem>>) target_semaphore(%arg12 : memref<!tpu.dma_semaphore, #tpu.memory_space<semaphore_mem>>)
    %add3A_105 = arith.constant 1024 : i32
    %add3A_106 = arith.addi %mul3A_2, %add3A_105 : i32
    %dma_start3A_107 = arith.constant 0 : i32
    %dma_start3A_108 = tpu.memref_slice %arg4[%add3A_106, %dma_start3A_107] : memref<65536x128xf32, #tpu.memory_space<hbm>> -> memref<256x128xf32, #tpu.memory_space<hbm>>
    %dma_start3A_109 = arith.constant 0 : i32
    %dma_start3A_110 = tpu.memref_slice %arg4[%add3A_106, %dma_start3A_109] : memref<65536x128xf32, #tpu.memory_space<hbm>> -> memref<256x128xf32, #tpu.memory_space<hbm>>
    tpu.enqueue_dma source(%arg9 : memref<256x128xf32, #tpu.memory_space<vmem>>) target(%dma_start3A_110 : memref<256x128xf32, #tpu.memory_space<hbm>>) target_semaphore(%arg18 : memref<!tpu.dma_semaphore, #tpu.memory_space<semaphore_mem>>)
    %dma_wait3A_111 = tpu.memref_slice %arg3[%add3A_58] : memref<65536xi32, #tpu.memory_space<hbm>> -> memref<256xi32, #tpu.memory_space<hbm>>
    %dma_wait3A_112 = tpu.memref_slice %arg3[%add3A_58] : memref<65536xi32, #tpu.memory_space<hbm>> -> memref<256xi32, #tpu.memory_space<hbm>>
    tpu.wait_dma2 semaphore(%arg13 : memref<!tpu.dma_semaphore, #tpu.memory_space<semaphore_mem>>) src(%dma_wait3A_112 : memref<256xi32, #tpu.memory_space<hbm>>) dst(%arg7 : memref<256xi32, #tpu.memory_space<vmem>>)
    %dma_wait3A_113 = arith.constant 0 : i32
    %dma_wait3A_114 = tpu.memref_slice %arg4[%add3A_62, %dma_wait3A_113] : memref<65536x128xf32, #tpu.memory_space<hbm>> -> memref<256x128xf32, #tpu.memory_space<hbm>>
    %dma_wait3A_115 = arith.constant 0 : i32
    %dma_wait3A_116 = tpu.memref_slice %arg4[%add3A_62, %dma_wait3A_115] : memref<65536x128xf32, #tpu.memory_space<hbm>> -> memref<256x128xf32, #tpu.memory_space<hbm>>
    tpu.wait_dma2 semaphore(%arg19 : memref<!tpu.dma_semaphore, #tpu.memory_space<semaphore_mem>>) src(%arg10 : memref<256x128xf32, #tpu.memory_space<vmem>>) dst(%dma_wait3A_116 : memref<256x128xf32, #tpu.memory_space<hbm>>)
    %dma_start3A_117 = arith.constant 0 : i32
    %dma_start3A_118 = arith.constant 0 : i32
    %dma_start3A_119 = tpu.memref_slice %arg2[%dma_start3A_117, %dma_start3A_118] : memref<4096x128xf32, #tpu.memory_space<hbm>> -> memref<4096x128xf32, #tpu.memory_space<hbm>>
    tpu.enqueue_indirect_dma source(%dma_start3A_119 : memref<4096x128xf32, #tpu.memory_space<hbm>>) target(%arg10 : memref<256x128xf32, #tpu.memory_space<vmem>>) offsets(%arg7 : memref<256xi32, #tpu.memory_space<vmem>>) semaphore(%arg16 : memref<!tpu.dma_semaphore, #tpu.memory_space<semaphore_mem>>)
    %dma_wait3A_120 = arith.constant 0 : i32
    %dma_wait3A_121 = arith.constant 0 : i32
    %dma_wait3A_122 = tpu.memref_slice %arg2[%dma_wait3A_120, %dma_wait3A_121] : memref<4096x128xf32, #tpu.memory_space<hbm>> -> memref<4096x128xf32, #tpu.memory_space<hbm>>
    tpu.wait_indirect_dma semaphore(%arg16 : memref<!tpu.dma_semaphore, #tpu.memory_space<semaphore_mem>>) src(%dma_wait3A_122 : memref<4096x128xf32, #tpu.memory_space<hbm>>) dst(%arg10 : memref<256x128xf32, #tpu.memory_space<vmem>>)
    %add3A_123 = arith.constant 1280 : i32
    %add3A_124 = arith.addi %mul3A_2, %add3A_123 : i32
    %dma_start3A_125 = arith.constant 0 : i32
    %dma_start3A_126 = tpu.memref_slice %arg4[%add3A_124, %dma_start3A_125] : memref<65536x128xf32, #tpu.memory_space<hbm>> -> memref<256x128xf32, #tpu.memory_space<hbm>>
    %dma_start3A_127 = arith.constant 0 : i32
    %dma_start3A_128 = tpu.memref_slice %arg4[%add3A_124, %dma_start3A_127] : memref<65536x128xf32, #tpu.memory_space<hbm>> -> memref<256x128xf32, #tpu.memory_space<hbm>>
    tpu.enqueue_dma source(%arg10 : memref<256x128xf32, #tpu.memory_space<vmem>>) target(%dma_start3A_128 : memref<256x128xf32, #tpu.memory_space<hbm>>) target_semaphore(%arg19 : memref<!tpu.dma_semaphore, #tpu.memory_space<semaphore_mem>>)
    %dma_wait3A_129 = tpu.memref_slice %arg3[%add3A_80] : memref<65536xi32, #tpu.memory_space<hbm>> -> memref<256xi32, #tpu.memory_space<hbm>>
    %dma_wait3A_130 = tpu.memref_slice %arg3[%add3A_80] : memref<65536xi32, #tpu.memory_space<hbm>> -> memref<256xi32, #tpu.memory_space<hbm>>
    tpu.wait_dma2 semaphore(%arg11 : memref<!tpu.dma_semaphore, #tpu.memory_space<semaphore_mem>>) src(%dma_wait3A_130 : memref<256xi32, #tpu.memory_space<hbm>>) dst(%arg5 : memref<256xi32, #tpu.memory_space<vmem>>)
    %dma_wait3A_131 = arith.constant 0 : i32
    %dma_wait3A_132 = tpu.memref_slice %arg4[%add3A_84, %dma_wait3A_131] : memref<65536x128xf32, #tpu.memory_space<hbm>> -> memref<256x128xf32, #tpu.memory_space<hbm>>
    %dma_wait3A_133 = arith.constant 0 : i32
    %dma_wait3A_134 = tpu.memref_slice %arg4[%add3A_84, %dma_wait3A_133] : memref<65536x128xf32, #tpu.memory_space<hbm>> -> memref<256x128xf32, #tpu.memory_space<hbm>>
    tpu.wait_dma2 semaphore(%arg17 : memref<!tpu.dma_semaphore, #tpu.memory_space<semaphore_mem>>) src(%arg8 : memref<256x128xf32, #tpu.memory_space<vmem>>) dst(%dma_wait3A_134 : memref<256x128xf32, #tpu.memory_space<hbm>>)
    %dma_start3A_135 = arith.constant 0 : i32
    %dma_start3A_136 = arith.constant 0 : i32
    %dma_start3A_137 = tpu.memref_slice %arg2[%dma_start3A_135, %dma_start3A_136] : memref<4096x128xf32, #tpu.memory_space<hbm>> -> memref<4096x128xf32, #tpu.memory_space<hbm>>
    tpu.enqueue_indirect_dma source(%dma_start3A_137 : memref<4096x128xf32, #tpu.memory_space<hbm>>) target(%arg8 : memref<256x128xf32, #tpu.memory_space<vmem>>) offsets(%arg5 : memref<256xi32, #tpu.memory_space<vmem>>) semaphore(%arg14 : memref<!tpu.dma_semaphore, #tpu.memory_space<semaphore_mem>>)
    %dma_wait3A_138 = arith.constant 0 : i32
    %dma_wait3A_139 = arith.constant 0 : i32
    %dma_wait3A_140 = tpu.memref_slice %arg2[%dma_wait3A_138, %dma_wait3A_139] : memref<4096x128xf32, #tpu.memory_space<hbm>> -> memref<4096x128xf32, #tpu.memory_space<hbm>>
    tpu.wait_indirect_dma semaphore(%arg14 : memref<!tpu.dma_semaphore, #tpu.memory_space<semaphore_mem>>) src(%dma_wait3A_140 : memref<4096x128xf32, #tpu.memory_space<hbm>>) dst(%arg8 : memref<256x128xf32, #tpu.memory_space<vmem>>)
    %add3A_141 = arith.constant 1536 : i32
    %add3A_142 = arith.addi %mul3A_2, %add3A_141 : i32
    %dma_start3A_143 = arith.constant 0 : i32
    %dma_start3A_144 = tpu.memref_slice %arg4[%add3A_142, %dma_start3A_143] : memref<65536x128xf32, #tpu.memory_space<hbm>> -> memref<256x128xf32, #tpu.memory_space<hbm>>
    %dma_start3A_145 = arith.constant 0 : i32
    %dma_start3A_146 = tpu.memref_slice %arg4[%add3A_142, %dma_start3A_145] : memref<65536x128xf32, #tpu.memory_space<hbm>> -> memref<256x128xf32, #tpu.memory_space<hbm>>
    tpu.enqueue_dma source(%arg8 : memref<256x128xf32, #tpu.memory_space<vmem>>) target(%dma_start3A_146 : memref<256x128xf32, #tpu.memory_space<hbm>>) target_semaphore(%arg17 : memref<!tpu.dma_semaphore, #tpu.memory_space<semaphore_mem>>)
    %dma_wait3A_147 = tpu.memref_slice %arg3[%add3A_102] : memref<65536xi32, #tpu.memory_space<hbm>> -> memref<256xi32, #tpu.memory_space<hbm>>
    %dma_wait3A_148 = tpu.memref_slice %arg3[%add3A_102] : memref<65536xi32, #tpu.memory_space<hbm>> -> memref<256xi32, #tpu.memory_space<hbm>>
    tpu.wait_dma2 semaphore(%arg12 : memref<!tpu.dma_semaphore, #tpu.memory_space<semaphore_mem>>) src(%dma_wait3A_148 : memref<256xi32, #tpu.memory_space<hbm>>) dst(%arg6 : memref<256xi32, #tpu.memory_space<vmem>>)
    %dma_wait3A_149 = arith.constant 0 : i32
    %dma_wait3A_150 = tpu.memref_slice %arg4[%add3A_106, %dma_wait3A_149] : memref<65536x128xf32, #tpu.memory_space<hbm>> -> memref<256x128xf32, #tpu.memory_space<hbm>>
    %dma_wait3A_151 = arith.constant 0 : i32
    %dma_wait3A_152 = tpu.memref_slice %arg4[%add3A_106, %dma_wait3A_151] : memref<65536x128xf32, #tpu.memory_space<hbm>> -> memref<256x128xf32, #tpu.memory_space<hbm>>
    tpu.wait_dma2 semaphore(%arg18 : memref<!tpu.dma_semaphore, #tpu.memory_space<semaphore_mem>>) src(%arg9 : memref<256x128xf32, #tpu.memory_space<vmem>>) dst(%dma_wait3A_152 : memref<256x128xf32, #tpu.memory_space<hbm>>)
    %dma_start3A_153 = arith.constant 0 : i32
    %dma_start3A_154 = arith.constant 0 : i32
    %dma_start3A_155 = tpu.memref_slice %arg2[%dma_start3A_153, %dma_start3A_154] : memref<4096x128xf32, #tpu.memory_space<hbm>> -> memref<4096x128xf32, #tpu.memory_space<hbm>>
    tpu.enqueue_indirect_dma source(%dma_start3A_155 : memref<4096x128xf32, #tpu.memory_space<hbm>>) target(%arg9 : memref<256x128xf32, #tpu.memory_space<vmem>>) offsets(%arg6 : memref<256xi32, #tpu.memory_space<vmem>>) semaphore(%arg15 : memref<!tpu.dma_semaphore, #tpu.memory_space<semaphore_mem>>)
    %dma_wait3A_156 = arith.constant 0 : i32
    %dma_wait3A_157 = arith.constant 0 : i32
    %dma_wait3A_158 = tpu.memref_slice %arg2[%dma_wait3A_156, %dma_wait3A_157] : memref<4096x128xf32, #tpu.memory_space<hbm>> -> memref<4096x128xf32, #tpu.memory_space<hbm>>
    tpu.wait_indirect_dma semaphore(%arg15 : memref<!tpu.dma_semaphore, #tpu.memory_space<semaphore_mem>>) src(%dma_wait3A_158 : memref<4096x128xf32, #tpu.memory_space<hbm>>) dst(%arg9 : memref<256x128xf32, #tpu.memory_space<vmem>>)
    %add3A_159 = arith.constant 1792 : i32
    %add3A_160 = arith.addi %mul3A_2, %add3A_159 : i32
    %dma_start3A_161 = arith.constant 0 : i32
    %dma_start3A_162 = tpu.memref_slice %arg4[%add3A_160, %dma_start3A_161] : memref<65536x128xf32, #tpu.memory_space<hbm>> -> memref<256x128xf32, #tpu.memory_space<hbm>>
    %dma_start3A_163 = arith.constant 0 : i32
    %dma_start3A_164 = tpu.memref_slice %arg4[%add3A_160, %dma_start3A_163] : memref<65536x128xf32, #tpu.memory_space<hbm>> -> memref<256x128xf32, #tpu.memory_space<hbm>>
    tpu.enqueue_dma source(%arg9 : memref<256x128xf32, #tpu.memory_space<vmem>>) target(%dma_start3A_164 : memref<256x128xf32, #tpu.memory_space<hbm>>) target_semaphore(%arg18 : memref<!tpu.dma_semaphore, #tpu.memory_space<semaphore_mem>>)
    %dma_wait3A_165 = arith.constant 0 : i32
    %dma_wait3A_166 = tpu.memref_slice %arg4[%add3A_124, %dma_wait3A_165] : memref<65536x128xf32, #tpu.memory_space<hbm>> -> memref<256x128xf32, #tpu.memory_space<hbm>>
    %dma_wait3A_167 = arith.constant 0 : i32
    %dma_wait3A_168 = tpu.memref_slice %arg4[%add3A_124, %dma_wait3A_167] : memref<65536x128xf32, #tpu.memory_space<hbm>> -> memref<256x128xf32, #tpu.memory_space<hbm>>
    tpu.wait_dma2 semaphore(%arg19 : memref<!tpu.dma_semaphore, #tpu.memory_space<semaphore_mem>>) src(%arg10 : memref<256x128xf32, #tpu.memory_space<vmem>>) dst(%dma_wait3A_168 : memref<256x128xf32, #tpu.memory_space<hbm>>)
    %dma_wait3A_169 = arith.constant 0 : i32
    %dma_wait3A_170 = tpu.memref_slice %arg4[%add3A_142, %dma_wait3A_169] : memref<65536x128xf32, #tpu.memory_space<hbm>> -> memref<256x128xf32, #tpu.memory_space<hbm>>
    %dma_wait3A_171 = arith.constant 0 : i32
    %dma_wait3A_172 = tpu.memref_slice %arg4[%add3A_142, %dma_wait3A_171] : memref<65536x128xf32, #tpu.memory_space<hbm>> -> memref<256x128xf32, #tpu.memory_space<hbm>>
    tpu.wait_dma2 semaphore(%arg17 : memref<!tpu.dma_semaphore, #tpu.memory_space<semaphore_mem>>) src(%arg8 : memref<256x128xf32, #tpu.memory_space<vmem>>) dst(%dma_wait3A_172 : memref<256x128xf32, #tpu.memory_space<hbm>>)
    %dma_wait3A_173 = arith.constant 0 : i32
    %dma_wait3A_174 = tpu.memref_slice %arg4[%add3A_160, %dma_wait3A_173] : memref<65536x128xf32, #tpu.memory_space<hbm>> -> memref<256x128xf32, #tpu.memory_space<hbm>>
    %dma_wait3A_175 = arith.constant 0 : i32
    %dma_wait3A_176 = tpu.memref_slice %arg4[%add3A_160, %dma_wait3A_175] : memref<65536x128xf32, #tpu.memory_space<hbm>> -> memref<256x128xf32, #tpu.memory_space<hbm>>
    tpu.wait_dma2 semaphore(%arg18 : memref<!tpu.dma_semaphore, #tpu.memory_space<semaphore_mem>>) src(%arg9 : memref<256x128xf32, #tpu.memory_space<vmem>>) dst(%dma_wait3A_176 : memref<256x128xf32, #tpu.memory_space<hbm>>)
    return
  }
}

module attributes {stable_mosaic.version = 14 : i64} {
  func.func @_knn_body(%arg0: i32, %arg1: i32, %arg2: memref<1x2048x64xf32, #tpu.memory_space<vmem>>, %arg3: memref<1x256x64xf32, #tpu.memory_space<vmem>>, %arg4: memref<64x128xf32, #tpu.memory_space<vmem>>, %arg5: memref<64x128xf32, #tpu.memory_space<vmem>>, %arg6: memref<1x16x256xi32, #tpu.memory_space<vmem>>, %arg7: memref<1x256x128xf32, #tpu.memory_space<vmem>>, %arg8: memref<1x256x128xf32, #tpu.memory_space<vmem>>) attributes {dimension_semantics = [#tpu.dimension_semantics<arbitrary>, #tpu.dimension_semantics<arbitrary>], iteration_bounds = array<i64: 2, 8>, scalar_prefetch = 0 : i64, scratch_operands = 0 : i64, tpu.core_type = #tpu.core_type<tc>, window_params = [{transform_indices = @transform_0, window_bounds = array<i64: 1, 2048, 64>}, {transform_indices = @transform_1, window_bounds = array<i64: 1, 256, 64>}, {pipeline_mode = #tpu.pipeline_mode<synchronous>, transform_indices = @transform_2, window_bounds = array<i64: 64, 128>}, {pipeline_mode = #tpu.pipeline_mode<synchronous>, transform_indices = @transform_3, window_bounds = array<i64: 64, 128>}, {transform_indices = @transform_4, window_bounds = array<i64: 1, 16, 256>}, {transform_indices = @transform_5, window_bounds = array<i64: 1, 256, 128>}, {transform_indices = @transform_6, window_bounds = array<i64: 1, 256, 128>}]} {
    %get3A = arith.constant 0 : index
    %get3A_0 = arith.constant 0 : index
    %get3A_1 = arith.constant 0 : index
    %get3A_2 = vector.load %arg2[%get3A, %get3A_0, %get3A_1] : memref<1x2048x64xf32, #tpu.memory_space<vmem>>, vector<1x2048x64xf32>
    %get3A_3 = vector.shape_cast %get3A_2 : vector<1x2048x64xf32> to vector<2048x64xf32>
    %get3A_4 = arith.constant 0 : index
    %get3A_5 = arith.constant 0 : index
    %get3A_6 = arith.constant 0 : index
    %get3A_7 = vector.load %arg3[%get3A_4, %get3A_5, %get3A_6] : memref<1x256x64xf32, #tpu.memory_space<vmem>>, vector<1x256x64xf32>
    %get3A_8 = vector.shape_cast %get3A_7 : vector<1x256x64xf32> to vector<256x64xf32>
    %dot_general3A = arith.constant dense<0.000000e+00> : vector<256x2048xf32>
    %dot_general3A_9 = tpu.matmul %get3A_8, %get3A_3, %dot_general3A {dimension_numbers = #tpu.dot_dimension_numbers<[1], [1], [0], [0], [0, 0, 1, 0], [], []>, transpose_lhs_hint = false} : vector<256x64xf32>, vector<2048x64xf32>, vector<256x2048xf32> -> vector<256x2048xf32>
    %mul3A = arith.mulf %get3A_3, %get3A_3 : vector<2048x64xf32>
    %reduce_sum3A = arith.constant dense<0.000000e+00> : vector<2048xf32>
    %reduce_sum3A_10 = vector.multi_reduction <add>, %mul3A, %reduce_sum3A [1] : vector<2048x64xf32> to vector<2048xf32>
    %mul3A_11 = arith.constant 2.000000e+00 : f32
    %mul3A_12 = vector.broadcast %mul3A_11 : f32 to vector<256x2048xf32>
    %mul3A_13 = arith.mulf %mul3A_12, %dot_general3A_9 : vector<256x2048xf32>
    %broadcast_in_dim3A = vector.shape_cast %reduce_sum3A_10 : vector<2048xf32> to vector<1x2048xf32>
    %sub3A = vector.broadcast %broadcast_in_dim3A : vector<1x2048xf32> to vector<256x2048xf32>
    %sub3A_14 = arith.subf %mul3A_13, %sub3A : vector<256x2048xf32>
    %iota3A = tpu.iota {dimensions = array<i32: 1>} : vector<256x2048xi32>
    %mul3A_15 = arith.constant 2048 : i32
    %mul3A_16 = arith.muli %arg0, %mul3A_15 : i32
    %iota3A_17 = tpu.iota {dimensions = array<i32: 1>} : vector<1x256xi32>
    %iota3A_18 = vector.shape_cast %iota3A_17 : vector<1x256xi32> to vector<256xi32>
    %mul3A_19 = arith.constant 256 : i32
    %mul3A_20 = arith.muli %arg1, %mul3A_19 : i32
    %add3A = vector.broadcast %mul3A_20 : i32 to vector<256xi32>
    %add3A_21 = arith.addi %iota3A_18, %add3A : vector<256xi32>
    %add3A_22 = vector.broadcast %mul3A_16 : i32 to vector<256xi32>
    %add3A_23 = arith.addi %add3A_21, %add3A_22 : vector<256xi32>
    %broadcast_in_dim3A_24 = vector.shape_cast %add3A_21 : vector<256xi32> to vector<256x1xi32>
    %eq3A = vector.broadcast %broadcast_in_dim3A_24 : vector<256x1xi32> to vector<256x2048xi32>
    %eq3A_25 = arith.cmpi eq, %iota3A, %eq3A : vector<256x2048xi32>
    %jit3A = arith.constant 0xFF800000 : f32
    %broadcast_in_dim3A_26 = vector.broadcast %jit3A : f32 to vector<256x2048xf32>
    %select_n3A = arith.select %eq3A_25, %broadcast_in_dim3A_26, %sub3A_14 : vector<256x2048xi1>, vector<256x2048xf32>
    %argmax3A = tpu.reduce_index %select_n3A {axis = 1 : i32, kind = #tpu.reduction_kind<arg_max>} : vector<256x2048xf32> -> vector<256xi32>
    %add3A_27 = vector.broadcast %mul3A_16 : i32 to vector<256xi32>
    %add3A_28 = arith.addi %argmax3A, %add3A_27 : vector<256xi32>
    %broadcast_in_dim3A_29 = vector.shape_cast %argmax3A : vector<256xi32> to vector<256x1xi32>
    %eq3A_30 = vector.broadcast %broadcast_in_dim3A_29 : vector<256x1xi32> to vector<256x2048xi32>
    %eq3A_31 = arith.cmpi eq, %iota3A, %eq3A_30 : vector<256x2048xi32>
    %jit3A_32 = arith.constant 0xFF800000 : f32
    %broadcast_in_dim3A_33 = vector.broadcast %jit3A_32 : f32 to vector<256x2048xf32>
    %select_n3A_34 = arith.select %eq3A_31, %broadcast_in_dim3A_33, %select_n3A : vector<256x2048xi1>, vector<256x2048xf32>
    %argmax3A_35 = tpu.reduce_index %select_n3A_34 {axis = 1 : i32, kind = #tpu.reduction_kind<arg_max>} : vector<256x2048xf32> -> vector<256xi32>
    %add3A_36 = vector.broadcast %mul3A_16 : i32 to vector<256xi32>
    %add3A_37 = arith.addi %argmax3A_35, %add3A_36 : vector<256xi32>
    %broadcast_in_dim3A_38 = vector.shape_cast %argmax3A_35 : vector<256xi32> to vector<256x1xi32>
    %eq3A_39 = vector.broadcast %broadcast_in_dim3A_38 : vector<256x1xi32> to vector<256x2048xi32>
    %eq3A_40 = arith.cmpi eq, %iota3A, %eq3A_39 : vector<256x2048xi32>
    %jit3A_41 = arith.constant 0xFF800000 : f32
    %broadcast_in_dim3A_42 = vector.broadcast %jit3A_41 : f32 to vector<256x2048xf32>
    %select_n3A_43 = arith.select %eq3A_40, %broadcast_in_dim3A_42, %select_n3A_34 : vector<256x2048xi1>, vector<256x2048xf32>
    %argmax3A_44 = tpu.reduce_index %select_n3A_43 {axis = 1 : i32, kind = #tpu.reduction_kind<arg_max>} : vector<256x2048xf32> -> vector<256xi32>
    %add3A_45 = vector.broadcast %mul3A_16 : i32 to vector<256xi32>
    %add3A_46 = arith.addi %argmax3A_44, %add3A_45 : vector<256xi32>
    %broadcast_in_dim3A_47 = vector.shape_cast %argmax3A_44 : vector<256xi32> to vector<256x1xi32>
    %eq3A_48 = vector.broadcast %broadcast_in_dim3A_47 : vector<256x1xi32> to vector<256x2048xi32>
    %eq3A_49 = arith.cmpi eq, %iota3A, %eq3A_48 : vector<256x2048xi32>
    %jit3A_50 = arith.constant 0xFF800000 : f32
    %broadcast_in_dim3A_51 = vector.broadcast %jit3A_50 : f32 to vector<256x2048xf32>
    %select_n3A_52 = arith.select %eq3A_49, %broadcast_in_dim3A_51, %select_n3A_43 : vector<256x2048xi1>, vector<256x2048xf32>
    %argmax3A_53 = tpu.reduce_index %select_n3A_52 {axis = 1 : i32, kind = #tpu.reduction_kind<arg_max>} : vector<256x2048xf32> -> vector<256xi32>
    %add3A_54 = vector.broadcast %mul3A_16 : i32 to vector<256xi32>
    %add3A_55 = arith.addi %argmax3A_53, %add3A_54 : vector<256xi32>
    %broadcast_in_dim3A_56 = vector.shape_cast %argmax3A_53 : vector<256xi32> to vector<256x1xi32>
    %eq3A_57 = vector.broadcast %broadcast_in_dim3A_56 : vector<256x1xi32> to vector<256x2048xi32>
    %eq3A_58 = arith.cmpi eq, %iota3A, %eq3A_57 : vector<256x2048xi32>
    %jit3A_59 = arith.constant 0xFF800000 : f32
    %broadcast_in_dim3A_60 = vector.broadcast %jit3A_59 : f32 to vector<256x2048xf32>
    %select_n3A_61 = arith.select %eq3A_58, %broadcast_in_dim3A_60, %select_n3A_52 : vector<256x2048xi1>, vector<256x2048xf32>
    %argmax3A_62 = tpu.reduce_index %select_n3A_61 {axis = 1 : i32, kind = #tpu.reduction_kind<arg_max>} : vector<256x2048xf32> -> vector<256xi32>
    %add3A_63 = vector.broadcast %mul3A_16 : i32 to vector<256xi32>
    %add3A_64 = arith.addi %argmax3A_62, %add3A_63 : vector<256xi32>
    %broadcast_in_dim3A_65 = vector.shape_cast %argmax3A_62 : vector<256xi32> to vector<256x1xi32>
    %eq3A_66 = vector.broadcast %broadcast_in_dim3A_65 : vector<256x1xi32> to vector<256x2048xi32>
    %eq3A_67 = arith.cmpi eq, %iota3A, %eq3A_66 : vector<256x2048xi32>
    %jit3A_68 = arith.constant 0xFF800000 : f32
    %broadcast_in_dim3A_69 = vector.broadcast %jit3A_68 : f32 to vector<256x2048xf32>
    %select_n3A_70 = arith.select %eq3A_67, %broadcast_in_dim3A_69, %select_n3A_61 : vector<256x2048xi1>, vector<256x2048xf32>
    %argmax3A_71 = tpu.reduce_index %select_n3A_70 {axis = 1 : i32, kind = #tpu.reduction_kind<arg_max>} : vector<256x2048xf32> -> vector<256xi32>
    %add3A_72 = vector.broadcast %mul3A_16 : i32 to vector<256xi32>
    %add3A_73 = arith.addi %argmax3A_71, %add3A_72 : vector<256xi32>
    %broadcast_in_dim3A_74 = vector.shape_cast %argmax3A_71 : vector<256xi32> to vector<256x1xi32>
    %eq3A_75 = vector.broadcast %broadcast_in_dim3A_74 : vector<256x1xi32> to vector<256x2048xi32>
    %eq3A_76 = arith.cmpi eq, %iota3A, %eq3A_75 : vector<256x2048xi32>
    %jit3A_77 = arith.constant 0xFF800000 : f32
    %broadcast_in_dim3A_78 = vector.broadcast %jit3A_77 : f32 to vector<256x2048xf32>
    %select_n3A_79 = arith.select %eq3A_76, %broadcast_in_dim3A_78, %select_n3A_70 : vector<256x2048xi1>, vector<256x2048xf32>
    %argmax3A_80 = tpu.reduce_index %select_n3A_79 {axis = 1 : i32, kind = #tpu.reduction_kind<arg_max>} : vector<256x2048xf32> -> vector<256xi32>
    %add3A_81 = vector.broadcast %mul3A_16 : i32 to vector<256xi32>
    %add3A_82 = arith.addi %argmax3A_80, %add3A_81 : vector<256xi32>
    %broadcast_in_dim3A_83 = vector.shape_cast %argmax3A_80 : vector<256xi32> to vector<256x1xi32>
    %eq3A_84 = vector.broadcast %broadcast_in_dim3A_83 : vector<256x1xi32> to vector<256x2048xi32>
    %eq3A_85 = arith.cmpi eq, %iota3A, %eq3A_84 : vector<256x2048xi32>
    %jit3A_86 = arith.constant 0xFF800000 : f32
    %broadcast_in_dim3A_87 = vector.broadcast %jit3A_86 : f32 to vector<256x2048xf32>
    %select_n3A_88 = arith.select %eq3A_85, %broadcast_in_dim3A_87, %select_n3A_79 : vector<256x2048xi1>, vector<256x2048xf32>
    %argmax3A_89 = tpu.reduce_index %select_n3A_88 {axis = 1 : i32, kind = #tpu.reduction_kind<arg_max>} : vector<256x2048xf32> -> vector<256xi32>
    %add3A_90 = vector.broadcast %mul3A_16 : i32 to vector<256xi32>
    %add3A_91 = arith.addi %argmax3A_89, %add3A_90 : vector<256xi32>
    %broadcast_in_dim3A_92 = vector.shape_cast %argmax3A_89 : vector<256xi32> to vector<256x1xi32>
    %eq3A_93 = vector.broadcast %broadcast_in_dim3A_92 : vector<256x1xi32> to vector<256x2048xi32>
    %eq3A_94 = arith.cmpi eq, %iota3A, %eq3A_93 : vector<256x2048xi32>
    %jit3A_95 = arith.constant 0xFF800000 : f32
    %broadcast_in_dim3A_96 = vector.broadcast %jit3A_95 : f32 to vector<256x2048xf32>
    %select_n3A_97 = arith.select %eq3A_94, %broadcast_in_dim3A_96, %select_n3A_88 : vector<256x2048xi1>, vector<256x2048xf32>
    %argmax3A_98 = tpu.reduce_index %select_n3A_97 {axis = 1 : i32, kind = #tpu.reduction_kind<arg_max>} : vector<256x2048xf32> -> vector<256xi32>
    %add3A_99 = vector.broadcast %mul3A_16 : i32 to vector<256xi32>
    %add3A_100 = arith.addi %argmax3A_98, %add3A_99 : vector<256xi32>
    %broadcast_in_dim3A_101 = vector.shape_cast %argmax3A_98 : vector<256xi32> to vector<256x1xi32>
    %eq3A_102 = vector.broadcast %broadcast_in_dim3A_101 : vector<256x1xi32> to vector<256x2048xi32>
    %eq3A_103 = arith.cmpi eq, %iota3A, %eq3A_102 : vector<256x2048xi32>
    %jit3A_104 = arith.constant 0xFF800000 : f32
    %broadcast_in_dim3A_105 = vector.broadcast %jit3A_104 : f32 to vector<256x2048xf32>
    %select_n3A_106 = arith.select %eq3A_103, %broadcast_in_dim3A_105, %select_n3A_97 : vector<256x2048xi1>, vector<256x2048xf32>
    %argmax3A_107 = tpu.reduce_index %select_n3A_106 {axis = 1 : i32, kind = #tpu.reduction_kind<arg_max>} : vector<256x2048xf32> -> vector<256xi32>
    %add3A_108 = vector.broadcast %mul3A_16 : i32 to vector<256xi32>
    %add3A_109 = arith.addi %argmax3A_107, %add3A_108 : vector<256xi32>
    %broadcast_in_dim3A_110 = vector.shape_cast %argmax3A_107 : vector<256xi32> to vector<256x1xi32>
    %eq3A_111 = vector.broadcast %broadcast_in_dim3A_110 : vector<256x1xi32> to vector<256x2048xi32>
    %eq3A_112 = arith.cmpi eq, %iota3A, %eq3A_111 : vector<256x2048xi32>
    %jit3A_113 = arith.constant 0xFF800000 : f32
    %broadcast_in_dim3A_114 = vector.broadcast %jit3A_113 : f32 to vector<256x2048xf32>
    %select_n3A_115 = arith.select %eq3A_112, %broadcast_in_dim3A_114, %select_n3A_106 : vector<256x2048xi1>, vector<256x2048xf32>
    %argmax3A_116 = tpu.reduce_index %select_n3A_115 {axis = 1 : i32, kind = #tpu.reduction_kind<arg_max>} : vector<256x2048xf32> -> vector<256xi32>
    %add3A_117 = vector.broadcast %mul3A_16 : i32 to vector<256xi32>
    %add3A_118 = arith.addi %argmax3A_116, %add3A_117 : vector<256xi32>
    %broadcast_in_dim3A_119 = vector.shape_cast %argmax3A_116 : vector<256xi32> to vector<256x1xi32>
    %eq3A_120 = vector.broadcast %broadcast_in_dim3A_119 : vector<256x1xi32> to vector<256x2048xi32>
    %eq3A_121 = arith.cmpi eq, %iota3A, %eq3A_120 : vector<256x2048xi32>
    %jit3A_122 = arith.constant 0xFF800000 : f32
    %broadcast_in_dim3A_123 = vector.broadcast %jit3A_122 : f32 to vector<256x2048xf32>
    %select_n3A_124 = arith.select %eq3A_121, %broadcast_in_dim3A_123, %select_n3A_115 : vector<256x2048xi1>, vector<256x2048xf32>
    %argmax3A_125 = tpu.reduce_index %select_n3A_124 {axis = 1 : i32, kind = #tpu.reduction_kind<arg_max>} : vector<256x2048xf32> -> vector<256xi32>
    %add3A_126 = vector.broadcast %mul3A_16 : i32 to vector<256xi32>
    %add3A_127 = arith.addi %argmax3A_125, %add3A_126 : vector<256xi32>
    %broadcast_in_dim3A_128 = vector.shape_cast %argmax3A_125 : vector<256xi32> to vector<256x1xi32>
    %eq3A_129 = vector.broadcast %broadcast_in_dim3A_128 : vector<256x1xi32> to vector<256x2048xi32>
    %eq3A_130 = arith.cmpi eq, %iota3A, %eq3A_129 : vector<256x2048xi32>
    %jit3A_131 = arith.constant 0xFF800000 : f32
    %broadcast_in_dim3A_132 = vector.broadcast %jit3A_131 : f32 to vector<256x2048xf32>
    %select_n3A_133 = arith.select %eq3A_130, %broadcast_in_dim3A_132, %select_n3A_124 : vector<256x2048xi1>, vector<256x2048xf32>
    %argmax3A_134 = tpu.reduce_index %select_n3A_133 {axis = 1 : i32, kind = #tpu.reduction_kind<arg_max>} : vector<256x2048xf32> -> vector<256xi32>
    %add3A_135 = vector.broadcast %mul3A_16 : i32 to vector<256xi32>
    %add3A_136 = arith.addi %argmax3A_134, %add3A_135 : vector<256xi32>
    %broadcast_in_dim3A_137 = vector.shape_cast %argmax3A_134 : vector<256xi32> to vector<256x1xi32>
    %eq3A_138 = vector.broadcast %broadcast_in_dim3A_137 : vector<256x1xi32> to vector<256x2048xi32>
    %eq3A_139 = arith.cmpi eq, %iota3A, %eq3A_138 : vector<256x2048xi32>
    %jit3A_140 = arith.constant 0xFF800000 : f32
    %broadcast_in_dim3A_141 = vector.broadcast %jit3A_140 : f32 to vector<256x2048xf32>
    %select_n3A_142 = arith.select %eq3A_139, %broadcast_in_dim3A_141, %select_n3A_133 : vector<256x2048xi1>, vector<256x2048xf32>
    %argmax3A_143 = tpu.reduce_index %select_n3A_142 {axis = 1 : i32, kind = #tpu.reduction_kind<arg_max>} : vector<256x2048xf32> -> vector<256xi32>
    %add3A_144 = vector.broadcast %mul3A_16 : i32 to vector<256xi32>
    %add3A_145 = arith.addi %argmax3A_143, %add3A_144 : vector<256xi32>
    %broadcast_in_dim3A_146 = vector.shape_cast %argmax3A_143 : vector<256xi32> to vector<256x1xi32>
    %eq3A_147 = vector.broadcast %broadcast_in_dim3A_146 : vector<256x1xi32> to vector<256x2048xi32>
    %eq3A_148 = arith.cmpi eq, %iota3A, %eq3A_147 : vector<256x2048xi32>
    %jit3A_149 = arith.constant 0xFF800000 : f32
    %broadcast_in_dim3A_150 = vector.broadcast %jit3A_149 : f32 to vector<256x2048xf32>
    %select_n3A_151 = arith.select %eq3A_148, %broadcast_in_dim3A_150, %select_n3A_142 : vector<256x2048xi1>, vector<256x2048xf32>
    %argmax3A_152 = tpu.reduce_index %select_n3A_151 {axis = 1 : i32, kind = #tpu.reduction_kind<arg_max>} : vector<256x2048xf32> -> vector<256xi32>
    %add3A_153 = vector.broadcast %mul3A_16 : i32 to vector<256xi32>
    %add3A_154 = arith.addi %argmax3A_152, %add3A_153 : vector<256xi32>
    %stack3A = vector.shape_cast %add3A_23 : vector<256xi32> to vector<1x256xi32>
    %stack3A_155 = vector.shape_cast %add3A_28 : vector<256xi32> to vector<1x256xi32>
    %stack3A_156 = vector.shape_cast %add3A_37 : vector<256xi32> to vector<1x256xi32>
    %stack3A_157 = vector.shape_cast %add3A_46 : vector<256xi32> to vector<1x256xi32>
    %stack3A_158 = vector.shape_cast %add3A_55 : vector<256xi32> to vector<1x256xi32>
    %stack3A_159 = vector.shape_cast %add3A_64 : vector<256xi32> to vector<1x256xi32>
    %stack3A_160 = vector.shape_cast %add3A_73 : vector<256xi32> to vector<1x256xi32>
    %stack3A_161 = vector.shape_cast %add3A_82 : vector<256xi32> to vector<1x256xi32>
    %stack3A_162 = vector.shape_cast %add3A_91 : vector<256xi32> to vector<1x256xi32>
    %stack3A_163 = vector.shape_cast %add3A_100 : vector<256xi32> to vector<1x256xi32>
    %stack3A_164 = vector.shape_cast %add3A_109 : vector<256xi32> to vector<1x256xi32>
    %stack3A_165 = vector.shape_cast %add3A_118 : vector<256xi32> to vector<1x256xi32>
    %stack3A_166 = vector.shape_cast %add3A_127 : vector<256xi32> to vector<1x256xi32>
    %stack3A_167 = vector.shape_cast %add3A_136 : vector<256xi32> to vector<1x256xi32>
    %stack3A_168 = vector.shape_cast %add3A_145 : vector<256xi32> to vector<1x256xi32>
    %stack3A_169 = vector.shape_cast %add3A_154 : vector<256xi32> to vector<1x256xi32>
    %stack3A_170 = tpu.concatenate %stack3A, %stack3A_155, %stack3A_156, %stack3A_157, %stack3A_158, %stack3A_159, %stack3A_160, %stack3A_161, %stack3A_162, %stack3A_163, %stack3A_164, %stack3A_165, %stack3A_166, %stack3A_167, %stack3A_168, %stack3A_169 in 0 : vector<1x256xi32>, vector<1x256xi32>, vector<1x256xi32>, vector<1x256xi32>, vector<1x256xi32>, vector<1x256xi32>, vector<1x256xi32>, vector<1x256xi32>, vector<1x256xi32>, vector<1x256xi32>, vector<1x256xi32>, vector<1x256xi32>, vector<1x256xi32>, vector<1x256xi32>, vector<1x256xi32>, vector<1x256xi32> -> vector<16x256xi32>
    %swap3A = arith.constant 0 : index
    %swap3A_171 = arith.constant 0 : index
    %swap3A_172 = arith.constant 0 : index
    %swap3A_173 = vector.load %arg6[%swap3A, %swap3A_171, %swap3A_172] : memref<1x16x256xi32, #tpu.memory_space<vmem>>, vector<1x16x256xi32>
    %swap3A_174 = vector.shape_cast %swap3A_173 : vector<1x16x256xi32> to vector<16x256xi32>
    %swap3A_175 = vector.shape_cast %stack3A_170 : vector<16x256xi32> to vector<1x16x256xi32>
    tpu.vector_store %arg6[%swap3A, %swap3A_171, %swap3A_172], %swap3A_175 {strides = array<i32>} : memref<1x16x256xi32, #tpu.memory_space<vmem>>, vector<1x16x256xi32>,
    %get3A_176 = arith.constant 0 : index
    %get3A_177 = arith.constant 0 : index
    %get3A_178 = vector.load %arg4[%get3A_176, %get3A_177] : memref<64x128xf32, #tpu.memory_space<vmem>>, vector<64x128xf32>
    %dot_general3A_179 = arith.constant dense<0.000000e+00> : vector<256x128xf32>
    %dot_general3A_180 = tpu.matmul %get3A_8, %get3A_178, %dot_general3A_179 {dimension_numbers = #tpu.dot_dimension_numbers<[1], [0], [0], [1], [0, 0, 1, 1], [], []>, precision = #tpu.contract_precision<fp32>, transpose_lhs_hint = false} : vector<256x64xf32>, vector<64x128xf32>, vector<256x128xf32> -> vector<256x128xf32>
    %swap3A_181 = arith.constant 0 : index
    %swap3A_182 = arith.constant 0 : index
    %swap3A_183 = arith.constant 0 : index
    %swap3A_184 = vector.load %arg7[%swap3A_181, %swap3A_182, %swap3A_183] : memref<1x256x128xf32, #tpu.memory_space<vmem>>, vector<1x256x128xf32>
    %swap3A_185 = vector.shape_cast %swap3A_184 : vector<1x256x128xf32> to vector<256x128xf32>
    %swap3A_186 = vector.shape_cast %dot_general3A_180 : vector<256x128xf32> to vector<1x256x128xf32>
    tpu.vector_store %arg7[%swap3A_181, %swap3A_182, %swap3A_183], %swap3A_186 {strides = array<i32>} : memref<1x256x128xf32, #tpu.memory_space<vmem>>, vector<1x256x128xf32>,
    %get3A_187 = arith.constant 0 : index
    %get3A_188 = arith.constant 0 : index
    %get3A_189 = vector.load %arg5[%get3A_187, %get3A_188] : memref<64x128xf32, #tpu.memory_space<vmem>>, vector<64x128xf32>
    %dot_general3A_190 = arith.constant dense<0.000000e+00> : vector<256x128xf32>
    %dot_general3A_191 = tpu.matmul %get3A_8, %get3A_189, %dot_general3A_190 {dimension_numbers = #tpu.dot_dimension_numbers<[1], [0], [0], [1], [0, 0, 1, 1], [], []>, precision = #tpu.contract_precision<fp32>, transpose_lhs_hint = false} : vector<256x64xf32>, vector<64x128xf32>, vector<256x128xf32> -> vector<256x128xf32>
    %swap3A_192 = arith.constant 0 : index
    %swap3A_193 = arith.constant 0 : index
    %swap3A_194 = arith.constant 0 : index
    %swap3A_195 = vector.load %arg8[%swap3A_192, %swap3A_193, %swap3A_194] : memref<1x256x128xf32, #tpu.memory_space<vmem>>, vector<1x256x128xf32>
    %swap3A_196 = vector.shape_cast %swap3A_195 : vector<1x256x128xf32> to vector<256x128xf32>
    %swap3A_197 = vector.shape_cast %dot_general3A_191 : vector<256x128xf32> to vector<1x256x128xf32>
    tpu.vector_store %arg8[%swap3A_192, %swap3A_193, %swap3A_194], %swap3A_197 {strides = array<i32>} : memref<1x256x128xf32, #tpu.memory_space<vmem>>, vector<1x256x128xf32>,
    return
  }
  func.func @transform_0(%arg0: i32, %arg1: i32) -> (i32, i32, i32) {
    %c0_i32 = arith.constant 0 : i32
    %c0_i32_0 = arith.constant 0 : i32
    %c0_i32_1 = arith.constant 0 : i32
    return %arg0, %c0_i32, %c0_i32_0 : i32, i32, i32
  }
  func.func @transform_1(%arg0: i32, %arg1: i32) -> (i32, i32, i32) {
    %c0_i32 = arith.constant 0 : i32
    %c0_i32_0 = arith.constant 0 : i32
    return %arg0, %arg1, %c0_i32 : i32, i32, i32
  }
  func.func @transform_2(%arg0: i32, %arg1: i32) -> (i32, i32) {
    %c0_i32 = arith.constant 0 : i32
    %c0_i32_0 = arith.constant 0 : i32
    %c0_i32_1 = arith.constant 0 : i32
    return %c0_i32, %c0_i32_0 : i32, i32
  }
  func.func @transform_3(%arg0: i32, %arg1: i32) -> (i32, i32) {
    %c0_i32 = arith.constant 0 : i32
    %c0_i32_0 = arith.constant 0 : i32
    %c0_i32_1 = arith.constant 0 : i32
    return %c0_i32, %c0_i32_0 : i32, i32
  }
  func.func @transform_4(%arg0: i32, %arg1: i32) -> (i32, i32, i32) {
    %c0_i32 = arith.constant 0 : i32
    %c0_i32_0 = arith.constant 0 : i32
    return %arg0, %c0_i32, %arg1 : i32, i32, i32
  }
  func.func @transform_5(%arg0: i32, %arg1: i32) -> (i32, i32, i32) {
    %c0_i32 = arith.constant 0 : i32
    %c0_i32_0 = arith.constant 0 : i32
    return %arg0, %arg1, %c0_i32 : i32, i32, i32
  }
  func.func @transform_6(%arg0: i32, %arg1: i32) -> (i32, i32, i32) {
    %c0_i32 = arith.constant 0 : i32
    %c0_i32_0 = arith.constant 0 : i32
    return %arg0, %arg1, %c0_i32 : i32, i32, i32
  }
}

module attributes {stable_mosaic.version = 14 : i64} {
  func.func @_reduce_body(%arg0: i32, %arg1: i32, %arg2: memref<1x16x512x128xf32, #tpu.memory_space<vmem>>, %arg3: memref<1x512x128xf32, #tpu.memory_space<vmem>>, %arg4: memref<1x512x128xf32, #tpu.memory_space<vmem>>, %arg5: memref<1x128xf32, #tpu.memory_space<vmem>>, %arg6: memref<1x128xf32, #tpu.memory_space<vmem>>, %arg7: memref<1x128xf32, #tpu.memory_space<vmem>>, %arg8: memref<1x128xf32, #tpu.memory_space<vmem>>, %arg9: memref<1x128xf32, #tpu.memory_space<vmem>>) attributes {dimension_semantics = [#tpu.dimension_semantics<arbitrary>, #tpu.dimension_semantics<arbitrary>], iteration_bounds = array<i64: 2, 4>, scalar_prefetch = 0 : i64, scratch_operands = 0 : i64, tpu.core_type = #tpu.core_type<tc>, window_params = [{transform_indices = @transform_0, window_bounds = array<i64: 1, 16, 512, 128>}, {transform_indices = @transform_1, window_bounds = array<i64: 1, 512, 128>}, {transform_indices = @transform_2, window_bounds = array<i64: 1, 512, 128>}, {pipeline_mode = #tpu.pipeline_mode<synchronous>, transform_indices = @transform_3, window_bounds = array<i64: 1, 128>}, {pipeline_mode = #tpu.pipeline_mode<synchronous>, transform_indices = @transform_4, window_bounds = array<i64: 1, 128>}, {pipeline_mode = #tpu.pipeline_mode<synchronous>, transform_indices = @transform_5, window_bounds = array<i64: 1, 128>}, {pipeline_mode = #tpu.pipeline_mode<synchronous>, transform_indices = @transform_6, window_bounds = array<i64: 1, 128>}, {pipeline_mode = #tpu.pipeline_mode<synchronous>, transform_indices = @transform_7, window_bounds = array<i64: 1, 128>}]} {
    %get3A = arith.constant 0 : index
    %get3A_0 = arith.constant 0 : index
    %get3A_1 = arith.constant 0 : index
    %get3A_2 = arith.constant 0 : index
    %get3A_3 = vector.load %arg2[%get3A, %get3A_0, %get3A_1, %get3A_2] : memref<1x16x512x128xf32, #tpu.memory_space<vmem>>, vector<1x16x512x128xf32>
    %get3A_4 = vector.shape_cast %get3A_3 : vector<1x16x512x128xf32> to vector<16x512x128xf32>
    %reduce_max3A = arith.constant dense<0xFF800000> : vector<512x128xf32>
    %reduce_max3A_5 = vector.multi_reduction <maximumf>, %get3A_4, %reduce_max3A [0] : vector<16x512x128xf32> to vector<512x128xf32>
    %reduce_sum3A = arith.constant dense<0.000000e+00> : vector<512x128xf32>
    %reduce_sum3A_6 = vector.multi_reduction <add>, %get3A_4, %reduce_sum3A [0] : vector<16x512x128xf32> to vector<512x128xf32>
    %mul3A = arith.mulf %get3A_4, %get3A_4 : vector<16x512x128xf32>
    %reduce_sum3A_7 = arith.constant dense<0.000000e+00> : vector<512x128xf32>
    %reduce_sum3A_8 = vector.multi_reduction <add>, %mul3A, %reduce_sum3A_7 [0] : vector<16x512x128xf32> to vector<512x128xf32>
    %get3A_9 = arith.constant 0 : index
    %get3A_10 = arith.constant 0 : index
    %get3A_11 = arith.constant 0 : index
    %get3A_12 = vector.load %arg3[%get3A_9, %get3A_10, %get3A_11] : memref<1x512x128xf32, #tpu.memory_space<vmem>>, vector<1x512x128xf32>
    %get3A_13 = vector.shape_cast %get3A_12 : vector<1x512x128xf32> to vector<512x128xf32>
    %add3A = arith.addf %reduce_max3A_5, %get3A_13 : vector<512x128xf32>
    %swap3A = arith.constant 0 : index
    %swap3A_14 = arith.constant 0 : index
    %swap3A_15 = arith.constant 0 : index
    %swap3A_16 = vector.load %arg4[%swap3A, %swap3A_14, %swap3A_15] : memref<1x512x128xf32, #tpu.memory_space<vmem>>, vector<1x512x128xf32>
    %swap3A_17 = vector.shape_cast %swap3A_16 : vector<1x512x128xf32> to vector<512x128xf32>
    %swap3A_18 = vector.shape_cast %add3A : vector<512x128xf32> to vector<1x512x128xf32>
    tpu.vector_store %arg4[%swap3A, %swap3A_14, %swap3A_15], %swap3A_18 {strides = array<i32>} : memref<1x512x128xf32, #tpu.memory_space<vmem>>, vector<1x512x128xf32>,
    %reduce_sum3A_19 = arith.constant dense<0.000000e+00> : vector<128xf32>
    %reduce_sum3A_20 = vector.multi_reduction <add>, %reduce_sum3A_6, %reduce_sum3A_19 [0] : vector<512x128xf32> to vector<128xf32>
    %broadcast_in_dim3A = vector.shape_cast %reduce_sum3A_20 : vector<128xf32> to vector<1x128xf32>
    %reduce_sum3A_21 = arith.constant dense<0.000000e+00> : vector<128xf32>
    %reduce_sum3A_22 = vector.multi_reduction <add>, %reduce_sum3A_8, %reduce_sum3A_21 [0] : vector<512x128xf32> to vector<128xf32>
    %broadcast_in_dim3A_23 = vector.shape_cast %reduce_sum3A_22 : vector<128xf32> to vector<1x128xf32>
    %mul3A_24 = arith.mulf %get3A_13, %reduce_sum3A_6 : vector<512x128xf32>
    %reduce_sum3A_25 = arith.constant dense<0.000000e+00> : vector<128xf32>
    %reduce_sum3A_26 = vector.multi_reduction <add>, %mul3A_24, %reduce_sum3A_25 [0] : vector<512x128xf32> to vector<128xf32>
    %broadcast_in_dim3A_27 = vector.shape_cast %reduce_sum3A_26 : vector<128xf32> to vector<1x128xf32>
    %reduce_sum3A_28 = arith.constant dense<0.000000e+00> : vector<128xf32>
    %reduce_sum3A_29 = vector.multi_reduction <add>, %get3A_13, %reduce_sum3A_28 [0] : vector<512x128xf32> to vector<128xf32>
    %broadcast_in_dim3A_30 = vector.shape_cast %reduce_sum3A_29 : vector<128xf32> to vector<1x128xf32>
    %mul3A_31 = arith.mulf %get3A_13, %get3A_13 : vector<512x128xf32>
    %reduce_sum3A_32 = arith.constant dense<0.000000e+00> : vector<128xf32>
    %reduce_sum3A_33 = vector.multi_reduction <add>, %mul3A_31, %reduce_sum3A_32 [0] : vector<512x128xf32> to vector<128xf32>
    %broadcast_in_dim3A_34 = vector.shape_cast %reduce_sum3A_33 : vector<128xf32> to vector<1x128xf32>
    %add3A_35 = arith.addi %arg0, %arg1 : i32
    %eq3A = arith.constant 0 : i32
    %eq3A_36 = arith.cmpi eq, %add3A_35, %eq3A : i32
    %convert_element_type3A = arith.extui %eq3A_36 : i1 to i32
    %cond3A = arith.constant 0 : i32
    %cond3A_37 = arith.cmpi ne, %convert_element_type3A, %cond3A : i32
    scf.if %cond3A_37 {
      %swap3A_43 = arith.constant 0 : index
      %swap3A_44 = arith.constant 0 : index
      %swap3A_45 = vector.load %arg5[%swap3A_43, %swap3A_44] : memref<1x128xf32, #tpu.memory_space<vmem>>, vector<1x128xf32>
      tpu.vector_store %arg5[%swap3A_43, %swap3A_44], %broadcast_in_dim3A {strides = array<i32>} : memref<1x128xf32, #tpu.memory_space<vmem>>, vector<1x128xf32>,
      %swap3A_46 = arith.constant 0 : index
      %swap3A_47 = arith.constant 0 : index
      %swap3A_48 = vector.load %arg6[%swap3A_46, %swap3A_47] : memref<1x128xf32, #tpu.memory_space<vmem>>, vector<1x128xf32>
      tpu.vector_store %arg6[%swap3A_46, %swap3A_47], %broadcast_in_dim3A_23 {strides = array<i32>} : memref<1x128xf32, #tpu.memory_space<vmem>>, vector<1x128xf32>,
      %swap3A_49 = arith.constant 0 : index
      %swap3A_50 = arith.constant 0 : index
      %swap3A_51 = vector.load %arg7[%swap3A_49, %swap3A_50] : memref<1x128xf32, #tpu.memory_space<vmem>>, vector<1x128xf32>
      tpu.vector_store %arg7[%swap3A_49, %swap3A_50], %broadcast_in_dim3A_27 {strides = array<i32>} : memref<1x128xf32, #tpu.memory_space<vmem>>, vector<1x128xf32>,
      %swap3A_52 = arith.constant 0 : index
      %swap3A_53 = arith.constant 0 : index
      %swap3A_54 = vector.load %arg8[%swap3A_52, %swap3A_53] : memref<1x128xf32, #tpu.memory_space<vmem>>, vector<1x128xf32>
      tpu.vector_store %arg8[%swap3A_52, %swap3A_53], %broadcast_in_dim3A_30 {strides = array<i32>} : memref<1x128xf32, #tpu.memory_space<vmem>>, vector<1x128xf32>,
      %swap3A_55 = arith.constant 0 : index
      %swap3A_56 = arith.constant 0 : index
      %swap3A_57 = vector.load %arg9[%swap3A_55, %swap3A_56] : memref<1x128xf32, #tpu.memory_space<vmem>>, vector<1x128xf32>
      tpu.vector_store %arg9[%swap3A_55, %swap3A_56], %broadcast_in_dim3A_34 {strides = array<i32>} : memref<1x128xf32, #tpu.memory_space<vmem>>, vector<1x128xf32>,
    } else {
    }
    %add3A_38 = arith.addi %arg0, %arg1 : i32
    %ne3A = arith.constant 0 : i32
    %ne3A_39 = arith.cmpi ne, %add3A_38, %ne3A : i32
    %convert_element_type3A_40 = arith.extui %ne3A_39 : i1 to i32
    %cond3A_41 = arith.constant 0 : i32
    %cond3A_42 = arith.cmpi ne, %convert_element_type3A_40, %cond3A_41 : i32
    scf.if %cond3A_42 {
      %get3A_43 = arith.constant 0 : index
      %get3A_44 = arith.constant 0 : index
      %get3A_45 = vector.load %arg5[%get3A_43, %get3A_44] : memref<1x128xf32, #tpu.memory_space<vmem>>, vector<1x128xf32>
      %add3A_46 = arith.addf %get3A_45, %broadcast_in_dim3A : vector<1x128xf32>
      %swap3A_47 = arith.constant 0 : index
      %swap3A_48 = arith.constant 0 : index
      %swap3A_49 = vector.load %arg5[%swap3A_47, %swap3A_48] : memref<1x128xf32, #tpu.memory_space<vmem>>, vector<1x128xf32>
      tpu.vector_store %arg5[%swap3A_47, %swap3A_48], %add3A_46 {strides = array<i32>} : memref<1x128xf32, #tpu.memory_space<vmem>>, vector<1x128xf32>,
      %get3A_50 = arith.constant 0 : index
      %get3A_51 = arith.constant 0 : index
      %get3A_52 = vector.load %arg6[%get3A_50, %get3A_51] : memref<1x128xf32, #tpu.memory_space<vmem>>, vector<1x128xf32>
      %add3A_53 = arith.addf %get3A_52, %broadcast_in_dim3A_23 : vector<1x128xf32>
      %swap3A_54 = arith.constant 0 : index
      %swap3A_55 = arith.constant 0 : index
      %swap3A_56 = vector.load %arg6[%swap3A_54, %swap3A_55] : memref<1x128xf32, #tpu.memory_space<vmem>>, vector<1x128xf32>
      tpu.vector_store %arg6[%swap3A_54, %swap3A_55], %add3A_53 {strides = array<i32>} : memref<1x128xf32, #tpu.memory_space<vmem>>, vector<1x128xf32>,
      %get3A_57 = arith.constant 0 : index
      %get3A_58 = arith.constant 0 : index
      %get3A_59 = vector.load %arg7[%get3A_57, %get3A_58] : memref<1x128xf32, #tpu.memory_space<vmem>>, vector<1x128xf32>
      %add3A_60 = arith.addf %get3A_59, %broadcast_in_dim3A_27 : vector<1x128xf32>
      %swap3A_61 = arith.constant 0 : index
      %swap3A_62 = arith.constant 0 : index
      %swap3A_63 = vector.load %arg7[%swap3A_61, %swap3A_62] : memref<1x128xf32, #tpu.memory_space<vmem>>, vector<1x128xf32>
      tpu.vector_store %arg7[%swap3A_61, %swap3A_62], %add3A_60 {strides = array<i32>} : memref<1x128xf32, #tpu.memory_space<vmem>>, vector<1x128xf32>,
      %get3A_64 = arith.constant 0 : index
      %get3A_65 = arith.constant 0 : index
      %get3A_66 = vector.load %arg8[%get3A_64, %get3A_65] : memref<1x128xf32, #tpu.memory_space<vmem>>, vector<1x128xf32>
      %add3A_67 = arith.addf %get3A_66, %broadcast_in_dim3A_30 : vector<1x128xf32>
      %swap3A_68 = arith.constant 0 : index
      %swap3A_69 = arith.constant 0 : index
      %swap3A_70 = vector.load %arg8[%swap3A_68, %swap3A_69] : memref<1x128xf32, #tpu.memory_space<vmem>>, vector<1x128xf32>
      tpu.vector_store %arg8[%swap3A_68, %swap3A_69], %add3A_67 {strides = array<i32>} : memref<1x128xf32, #tpu.memory_space<vmem>>, vector<1x128xf32>,
      %get3A_71 = arith.constant 0 : index
      %get3A_72 = arith.constant 0 : index
      %get3A_73 = vector.load %arg9[%get3A_71, %get3A_72] : memref<1x128xf32, #tpu.memory_space<vmem>>, vector<1x128xf32>
      %add3A_74 = arith.addf %get3A_73, %broadcast_in_dim3A_34 : vector<1x128xf32>
      %swap3A_75 = arith.constant 0 : index
      %swap3A_76 = arith.constant 0 : index
      %swap3A_77 = vector.load %arg9[%swap3A_75, %swap3A_76] : memref<1x128xf32, #tpu.memory_space<vmem>>, vector<1x128xf32>
      tpu.vector_store %arg9[%swap3A_75, %swap3A_76], %add3A_74 {strides = array<i32>} : memref<1x128xf32, #tpu.memory_space<vmem>>, vector<1x128xf32>,
    } else {
    }
    return
  }
  func.func @transform_0(%arg0: i32, %arg1: i32) -> (i32, i32, i32, i32) {
    %c0_i32 = arith.constant 0 : i32
    %c0_i32_0 = arith.constant 0 : i32
    %c0_i32_1 = arith.constant 0 : i32
    return %arg0, %c0_i32, %arg1, %c0_i32_0 : i32, i32, i32, i32
  }
  func.func @transform_1(%arg0: i32, %arg1: i32) -> (i32, i32, i32) {
    %c0_i32 = arith.constant 0 : i32
    %c0_i32_0 = arith.constant 0 : i32
    return %arg0, %arg1, %c0_i32 : i32, i32, i32
  }
  func.func @transform_2(%arg0: i32, %arg1: i32) -> (i32, i32, i32) {
    %c0_i32 = arith.constant 0 : i32
    %c0_i32_0 = arith.constant 0 : i32
    return %arg0, %arg1, %c0_i32 : i32, i32, i32
  }
  func.func @transform_3(%arg0: i32, %arg1: i32) -> (i32, i32) {
    %c0_i32 = arith.constant 0 : i32
    %c0_i32_0 = arith.constant 0 : i32
    %c0_i32_1 = arith.constant 0 : i32
    return %c0_i32, %c0_i32_0 : i32, i32
  }
  func.func @transform_4(%arg0: i32, %arg1: i32) -> (i32, i32) {
    %c0_i32 = arith.constant 0 : i32
    %c0_i32_0 = arith.constant 0 : i32
    %c0_i32_1 = arith.constant 0 : i32
    return %c0_i32, %c0_i32_0 : i32, i32
  }
  func.func @transform_5(%arg0: i32, %arg1: i32) -> (i32, i32) {
    %c0_i32 = arith.constant 0 : i32
    %c0_i32_0 = arith.constant 0 : i32
    %c0_i32_1 = arith.constant 0 : i32
    return %c0_i32, %c0_i32_0 : i32, i32
  }
  func.func @transform_6(%arg0: i32, %arg1: i32) -> (i32, i32) {
    %c0_i32 = arith.constant 0 : i32
    %c0_i32_0 = arith.constant 0 : i32
    %c0_i32_1 = arith.constant 0 : i32
    return %c0_i32, %c0_i32_0 : i32, i32
  }
  func.func @transform_7(%arg0: i32, %arg1: i32) -> (i32, i32) {
    %c0_i32 = arith.constant 0 : i32
    %c0_i32_0 = arith.constant 0 : i32
    %c0_i32_1 = arith.constant 0 : i32
    return %c0_i32, %c0_i32_0 : i32, i32
  }
}

module attributes {stable_mosaic.version = 14 : i64} {
  func.func @body(%arg0: i32, %arg1: i32, %arg2: memref<1x512x128xf32, #tpu.memory_space<vmem>>, %arg3: memref<1x128xf32, #tpu.memory_space<vmem>>, %arg4: memref<1x128xf32, #tpu.memory_space<vmem>>, %arg5: memref<1x128xf32, #tpu.memory_space<vmem>>, %arg6: memref<1x128xf32, #tpu.memory_space<vmem>>, %arg7: memref<1x128xf32, #tpu.memory_space<vmem>>, %arg8: memref<1x128xf32, #tpu.memory_space<vmem>>, %arg9: memref<1x128xf32, #tpu.memory_space<vmem>>, %arg10: memref<1x128xf32, #tpu.memory_space<vmem>>, %arg11: memref<1x128xf32, #tpu.memory_space<vmem>>, %arg12: memref<1x128xf32, #tpu.memory_space<vmem>>, %arg13: memref<1x128xf32, #tpu.memory_space<vmem>>, %arg14: memref<1x128xf32, #tpu.memory_space<vmem>>, %arg15: memref<1x128xf32, #tpu.memory_space<vmem>>, %arg16: memref<1x128xf32, #tpu.memory_space<vmem>>, %arg17: memref<1x128xf32, #tpu.memory_space<vmem>>, %arg18: memref<1x128xf32, #tpu.memory_space<vmem>>, %arg19: memref<1x128xf32, #tpu.memory_space<vmem>>, %arg20: memref<1x128xf32, #tpu.memory_space<vmem>>, %arg21: memref<1x128xf32, #tpu.memory_space<vmem>>, %arg22: memref<1x128xf32, #tpu.memory_space<vmem>>, %arg23: memref<1x128xf32, #tpu.memory_space<vmem>>, %arg24: memref<1x128xf32, #tpu.memory_space<vmem>>, %arg25: memref<1x1xf32, #tpu.memory_space<smem>>, %arg26: memref<1x128x512xf32, #tpu.memory_space<vmem>>) attributes {dimension_semantics = [#tpu.dimension_semantics<arbitrary>, #tpu.dimension_semantics<arbitrary>], iteration_bounds = array<i64: 2, 4>, scalar_prefetch = 0 : i64, scratch_operands = 0 : i64, tpu.core_type = #tpu.core_type<tc>, window_params = [{transform_indices = @transform_0, window_bounds = array<i64: 1, 512, 128>}, {pipeline_mode = #tpu.pipeline_mode<synchronous>, transform_indices = @transform_1, window_bounds = array<i64: 1, 128>}, {pipeline_mode = #tpu.pipeline_mode<synchronous>, transform_indices = @transform_2, window_bounds = array<i64: 1, 128>}, {pipeline_mode = #tpu.pipeline_mode<synchronous>, transform_indices = @transform_3, window_bounds = array<i64: 1, 128>}, {pipeline_mode = #tpu.pipeline_mode<synchronous>, transform_indices = @transform_4, window_bounds = array<i64: 1, 128>}, {pipeline_mode = #tpu.pipeline_mode<synchronous>, transform_indices = @transform_5, window_bounds = array<i64: 1, 128>}, {pipeline_mode = #tpu.pipeline_mode<synchronous>, transform_indices = @transform_6, window_bounds = array<i64: 1, 128>}, {pipeline_mode = #tpu.pipeline_mode<synchronous>, transform_indices = @transform_7, window_bounds = array<i64: 1, 128>}, {pipeline_mode = #tpu.pipeline_mode<synchronous>, transform_indices = @transform_8, window_bounds = array<i64: 1, 128>}, {pipeline_mode = #tpu.pipeline_mode<synchronous>, transform_indices = @transform_9, window_bounds = array<i64: 1, 128>}, {pipeline_mode = #tpu.pipeline_mode<synchronous>, transform_indices = @transform_10, window_bounds = array<i64: 1, 128>}, {pipeline_mode = #tpu.pipeline_mode<synchronous>, transform_indices = @transform_11, window_bounds = array<i64: 1, 128>}, {pipeline_mode = #tpu.pipeline_mode<synchronous>, transform_indices = @transform_12, window_bounds = array<i64: 1, 128>}, {pipeline_mode = #tpu.pipeline_mode<synchronous>, transform_indices = @transform_13, window_bounds = array<i64: 1, 128>}, {pipeline_mode = #tpu.pipeline_mode<synchronous>, transform_indices = @transform_14, window_bounds = array<i64: 1, 128>}, {pipeline_mode = #tpu.pipeline_mode<synchronous>, transform_indices = @transform_15, window_bounds = array<i64: 1, 128>}, {pipeline_mode = #tpu.pipeline_mode<synchronous>, transform_indices = @transform_16, window_bounds = array<i64: 1, 128>}, {pipeline_mode = #tpu.pipeline_mode<synchronous>, transform_indices = @transform_17, window_bounds = array<i64: 1, 128>}, {pipeline_mode = #tpu.pipeline_mode<synchronous>, transform_indices = @transform_18, window_bounds = array<i64: 1, 128>}, {pipeline_mode = #tpu.pipeline_mode<synchronous>, transform_indices = @transform_19, window_bounds = array<i64: 1, 128>}, {pipeline_mode = #tpu.pipeline_mode<synchronous>, transform_indices = @transform_20, window_bounds = array<i64: 1, 128>}, {pipeline_mode = #tpu.pipeline_mode<synchronous>, transform_indices = @transform_21, window_bounds = array<i64: 1, 128>}, {pipeline_mode = #tpu.pipeline_mode<synchronous>, transform_indices = @transform_22, window_bounds = array<i64: 1, 128>}, {transform_indices = @transform_23, window_bounds = array<i64: 1, 1>}, {transform_indices = @transform_24, window_bounds = array<i64: 1, 128, 512>}]} {
    %get3A = arith.constant 0 : index
    %get3A_0 = arith.constant 0 : index
    %get3A_1 = memref.load %arg25[%get3A, %get3A_0] : memref<1x1xf32, #tpu.memory_space<smem>>
    %broadcast_in_dim3A = arith.constant 0.000000e+00 : f32
    %broadcast_in_dim3A_2 = vector.broadcast %broadcast_in_dim3A : f32 to vector<1x128xf32>
    %get3A_3 = arith.constant 0 : index
    %get3A_4 = arith.constant 0 : index
    %get3A_5 = vector.load %arg3[%get3A_3, %get3A_4] : memref<1x128xf32, #tpu.memory_space<vmem>>, vector<1x128xf32>
    %add3A = arith.addf %broadcast_in_dim3A_2, %get3A_5 : vector<1x128xf32>
    %get3A_6 = arith.constant 0 : index
    %get3A_7 = arith.constant 0 : index
    %get3A_8 = vector.load %arg8[%get3A_6, %get3A_7] : memref<1x128xf32, #tpu.memory_space<vmem>>, vector<1x128xf32>
    %add3A_9 = arith.addf %add3A, %get3A_8 : vector<1x128xf32>
    %get3A_10 = arith.constant 0 : index
    %get3A_11 = arith.constant 0 : index
    %get3A_12 = vector.load %arg13[%get3A_10, %get3A_11] : memref<1x128xf32, #tpu.memory_space<vmem>>, vector<1x128xf32>
    %add3A_13 = arith.addf %add3A_9, %get3A_12 : vector<1x128xf32>
    %get3A_14 = arith.constant 0 : index
    %get3A_15 = arith.constant 0 : index
    %get3A_16 = vector.load %arg18[%get3A_14, %get3A_15] : memref<1x128xf32, #tpu.memory_space<vmem>>, vector<1x128xf32>
    %add3A_17 = arith.addf %add3A_13, %get3A_16 : vector<1x128xf32>
    %broadcast_in_dim3A_18 = arith.constant 0.000000e+00 : f32
    %broadcast_in_dim3A_19 = vector.broadcast %broadcast_in_dim3A_18 : f32 to vector<1x128xf32>
    %get3A_20 = arith.constant 0 : index
    %get3A_21 = arith.constant 0 : index
    %get3A_22 = vector.load %arg4[%get3A_20, %get3A_21] : memref<1x128xf32, #tpu.memory_space<vmem>>, vector<1x128xf32>
    %add3A_23 = arith.addf %broadcast_in_dim3A_19, %get3A_22 : vector<1x128xf32>
    %get3A_24 = arith.constant 0 : index
    %get3A_25 = arith.constant 0 : index
    %get3A_26 = vector.load %arg9[%get3A_24, %get3A_25] : memref<1x128xf32, #tpu.memory_space<vmem>>, vector<1x128xf32>
    %add3A_27 = arith.addf %add3A_23, %get3A_26 : vector<1x128xf32>
    %get3A_28 = arith.constant 0 : index
    %get3A_29 = arith.constant 0 : index
    %get3A_30 = vector.load %arg14[%get3A_28, %get3A_29] : memref<1x128xf32, #tpu.memory_space<vmem>>, vector<1x128xf32>
    %add3A_31 = arith.addf %add3A_27, %get3A_30 : vector<1x128xf32>
    %get3A_32 = arith.constant 0 : index
    %get3A_33 = arith.constant 0 : index
    %get3A_34 = vector.load %arg19[%get3A_32, %get3A_33] : memref<1x128xf32, #tpu.memory_space<vmem>>, vector<1x128xf32>
    %add3A_35 = arith.addf %add3A_31, %get3A_34 : vector<1x128xf32>
    %broadcast_in_dim3A_36 = arith.constant 0.000000e+00 : f32
    %broadcast_in_dim3A_37 = vector.broadcast %broadcast_in_dim3A_36 : f32 to vector<1x128xf32>
    %get3A_38 = arith.constant 0 : index
    %get3A_39 = arith.constant 0 : index
    %get3A_40 = vector.load %arg5[%get3A_38, %get3A_39] : memref<1x128xf32, #tpu.memory_space<vmem>>, vector<1x128xf32>
    %add3A_41 = arith.addf %broadcast_in_dim3A_37, %get3A_40 : vector<1x128xf32>
    %get3A_42 = arith.constant 0 : index
    %get3A_43 = arith.constant 0 : index
    %get3A_44 = vector.load %arg10[%get3A_42, %get3A_43] : memref<1x128xf32, #tpu.memory_space<vmem>>, vector<1x128xf32>
    %add3A_45 = arith.addf %add3A_41, %get3A_44 : vector<1x128xf32>
    %get3A_46 = arith.constant 0 : index
    %get3A_47 = arith.constant 0 : index
    %get3A_48 = vector.load %arg15[%get3A_46, %get3A_47] : memref<1x128xf32, #tpu.memory_space<vmem>>, vector<1x128xf32>
    %add3A_49 = arith.addf %add3A_45, %get3A_48 : vector<1x128xf32>
    %get3A_50 = arith.constant 0 : index
    %get3A_51 = arith.constant 0 : index
    %get3A_52 = vector.load %arg20[%get3A_50, %get3A_51] : memref<1x128xf32, #tpu.memory_space<vmem>>, vector<1x128xf32>
    %add3A_53 = arith.addf %add3A_49, %get3A_52 : vector<1x128xf32>
    %broadcast_in_dim3A_54 = arith.constant 0.000000e+00 : f32
    %broadcast_in_dim3A_55 = vector.broadcast %broadcast_in_dim3A_54 : f32 to vector<1x128xf32>
    %get3A_56 = arith.constant 0 : index
    %get3A_57 = arith.constant 0 : index
    %get3A_58 = vector.load %arg6[%get3A_56, %get3A_57] : memref<1x128xf32, #tpu.memory_space<vmem>>, vector<1x128xf32>
    %add3A_59 = arith.addf %broadcast_in_dim3A_55, %get3A_58 : vector<1x128xf32>
    %get3A_60 = arith.constant 0 : index
    %get3A_61 = arith.constant 0 : index
    %get3A_62 = vector.load %arg11[%get3A_60, %get3A_61] : memref<1x128xf32, #tpu.memory_space<vmem>>, vector<1x128xf32>
    %add3A_63 = arith.addf %add3A_59, %get3A_62 : vector<1x128xf32>
    %get3A_64 = arith.constant 0 : index
    %get3A_65 = arith.constant 0 : index
    %get3A_66 = vector.load %arg16[%get3A_64, %get3A_65] : memref<1x128xf32, #tpu.memory_space<vmem>>, vector<1x128xf32>
    %add3A_67 = arith.addf %add3A_63, %get3A_66 : vector<1x128xf32>
    %get3A_68 = arith.constant 0 : index
    %get3A_69 = arith.constant 0 : index
    %get3A_70 = vector.load %arg21[%get3A_68, %get3A_69] : memref<1x128xf32, #tpu.memory_space<vmem>>, vector<1x128xf32>
    %add3A_71 = arith.addf %add3A_67, %get3A_70 : vector<1x128xf32>
    %broadcast_in_dim3A_72 = arith.constant 0.000000e+00 : f32
    %broadcast_in_dim3A_73 = vector.broadcast %broadcast_in_dim3A_72 : f32 to vector<1x128xf32>
    %get3A_74 = arith.constant 0 : index
    %get3A_75 = arith.constant 0 : index
    %get3A_76 = vector.load %arg7[%get3A_74, %get3A_75] : memref<1x128xf32, #tpu.memory_space<vmem>>, vector<1x128xf32>
    %add3A_77 = arith.addf %broadcast_in_dim3A_73, %get3A_76 : vector<1x128xf32>
    %get3A_78 = arith.constant 0 : index
    %get3A_79 = arith.constant 0 : index
    %get3A_80 = vector.load %arg12[%get3A_78, %get3A_79] : memref<1x128xf32, #tpu.memory_space<vmem>>, vector<1x128xf32>
    %add3A_81 = arith.addf %add3A_77, %get3A_80 : vector<1x128xf32>
    %get3A_82 = arith.constant 0 : index
    %get3A_83 = arith.constant 0 : index
    %get3A_84 = vector.load %arg17[%get3A_82, %get3A_83] : memref<1x128xf32, #tpu.memory_space<vmem>>, vector<1x128xf32>
    %add3A_85 = arith.addf %add3A_81, %get3A_84 : vector<1x128xf32>
    %get3A_86 = arith.constant 0 : index
    %get3A_87 = arith.constant 0 : index
    %get3A_88 = vector.load %arg22[%get3A_86, %get3A_87] : memref<1x128xf32, #tpu.memory_space<vmem>>, vector<1x128xf32>
    %add3A_89 = arith.addf %add3A_85, %get3A_88 : vector<1x128xf32>
    %mul3A = arith.constant 1.600000e+01 : f32
    %mul3A_90 = vector.broadcast %mul3A : f32 to vector<1x128xf32>
    %mul3A_91 = arith.mulf %mul3A_90, %add3A_71 : vector<1x128xf32>
    %add3A_92 = arith.addf %add3A_17, %mul3A_91 : vector<1x128xf32>
    %mul3A_93 = arith.constant 2.000000e+00 : f32
    %mul3A_94 = vector.broadcast %mul3A_93 : f32 to vector<1x128xf32>
    %mul3A_95 = arith.mulf %mul3A_94, %add3A_53 : vector<1x128xf32>
    %add3A_96 = arith.addf %add3A_35, %mul3A_95 : vector<1x128xf32>
    %mul3A_97 = arith.constant 1.600000e+01 : f32
    %mul3A_98 = vector.broadcast %mul3A_97 : f32 to vector<1x128xf32>
    %mul3A_99 = arith.mulf %mul3A_98, %add3A_89 : vector<1x128xf32>
    %add3A_100 = arith.addf %add3A_96, %mul3A_99 : vector<1x128xf32>
    %div3A = vector.broadcast %get3A_1 : f32 to vector<1x128xf32>
    %div3A_101 = arith.divf %add3A_92, %div3A : vector<1x128xf32>
    %div3A_102 = vector.broadcast %get3A_1 : f32 to vector<1x128xf32>
    %div3A_103 = arith.divf %add3A_100, %div3A_102 : vector<1x128xf32>
    %mul3A_104 = arith.mulf %div3A_101, %div3A_101 : vector<1x128xf32>
    %sub3A = arith.subf %div3A_103, %mul3A_104 : vector<1x128xf32>
    %get3A_105 = arith.constant 0 : index
    %get3A_106 = arith.constant 0 : index
    %get3A_107 = vector.load %arg23[%get3A_105, %get3A_106] : memref<1x128xf32, #tpu.memory_space<vmem>>, vector<1x128xf32>
    %add3A_108 = arith.constant 9.99999974E-6 : f32
    %add3A_109 = vector.broadcast %add3A_108 : f32 to vector<1x128xf32>
    %add3A_110 = arith.addf %sub3A, %add3A_109 : vector<1x128xf32>
    %rsqrt3A = math.rsqrt %add3A_110 : vector<1x128xf32>
    %mul3A_111 = arith.mulf %get3A_107, %rsqrt3A : vector<1x128xf32>
    %get3A_112 = arith.constant 0 : index
    %get3A_113 = arith.constant 0 : index
    %get3A_114 = vector.load %arg24[%get3A_112, %get3A_113] : memref<1x128xf32, #tpu.memory_space<vmem>>, vector<1x128xf32>
    %mul3A_115 = arith.mulf %div3A_101, %mul3A_111 : vector<1x128xf32>
    %sub3A_116 = arith.subf %get3A_114, %mul3A_115 : vector<1x128xf32>
    %get3A_117 = arith.constant 0 : index
    %get3A_118 = arith.constant 0 : index
    %get3A_119 = arith.constant 0 : index
    %get3A_120 = vector.load %arg2[%get3A_117, %get3A_118, %get3A_119] : memref<1x512x128xf32, #tpu.memory_space<vmem>>, vector<1x512x128xf32>
    %get3A_121 = vector.shape_cast %get3A_120 : vector<1x512x128xf32> to vector<512x128xf32>
    %mul3A_122 = vector.broadcast %mul3A_111 : vector<1x128xf32> to vector<512x128xf32>
    %mul3A_123 = arith.mulf %get3A_121, %mul3A_122 : vector<512x128xf32>
    %add3A_124 = vector.broadcast %sub3A_116 : vector<1x128xf32> to vector<512x128xf32>
    %add3A_125 = arith.addf %mul3A_123, %add3A_124 : vector<512x128xf32>
    %ge3A = arith.constant 0.000000e+00 : f32
    %ge3A_126 = vector.broadcast %ge3A : f32 to vector<512x128xf32>
    %ge3A_127 = arith.cmpf oge, %add3A_125, %ge3A_126 : vector<512x128xf32>
    %mul3A_128 = arith.constant 2.000000e-01 : f32
    %mul3A_129 = vector.broadcast %mul3A_128 : f32 to vector<512x128xf32>
    %mul3A_130 = arith.mulf %mul3A_129, %add3A_125 : vector<512x128xf32>
    %select_n3A = arith.select %ge3A_127, %add3A_125, %mul3A_130 : vector<512x128xi1>, vector<512x128xf32>
    %transpose3A = tpu.transpose %select_n3A, [1, 0] : vector<512x128xf32> -> vector<128x512xf32>
    %swap3A = arith.constant 0 : index
    %swap3A_131 = arith.constant 0 : index
    %swap3A_132 = arith.constant 0 : index
    %swap3A_133 = vector.load %arg26[%swap3A, %swap3A_131, %swap3A_132] : memref<1x128x512xf32, #tpu.memory_space<vmem>>, vector<1x128x512xf32>
    %swap3A_134 = vector.shape_cast %swap3A_133 : vector<1x128x512xf32> to vector<128x512xf32>
    %swap3A_135 = vector.shape_cast %transpose3A : vector<128x512xf32> to vector<1x128x512xf32>
    tpu.vector_store %arg26[%swap3A, %swap3A_131, %swap3A_132], %swap3A_135 {strides = array<i32>} : memref<1x128x512xf32, #tpu.memory_space<vmem>>, vector<1x128x512xf32>,
    return
  }
  func.func @transform_0(%arg0: i32, %arg1: i32) -> (i32, i32, i32) {
    %c0_i32 = arith.constant 0 : i32
    %c0_i32_0 = arith.constant 0 : i32
    return %arg0, %arg1, %c0_i32 : i32, i32, i32
  }
  func.func @transform_1(%arg0: i32, %arg1: i32) -> (i32, i32) {
    %c0_i32 = arith.constant 0 : i32
    %c0_i32_0 = arith.constant 0 : i32
    %c0_i32_1 = arith.constant 0 : i32
    return %c0_i32, %c0_i32_0 : i32, i32
  }
  func.func @transform_2(%arg0: i32, %arg1: i32) -> (i32, i32) {
    %c0_i32 = arith.constant 0 : i32
    %c0_i32_0 = arith.constant 0 : i32
    %c0_i32_1 = arith.constant 0 : i32
    return %c0_i32, %c0_i32_0 : i32, i32
  }
  func.func @transform_3(%arg0: i32, %arg1: i32) -> (i32, i32) {
    %c0_i32 = arith.constant 0 : i32
    %c0_i32_0 = arith.constant 0 : i32
    %c0_i32_1 = arith.constant 0 : i32
    return %c0_i32, %c0_i32_0 : i32, i32
  }
  func.func @transform_4(%arg0: i32, %arg1: i32) -> (i32, i32) {
    %c0_i32 = arith.constant 0 : i32
    %c0_i32_0 = arith.constant 0 : i32
    %c0_i32_1 = arith.constant 0 : i32
    return %c0_i32, %c0_i32_0 : i32, i32
  }
  func.func @transform_5(%arg0: i32, %arg1: i32) -> (i32, i32) {
    %c0_i32 = arith.constant 0 : i32
    %c0_i32_0 = arith.constant 0 : i32
    %c0_i32_1 = arith.constant 0 : i32
    return %c0_i32, %c0_i32_0 : i32, i32
  }
  func.func @transform_6(%arg0: i32, %arg1: i32) -> (i32, i32) {
    %c0_i32 = arith.constant 0 : i32
    %c0_i32_0 = arith.constant 0 : i32
    %c0_i32_1 = arith.constant 0 : i32
    return %c0_i32, %c0_i32_0 : i32, i32
  }
  func.func @transform_7(%arg0: i32, %arg1: i32) -> (i32, i32) {
    %c0_i32 = arith.constant 0 : i32
    %c0_i32_0 = arith.constant 0 : i32
    %c0_i32_1 = arith.constant 0 : i32
    return %c0_i32, %c0_i32_0 : i32, i32
  }
  func.func @transform_8(%arg0: i32, %arg1: i32) -> (i32, i32) {
    %c0_i32 = arith.constant 0 : i32
    %c0_i32_0 = arith.constant 0 : i32
    %c0_i32_1 = arith.constant 0 : i32
    return %c0_i32, %c0_i32_0 : i32, i32
  }
  func.func @transform_9(%arg0: i32, %arg1: i32) -> (i32, i32) {
    %c0_i32 = arith.constant 0 : i32
    %c0_i32_0 = arith.constant 0 : i32
    %c0_i32_1 = arith.constant 0 : i32
    return %c0_i32, %c0_i32_0 : i32, i32
  }
  func.func @transform_10(%arg0: i32, %arg1: i32) -> (i32, i32) {
    %c0_i32 = arith.constant 0 : i32
    %c0_i32_0 = arith.constant 0 : i32
    %c0_i32_1 = arith.constant 0 : i32
    return %c0_i32, %c0_i32_0 : i32, i32
  }
  func.func @transform_11(%arg0: i32, %arg1: i32) -> (i32, i32) {
    %c0_i32 = arith.constant 0 : i32
    %c0_i32_0 = arith.constant 0 : i32
    %c0_i32_1 = arith.constant 0 : i32
    return %c0_i32, %c0_i32_0 : i32, i32
  }
  func.func @transform_12(%arg0: i32, %arg1: i32) -> (i32, i32) {
    %c0_i32 = arith.constant 0 : i32
    %c0_i32_0 = arith.constant 0 : i32
    %c0_i32_1 = arith.constant 0 : i32
    return %c0_i32, %c0_i32_0 : i32, i32
  }
  func.func @transform_13(%arg0: i32, %arg1: i32) -> (i32, i32) {
    %c0_i32 = arith.constant 0 : i32
    %c0_i32_0 = arith.constant 0 : i32
    %c0_i32_1 = arith.constant 0 : i32
    return %c0_i32, %c0_i32_0 : i32, i32
  }
  func.func @transform_14(%arg0: i32, %arg1: i32) -> (i32, i32) {
    %c0_i32 = arith.constant 0 : i32
    %c0_i32_0 = arith.constant 0 : i32
    %c0_i32_1 = arith.constant 0 : i32
    return %c0_i32, %c0_i32_0 : i32, i32
  }
  func.func @transform_15(%arg0: i32, %arg1: i32) -> (i32, i32) {
    %c0_i32 = arith.constant 0 : i32
    %c0_i32_0 = arith.constant 0 : i32
    %c0_i32_1 = arith.constant 0 : i32
    return %c0_i32, %c0_i32_0 : i32, i32
  }
  func.func @transform_16(%arg0: i32, %arg1: i32) -> (i32, i32) {
    %c0_i32 = arith.constant 0 : i32
    %c0_i32_0 = arith.constant 0 : i32
    %c0_i32_1 = arith.constant 0 : i32
    return %c0_i32, %c0_i32_0 : i32, i32
  }
  func.func @transform_17(%arg0: i32, %arg1: i32) -> (i32, i32) {
    %c0_i32 = arith.constant 0 : i32
    %c0_i32_0 = arith.constant 0 : i32
    %c0_i32_1 = arith.constant 0 : i32
    return %c0_i32, %c0_i32_0 : i32, i32
  }
  func.func @transform_18(%arg0: i32, %arg1: i32) -> (i32, i32) {
    %c0_i32 = arith.constant 0 : i32
    %c0_i32_0 = arith.constant 0 : i32
    %c0_i32_1 = arith.constant 0 : i32
    return %c0_i32, %c0_i32_0 : i32, i32
  }
  func.func @transform_19(%arg0: i32, %arg1: i32) -> (i32, i32) {
    %c0_i32 = arith.constant 0 : i32
    %c0_i32_0 = arith.constant 0 : i32
    %c0_i32_1 = arith.constant 0 : i32
    return %c0_i32, %c0_i32_0 : i32, i32
  }
  func.func @transform_20(%arg0: i32, %arg1: i32) -> (i32, i32) {
    %c0_i32 = arith.constant 0 : i32
    %c0_i32_0 = arith.constant 0 : i32
    %c0_i32_1 = arith.constant 0 : i32
    return %c0_i32, %c0_i32_0 : i32, i32
  }
  func.func @transform_21(%arg0: i32, %arg1: i32) -> (i32, i32) {
    %c0_i32 = arith.constant 0 : i32
    %c0_i32_0 = arith.constant 0 : i32
    %c0_i32_1 = arith.constant 0 : i32
    return %c0_i32, %c0_i32_0 : i32, i32
  }
  func.func @transform_22(%arg0: i32, %arg1: i32) -> (i32, i32) {
    %c0_i32 = arith.constant 0 : i32
    %c0_i32_0 = arith.constant 0 : i32
    %c0_i32_1 = arith.constant 0 : i32
    return %c0_i32, %c0_i32_0 : i32, i32
  }
  func.func @transform_23(%arg0: i32, %arg1: i32) -> (i32, i32) {
    %c0_i32 = arith.constant 0 : i32
    %c0_i32_0 = arith.constant 0 : i32
    %c0_i32_1 = arith.constant 0 : i32
    return %c0_i32, %c0_i32_0 : i32, i32
  }
  func.func @transform_24(%arg0: i32, %arg1: i32) -> (i32, i32, i32) {
    %c0_i32 = arith.constant 0 : i32
    %c0_i32_0 = arith.constant 0 : i32
    return %arg0, %c0_i32, %arg1 : i32, i32, i32
  }
}

</mosaic_0001>

<sc_bundles>
// kernel: kernel.18.cloned.1.call-start
scs
__scs_entry_jumppad:
0x0: {  	(pc) =	sbr.rel $0x88, $3  }
0x1: {  	(tag) =	ssettag $0x0;
	lr =	simm.s32 $0x1  }
0x2: {  	[smem:$0x3F9D] =	sst lr;
	_ =	strace $0xD0000000  }
0x3: {  	_ = 	snop  }
0x4: {  	_ = 	snop  }
0x5: {  	_ = 	snop  }
0x6: {  	_ = 	snop  }
0x7: {  	_ = 	snop  }
__scs_overlays_trampoline_lowered:
0x8: {  	[smem:$0x3FAC] =	sst s0  }
0x9: {  	[smem:$0x3FAD] =	sst s1  }
0xa: {  	[smem:$0x3FAE] =	sst s2  }
0xb: {  	[smem:$0x3FAF] =	sst s3  }
0xc: {  	[smem:$0x3FB0] =	sst s4  }
0xd: {  	[smem:$0x3FB1] =	sst s5  }
0xe: {  	[smem:$0x3FB2] =	sst s6  }
0xf: {  	[smem:$0x3FB3] =	sst s7  }
0x10: {  	[smem:$0x3FB4] =	sst s8  }
0x11: {  	[smem:$0x3FB5] =	sst s9;
	s0 =	simm.s32 @!p0 $0x0  }
0x12: {  	s1 =	sld [smem:$0x3F9B];
	s0 =	simm.s32 @p0 $0x1  }
0x13: {  	[smem:$0x3FB6] =	sst s0;
	s0 =	simm.s32 @!p1 $0x0  }
0x14: {  	s2 =	sld [smem:$0x3F9A];
	s0 =	simm.s32 @p1 $0x1  }
0x15: {  	[smem:$0x3FB7] =	sst s0;
	s0 =	simm.s32 @!p2 $0x0  }
0x16: {  	s3 =	sld [smem:$0x3FDB];
	s0 =	simm.s32 @p2 $0x1  }
0x17: {  	s4 =	simm.s32 $0x1BF5;
	[smem:$0x3FB9] =	sst s0  }
0x18: {  	s0 =	sld [smem:$0x3F9C];
	_ =	swait.ge [sflag:s4], $0x0  }
0x19: {  	s7 =	sld [smem:$0x3F9D]  }
0x1a: {  	s8 =	sadd.s32 $0xFFFFE003, lr  }
0x1b: {  	s9 =	sadd.s32 $0xFFFFFEF7, lr;
	s5 =	simm.s32 $0xFFFFFFFF;
	p2 =	slt.u32 s8, $0xFFFFF086  }
0x1c: {  	p1 =	slt.u32 s9, $0xF7A;
	s5 =	simm.s32 @!p2 $0x0  }
0x1d: {  	s5 =	simm.s32 @p1 $0x1;
	p0 =	seq.s32 s7, s2  }
0x1e: {  	s7 =	smul.u32 @!p0 $0xF7A, s2;
	p2 =	seq.s32 @!p0 s5, $0x0  }
0x1f: {  	s9 =	smul.u32 $0xF7A, s1;
	s8 =	simm.s32 @!p0 $0x1BF5;
	p2 =	por !p2, p0  }
0x20: {  	[sflag:s8] =	ssyncset.s32 @!p0 $0xFFFFF086;
	s6 =	sadd.s32 @!p0 s3, s7;
	s7 =	simm.s32 @!p0 $0x108  }
0x21: {  	s3 =	sadd.s32 s3, s9;
	s6 =	sadd.s32 @!p0 $0x88, s6;
	s7 =	simm.s32 @p2 $0x1082  }
0x22: {  	[simem:s7], [sflag:s8] =	dma.local @!p0 [hbm:s6], $0xF7A  }
0x23: {  	s9 =	sor.u32 $0xD0000000, s2;
	s6 =	simm.s32 $0x108;
	_ =	swait.ge @!p0 [sflag:s8], $0x0  }
0x24: {  	s3 =	sadd.s32 $0x88, s3;
	s6 =	simm.s32 @!p1 $0x1082;
	[sflag:s4] =	ssyncset.s32 $0xFFFFF086  }
0x25: {  	[simem:s6], [sflag:s4] =	dma.local [hbm:s3], $0xF7A  }
0x26: {  	[smem:$0x3F9D] =	sst s1;
	(tag) =	ssettag s2;
	_ =	strace s9  }
0x27: {  	s1 =	sld [smem:$0x3FAD]  }
0x28: {  	s2 =	sld [smem:$0x3FAE]  }
0x29: {  	s4 =	sld [smem:$0x3FB0]  }
0x2a: {  	p0 =	seq.s32 s5, $0x0;
	s5 =	sld [smem:$0x3FB1]  }
0x2b: {  	s6 =	sld [smem:$0x3FB2]  }
0x2c: {  	s7 =	sld [smem:$0x3FB3]  }
0x2d: {  	s3 =	simm.s32 $0x108;
	s8 =	sld [smem:$0x3FB4]  }
0x2e: {  	s3 =	simm.s32 @!p0 $0x1082;
	s9 =	sld [smem:$0x3FB5]  }
0x2f: {  	lr =	sadd.s32 s0, s3;
	s0 =	sld [smem:$0x3FAC]  }
0x30: {  	s3 =	sld [smem:$0x3FAF]  }
0x31: {  	[smem:$0x3FB8] =	sst s10  }
0x32: {  	s10 =	sld [smem:$0x3FB6];
	_ =	sdelay $0x3  }
0x33: {  	p0 =	seq.s32 s10, $0x1;
	s10 =	sld [smem:$0x3FB8];
	_ =	sdelay $0x3  }
0x34: {  	[smem:$0x3FB8] =	sst s10  }
0x35: {  	s10 =	sld [smem:$0x3FB7];
	_ =	sdelay $0x3  }
0x36: {  	p1 =	seq.s32 s10, $0x1;
	s10 =	sld [smem:$0x3FB8];
	_ =	sdelay $0x3  }
0x37: {  	[smem:$0x3FB8] =	sst s10  }
0x38: {  	s10 =	sld [smem:$0x3FB9]  }
0x39: {  	_ = 	snop;
	(pc) =	sbr.ind lr, $3  }
0x3a: {  	_ = 	snop  }
0x3b: {  	_ = 	snop  }
0x3c: {  	p2 =	seq.s32 s10, $0x1;
	s10 =	sld [smem:$0x3FB8]  }
0x3d: {  	_ =	shalt  }
0x3e: {  	_ =	shalt  }
0x3f: {  	_ =	shalt  }
0x40: {  	_ =	shalt  }
0x41: {  	_ =	shalt  }
0x42: {  	_ =	shalt  }
0x43: {  	_ =	shalt  }
0x44: {  	_ =	shalt  }
0x45: {  	_ =	shalt  }
0x46: {  	_ =	shalt  }
0x47: {  	_ =	shalt  }
0x48: {  	_ =	shalt  }
0x49: {  	_ =	shalt  }
0x4a: {  	_ =	shalt  }
0x4b: {  	_ =	shalt  }
0x4c: {  	_ =	shalt  }
0x4d: {  	_ =	shalt  }
0x4e: {  	_ =	shalt  }
0x4f: {  	_ =	shalt  }
0x50: {  	_ =	shalt  }
0x51: {  	_ =	shalt  }
0x52: {  	_ =	shalt  }
0x53: {  	_ =	shalt  }
0x54: {  	_ =	shalt  }
0x55: {  	_ =	shalt  }
0x56: {  	_ =	shalt  }
0x57: {  	_ =	shalt  }
0x58: {  	_ =	shalt  }
0x59: {  	_ =	shalt  }
0x5a: {  	_ =	shalt  }
0x5b: {  	_ =	shalt  }
0x5c: {  	_ =	shalt  }
0x5d: {  	_ =	shalt  }
0x5e: {  	_ =	shalt  }
0x5f: {  	_ =	shalt  }
0x60: {  	_ =	shalt  }
0x61: {  	_ =	shalt  }
0x62: {  	_ =	shalt  }
0x63: {  	_ =	shalt  }
0x64: {  	_ =	shalt  }
0x65: {  	_ =	shalt  }
0x66: {  	_ =	shalt  }
0x67: {  	_ =	shalt  }
0x68: {  	_ =	shalt  }
0x69: {  	_ =	shalt  }
0x6a: {  	_ =	shalt  }
0x6b: {  	_ =	shalt  }
0x6c: {  	_ =	shalt  }
0x6d: {  	_ =	shalt  }
0x6e: {  	_ =	shalt  }
0x6f: {  	_ =	shalt  }
0x70: {  	_ =	shalt  }
0x71: {  	_ =	shalt  }
0x72: {  	_ =	shalt  }
0x73: {  	_ =	shalt  }
0x74: {  	_ =	shalt  }
0x75: {  	_ =	shalt  }
0x76: {  	_ =	shalt  }
0x77: {  	_ =	shalt  }
0x78: {  	_ =	shalt  }
0x79: {  	_ =	shalt  }
0x7a: {  	_ =	shalt  }
0x7b: {  	_ =	shalt  }
0x7c: {  	_ =	shalt  }
0x7d: {  	_ =	shalt  }
0x7e: {  	_ =	shalt  }
0x7f: {  	_ =	shalt  }
0x80: {  	_ =	shalt  }
0x81: {  	_ =	shalt  }
0x82: {  	_ =	shalt  }
0x83: {  	_ =	shalt  }
0x84: {  	_ =	shalt  }
0x85: {  	_ =	shalt  }
0x86: {  	_ =	shalt  }
0x87: {  	_ =	shalt  }
.Lfunc_end0:
.L_simem_size_0:
called_computation_lowered:
.L_overlay_start_0:
0x88: {  	s2 =	sld [smem:$0x3FD9]  }
0x89: {  	s3 =	sld [smem:$0x3FFE];
	_ =	sdelay $0x1  }
0x8a: {  	s1 =	srdreg.scid  }
0x8b: {  	s0 =	sand.u32 $0x1, s1  }
0x8c: {  	s17 =	sshll.u32 s0, $0xA;
	s2 =	sadd.s32 s3, s2  }
0x8d: {  	s2 =	sadd.s32 s2, s17  }
0x8e: {  	[smem:$0x3FC4] =	sst s2  }
0x8f: {  	_ = 	snop  }
0x90: {  	(tm) =	ssettm $0x1  }
0x91: {  	s18 =	sld [smem:$0x3FFB];
	_ =	sdelay $0x3  }
0x92: {  	_ =	strace s18  }
0x93: {  	s2 =	sld [smem:$0x3FFC];
	_ =	sdelay $0x3  }
0x94: {  	_ =	strace s2  }
0x95: {  	s2 =	sld [smem:$0x3FFD];
	_ =	sdelay $0x3  }
0x96: {  	_ =	strace s2  }
0x97: {  	_ =	strace $0x8FFFFFFF  }
0x98: {  	s19 =	sld [smem:$0x3FDB];
	_ =	sdelay $0x1  }
0x99: {  	s20 =	simm.s32 $_scs_section_size  }
0x9a: {  	s4 =	simm.s32 $_size__tile_overlayer_lowered;
	s5 =	simm.s32 $_tile_overlayer_lowered  }
0x9b: {  	s6 =	simm.s32 $0x1BFF;
	s21 =	sshll.u32 s5, $0x1;
	s3 =	sadd.s32 s20, s19  }
0x9c: {  	s22 =	simm.s32 $0x0;
	s4 =	sshll.u32 s4, $0x1;
	s5 =	sadd.s32 s21, s3  }
0x9d: {  	[timem:s22], [sflag:s6] =	dma.local [hbm:s5], s4  }
0x9e: {  	_ =	swait.ge [sflag:s6], s4  }
0x9f: {  	s4 =	ssub.s32 $0x0, s4;
	[sflag:s6] =	ssyncset.done $0x0  }
0xa0: {  	[sflag:s6] =	ssyncadd.s32 s4;
	_ =	sdelay $0x1  }
0xa1: {  	s23 =	simm.s32 $0x1B8B  }
0xa2: {  	_ =	swait.ge [sflag:s23], $0x1  }
0xa3: {  	[sflag:s23] =	ssyncset.done $0x0  }
0xa4: {  	[sflag:s23] =	ssyncadd.s32 $0xFFFFFFFF  }
0xa5: {  	s4 =	sld [smem:$0x0]  }
0xa6: {  	s5 =	sand.u32 $0xFFFFFFFE, s1  }
0xa7: {  	p0 =	sne.s32 s1, s5  }
0xa8: {  	s5 =	sshll.u32 @p0 s5, $0xE  }
0xa9: {  	s5 =	sadd.s32 @p0 $0x11B8D, s5;
	s6 =	sshll.u32 @p0 s4, $0x11  }
0xaa: {  	s5 =	sor.u32 @p0 s6, s5  }
0xab: {  	[sflag:s5] =	ssyncadd.remote.s32 @p0 $0x1;
	_ =	sdelay $0x1  }
0xac: {  	s5 =	simm.s32 @p0 $0x1B8D  }
0xad: {  	_ =	swait.eq @p0 [sflag:s5], $0x1  }
0xae: {  	[sflag:s5] =	ssyncadd.s32 @p0 $0xFFFFFFFF  }
0xaf: {  	s6 =	sshll.u32 @!p0 s1, $0xE  }
0xb0: {  	s6 =	sor.u32 @!p0 $0x4000, s6;
	s5 =	simm.s32 @!p0 $0x1B8D  }
0xb1: {  	s4 =	sshll.u32 @!p0 s4, $0x11;
	s6 =	sadd.s32 @!p0 $0x11B8D, s6;
	_ =	swait.eq @!p0 [sflag:s5], $0x1  }
0xb2: {  	s4 =	sor.u32 @!p0 s4, s6;
	[sflag:s5] =	ssyncadd.s32 @!p0 $0xFFFFFFFF  }
0xb3: {  	s25 =	simm.s32 $0x1B8E;
	s24 =	sld [smem:$0x3FFE];
	[sflag:s4] =	ssyncadd.remote.s32 @!p0 $0x1  }
0xb4: {  	s26 =	simm.s32 $execute0_lowered;
	[smem:$0x3FD2] =	sst s25  }
0xb5: {  	s5 =	sshll.u32 s26, $0x1;
	_ =	strace $0x8000004C;
	[dreg:$0x1] =	wrdreg $0xFFFFFFFF  }
0xb6: {  	s28 =	simm.s32 $_size_execute0_lowered;
	s3 =	sadd.s32 s3, s5;
	[dreg:$0x0] =	wrdreg $0x0  }
0xb7: {  	s5 =	sshll.u32 s28, $0x1;
	[dreg:$0x2] =	wrdreg s3  }
0xb8: {  	[dreg:$0x3] =	wrdreg s5  }
0xb9: {  	[dreg:$0x4] =	wrdreg $0xC0  }
0xba: {  	_ =	task [dreg:s22], $0x5FFFF  }
0xbb: {  	[dreg:$0x1] =	wrdreg $0xFFFFFFFF  }
0xbc: {  	[dreg:$0x0] =	wrdreg $0x60  }
0xbd: {  	[dreg:$0x2] =	wrdreg s24  }
0xbe: {  	[dreg:$0x3] =	wrdreg $0x9  }
0xbf: {  	_ =	task.clear_ibuf [dreg:s22], $0x4FFFF;
	_ =	strace $0x9000004C  }
0xc0: {  	s29 =	simm.s32 $0x9;
	_ =	strace $0x8000004E  }
0xc1: {  	_ =	swait.ge [sflag:s29], $0x1  }
0xc2: {  	[sflag:s29] =	ssyncadd.s32 $0xFFFFFFFF  }
0xc3: {  	_ =	strace $0x9000004E  }
0xc4: {  	_ =	sfence  }
0xc5: {  	s30 =	sld [smem:$0x0];
	_ =	sdelay $0x2  }
0xc6: {  	s31 =	sshll.u32 s1, $0xD;
	s1 =	sshrl.u32 s1, $0x2  }
0xc7: {  	s4 =	sand.u32 $0x4000, s31;
	s1 =	sadd.s32 s1, s30  }
0xc8: {  	s0 =	sor.u32 s4, s0;
	s1 =	sshll.u32 s1, $0x11  }
0xc9: {  	s0 =	sor.u32 s1, s0  }
0xca: {  	s0 =	sadd.s32 $0x8F2B, s0  }
0xcb: {  	[sflag:s0] =	ssyncadd.remote.s32 $0x1  }
0xcc: {  	_ =	sfence.sel $0xFFFF  }
0xcd: {  	[dreg:$0x0] =	wrdreg $0xFFFFFFFF;
	(pc) =	sbr.abs _section_cstart, $3  }
0xce: {  	[dreg:$0x1] =	wrdreg $0xFFFFFFFF  }
0xcf: {  	_ =	task.clear_ibuf [dreg:s22], $0x2FFFF;
	_ =	strace $0x9FFFFFFF  }
0xd0: {  	(tm) =	ssettm $0x7FFFFFFF  }
0xd1: {  	_ =	shalt  }
tec
execute0_lowered:
.L_overlay_start_1:
0x0: {  	(tag) =	ssettag $0x1  }
0x1: {  	s0 =	srdreg.scid  }
0x2: {  	s9 =	rddreg [dreg:$0x0];
	s1 =	stileid.u32;
	s0 =	sand.u32 $0x1, s0  }
0x3: {  	s2 =	simm.s32 $0x0;
	s3 =	sshll.u32 s1, $0xC;
	s4 =	sshll.u32 s0, $0xB  }
0x4: {  	[smem:$0x7FF] =	sst s2;
	s26 =	sor.u32 s4, s3  }
0x5: {  	s25 =	sadd.s32 $0x247400, s9;
	s3 =	sshrl.u32 s26, $0x3;
	s15 =	sor.u32 $0x100, s26  }
0x6: {  	_ =	strace $0x8000004D;
	s3 =	sadd.s32 s25, s3;
	s14 =	sshrl.u32 s15, $0x3  }
0x7: {  	s20 =	sor.u32 $0x200, s26;
	[dreg:$0x2] =	wrdreg s3;
	s16 =	sadd.s32 s25, s14  }
0x8: {  	s17 =	sshrl.u32 s20, $0x3;
	[dreg:$0x3] =	wrdreg s16  }
0x9: {  	s3 =	sadd.s32 s25, s17;
	s18 =	rddreg [dreg:$0x2]  }
0xa: {  	[dreg:$0x4] =	wrdreg s3  }
0xb: {  	[tilespmem:s2], [sflag:$0x1] =	stream.linear.gather [hbm4b:s18+s2], $0x100, $0x38;
	[tilespmem:$0x18300] =	vst v63  }
0xc: {  	s3 =	simm.s32 $0x100;
	s5 =	rddreg [dreg:$0x3]  }
0xd: {  	[tilespmem:s3], [sflag:$0x2] =	stream.linear.gather [hbm4b:s5+s2], $0x100, $0x38;
	[tilespmem:$0x18300] =	vst v63  }
0xe: {  	s4 =	simm.s32 $0x200;
	s6 =	rddreg [dreg:$0x4];
	s5 =	simm.s32 $0x1  }
0xf: {  	[tilespmem:s4], [sflag:$0x3] =	stream.linear.gather [hbm4b:s6+s2], $0x100, $0x38;
	[tilespmem:$0x18300] =	vst v63  }
0x10: {  	_ =	swait.ge [sflag:s5], $0x100  }
0x11: {  	s7 =	simm.s32 $0x300;
	[sflag:s5] =	ssyncset.done $0x0  }
0x12: {  	s8 =	simm.s32 $0x4;
	s6 =	sadd.s32 $0x237400, s9;
	[sflag:s5] =	ssyncadd.s32 $0xFFFFFF00  }
0x13: {  	[tilespmem:s7], [sflag:$0x4] =	stream.indirect.gather [hbm4b:s6+s3], $0x80, s2, s3, $0xb8;
	[tilespmem:$0x18300] =	vst v63  }
0x14: {  	s23 =	sor.u32 $0x300, s26;
	_ =	swait.ge [sflag:s8], $0x8000  }
0x15: {  	s31 =	sadd.s32 $0x249400, s9;
	s19 =	sshrl.u32 s23, $0x3;
	[sflag:s8] =	ssyncset.done $0x0  }
0x16: {  	s22 =	sshll.u32 s26, $0x4;
	s21 =	sadd.s32 s25, s19;
	[sflag:s8] =	ssyncadd.s32 $0xFFFF8000  }
0x17: {  	[tilespmem:s2], [sflag:$0x1] =	stream.linear.gather [hbm4b:s21+s2], $0x100, $0x38;
	[tilespmem:$0x18300] =	vst v63  }
0x18: {  	s11 =	simm.s32 $0x2;
	s24 =	sadd.s32 s31, s22;
	[dreg:$0x5] =	wrdreg s21  }
0x19: {  	[hbm4b:s24+s2] =	stream.linear.scatter [tilespmem:s7], [sflag:$0x7], $0x8000, $0x38;
	[tilespmem:$0x18300] =	vst v63  }
0x1a: {  	_ =	swait.ge [sflag:s11], $0x100  }
0x1b: {  	[sflag:s11] =	ssyncset.done $0x0  }
0x1c: {  	s12 =	simm.s32 $0x8300;
	s13 =	simm.s32 $0x5;
	[sflag:s11] =	ssyncadd.s32 $0xFFFFFF00  }
0x1d: {  	[tilespmem:s12], [sflag:$0x5] =	stream.indirect.gather [hbm4b:s6+s3], $0x80, s3, s3, $0xb8;
	[tilespmem:$0x18300] =	vst v63  }
0x1e: {  	s28 =	sor.u32 $0x400, s26;
	_ =	swait.ge [sflag:s13], $0x8000  }
0x1f: {  	s14 =	sshrl.u32 s28, $0x3;
	[sflag:s13] =	ssyncset.done $0x0  }
0x20: {  	s15 =	sshll.u32 s15, $0x4;
	s14 =	sadd.s32 s25, s14;
	[sflag:s13] =	ssyncadd.s32 $0xFFFF8000  }
0x21: {  	[tilespmem:s3], [sflag:$0x2] =	stream.linear.gather [hbm4b:s14+s2], $0x100, $0x38;
	[tilespmem:$0x18300] =	vst v63  }
0x22: {  	s15 =	sadd.s32 s31, s15;
	s16 =	simm.s32 $0x3  }
0x23: {  	[hbm4b:s15+s2] =	stream.linear.scatter [tilespmem:s12], [sflag:$0x8], $0x8000, $0x38;
	[tilespmem:$0x18300] =	vst v63  }
0x24: {  	_ =	swait.ge [sflag:s16], $0x100  }
0x25: {  	[sflag:s16] =	ssyncset.done $0x0  }
0x26: {  	s17 =	simm.s32 $0x10300;
	s18 =	simm.s32 $0x6;
	[sflag:s16] =	ssyncadd.s32 $0xFFFFFF00  }
0x27: {  	[tilespmem:s17], [sflag:$0x6] =	stream.indirect.gather [hbm4b:s6+s3], $0x80, s4, s3, $0xb8;
	[tilespmem:$0x18300] =	vst v63  }
0x28: {  	s29 =	sor.u32 $0x500, s26;
	_ =	swait.ge [sflag:s18], $0x8000  }
0x29: {  	s19 =	sshrl.u32 s29, $0x3;
	[sflag:s18] =	ssyncset.done $0x0  }
0x2a: {  	s20 =	sshll.u32 s20, $0x4;
	s19 =	sadd.s32 s25, s19;
	[sflag:s18] =	ssyncadd.s32 $0xFFFF8000  }
0x2b: {  	[tilespmem:s4], [sflag:$0x3] =	stream.linear.gather [hbm4b:s19+s2], $0x100, $0x38;
	[tilespmem:$0x18300] =	vst v63  }
0x2c: {  	s20 =	sadd.s32 s31, s20  }
0x2d: {  	[hbm4b:s20+s2] =	stream.linear.scatter [tilespmem:s17], [sflag:$0x9], $0x8000, $0x38;
	[tilespmem:$0x18300] =	vst v63  }
0x2e: {  	_ =	swait.ge [sflag:s5], $0x100  }
0x2f: {  	[sflag:s5] =	ssyncset.done $0x0  }
0x30: {  	s21 =	simm.s32 $0x7;
	[sflag:s5] =	ssyncadd.s32 $0xFFFFFF00  }
0x31: {  	_ =	swait.ge [sflag:s21], $0x8000  }
0x32: {  	[sflag:s21] =	ssyncset.done $0x0  }
0x33: {  	[sflag:s21] =	ssyncadd.s32 $0xFFFF8000  }
0x34: {  	[tilespmem:s7], [sflag:$0x4] =	stream.indirect.gather [hbm4b:s6+s3], $0x80, s2, s3, $0xb8;
	[tilespmem:$0x18300] =	vst v63  }
0x35: {  	s30 =	sor.u32 $0x600, s26;
	_ =	swait.ge [sflag:s8], $0x8000  }
0x36: {  	s22 =	sshrl.u32 s30, $0x3;
	[sflag:s8] =	ssyncset.done $0x0  }
0x37: {  	s23 =	sshll.u32 s23, $0x4;
	s22 =	sadd.s32 s25, s22;
	[sflag:s8] =	ssyncadd.s32 $0xFFFF8000  }
0x38: {  	[tilespmem:s2], [sflag:$0x1] =	stream.linear.gather [hbm4b:s22+s2], $0x100, $0x38;
	[tilespmem:$0x18300] =	vst v63  }
0x39: {  	s23 =	sadd.s32 s31, s23  }
0x3a: {  	[hbm4b:s23+s2] =	stream.linear.scatter [tilespmem:s7], [sflag:$0x7], $0x8000, $0x38;
	[tilespmem:$0x18300] =	vst v63  }
0x3b: {  	_ =	swait.ge [sflag:s11], $0x100  }
0x3c: {  	[sflag:s11] =	ssyncset.done $0x0  }
0x3d: {  	s10 =	smov.u32 s24;
	s24 =	simm.s32 $0x8;
	[sflag:s11] =	ssyncadd.s32 $0xFFFFFF00  }
0x3e: {  	_ =	swait.ge [sflag:s24], $0x8000  }
0x3f: {  	[sflag:s24] =	ssyncset.done $0x0  }
0x40: {  	[sflag:s24] =	ssyncadd.s32 $0xFFFF8000  }
0x41: {  	[tilespmem:s12], [sflag:$0x5] =	stream.indirect.gather [hbm4b:s6+s3], $0x80, s3, s3, $0xb8;
	[tilespmem:$0x18300] =	vst v63  }
0x42: {  	s1 =	sor.u32 $0x700, s26;
	_ =	swait.ge [sflag:s13], $0x8000  }
0x43: {  	s26 =	sshrl.u32 s1, $0x3;
	[sflag:s13] =	ssyncset.done $0x0  }
0x44: {  	s25 =	sadd.s32 s25, s26;
	s9 =	sshll.u32 s28, $0x4;
	[sflag:s13] =	ssyncadd.s32 $0xFFFF8000  }
0x45: {  	[tilespmem:s3], [sflag:$0x2] =	stream.linear.gather [hbm4b:s25+s2], $0x100, $0x38;
	[tilespmem:$0x18300] =	vst v63  }
0x46: {  	s26 =	sadd.s32 s31, s9  }
0x47: {  	[hbm4b:s26+s2] =	stream.linear.scatter [tilespmem:s12], [sflag:$0x8], $0x8000, $0x38;
	[tilespmem:$0x18300] =	vst v63  }
0x48: {  	_ =	swait.ge [sflag:s16], $0x100  }
0x49: {  	[sflag:s16] =	ssyncset.done $0x0  }
0x4a: {  	s28 =	simm.s32 $0x9;
	[sflag:s16] =	ssyncadd.s32 $0xFFFFFF00  }
0x4b: {  	_ =	swait.ge [sflag:s28], $0x8000  }
0x4c: {  	[sflag:s28] =	ssyncset.done $0x0  }
0x4d: {  	[sflag:s28] =	ssyncadd.s32 $0xFFFF8000  }
0x4e: {  	[tilespmem:s17], [sflag:$0x6] =	stream.indirect.gather [hbm4b:s6+s3], $0x80, s4, s3, $0xb8;
	[tilespmem:$0x18300] =	vst v63  }
0x4f: {  	_ =	swait.ge [sflag:s18], $0x8000  }
0x50: {  	s29 =	sshll.u32 s29, $0x4;
	[sflag:s18] =	ssyncset.done $0x0  }
0x51: {  	s29 =	sadd.s32 s31, s29;
	[sflag:s18] =	ssyncadd.s32 $0xFFFF8000  }
0x52: {  	[hbm4b:s29+s2] =	stream.linear.scatter [tilespmem:s17], [sflag:$0x9], $0x8000, $0x38;
	[tilespmem:$0x18300] =	vst v63  }
0x53: {  	_ =	swait.ge [sflag:s5], $0x100  }
0x54: {  	[sflag:s5] =	ssyncset.done $0x0  }
0x55: {  	[sflag:s5] =	ssyncadd.s32 $0xFFFFFF00  }
0x56: {  	_ =	swait.ge [sflag:s21], $0x8000  }
0x57: {  	[sflag:s21] =	ssyncset.done $0x0  }
0x58: {  	[sflag:s21] =	ssyncadd.s32 $0xFFFF8000  }
0x59: {  	[tilespmem:s7], [sflag:$0x4] =	stream.indirect.gather [hbm4b:s6+s3], $0x80, s2, s3, $0xb8;
	[tilespmem:$0x18300] =	vst v63  }
0x5a: {  	_ =	swait.ge [sflag:s8], $0x8000  }
0x5b: {  	s30 =	sshll.u32 s30, $0x4;
	[sflag:s8] =	ssyncset.done $0x0  }
0x5c: {  	s30 =	sadd.s32 s31, s30;
	[sflag:s8] =	ssyncadd.s32 $0xFFFF8000  }
0x5d: {  	[hbm4b:s30+s2] =	stream.linear.scatter [tilespmem:s7], [sflag:$0x7], $0x8000, $0x38;
	[tilespmem:$0x18300] =	vst v63  }
0x5e: {  	_ =	swait.ge [sflag:s11], $0x100  }
0x5f: {  	[sflag:s11] =	ssyncset.done $0x0  }
0x60: {  	[sflag:s11] =	ssyncadd.s32 $0xFFFFFF00  }
0x61: {  	_ =	swait.ge [sflag:s24], $0x8000  }
0x62: {  	[sflag:s24] =	ssyncset.done $0x0  }
0x63: {  	[sflag:s24] =	ssyncadd.s32 $0xFFFF8000  }
0x64: {  	[tilespmem:s12], [sflag:$0x5] =	stream.indirect.gather [hbm4b:s6+s3], $0x80, s3, s3, $0xb8;
	[tilespmem:$0x18300] =	vst v63  }
0x65: {  	s0 =	ssub.s32 $0x2, s0;
	_ =	swait.ge [sflag:s13], $0x8000  }
0x66: {  	s1 =	sshll.u32 s1, $0x4;
	s9 =	sshrl.u32 s0, $0x1;
	[sflag:s13] =	ssyncset.done $0x0  }
0x67: {  	s31 =	sadd.s32 s31, s1;
	s0 =	ssub.s32 s0, s9;
	[sflag:s13] =	ssyncadd.s32 $0xFFFF8000  }
0x68: {  	[hbm4b:s31+s2] =	stream.linear.scatter [tilespmem:s12], [sflag:$0x8], $0x8000, $0x38;
	[tilespmem:$0x18300] =	vst v63  }
0x69: {  	s0 =	smax.u32 s0, $0x1;
	_ =	swait.ge [sflag:s28], $0x8000  }
0x6a: {  	p0 =	sne.s32 s0, $0x1;
	[sflag:s28] =	ssyncset.done $0x0  }
.Ltmp0:
0x6b: {  	[sflag:s28] =	ssyncadd.s32 $0xFFFF8000;
	(pc) =	sbr.rel @!p0 .LBB2_2-.Ltmp0, $4  }
0x6c: {  	_ =	swait.ge [sflag:s21], $0x8000  }
0x6d: {  	[sflag:s21] =	ssyncset.done $0x0  }
0x6e: {  	[sflag:s21] =	ssyncadd.s32 $0xFFFF8000  }
0x6f: {  	s0 =	sadd.s32 $0xFFFFFFFF, s0;
	_ =	swait.ge [sflag:s24], $0x8000  }
.LBB2_1:
0x70: {  	[sflag:s24] =	ssyncset.done $0x0  }
0x71: {  	s1 =	rddreg [dreg:$0x2];
	[sflag:s24] =	ssyncadd.s32 $0xFFFF8000  }
0x72: {  	[tilespmem:s2], [sflag:$0x1] =	stream.linear.gather [hbm4b:s1+s2], $0x100, $0x38;
	[tilespmem:$0x18300] =	vst v63  }
0x73: {  	s9 =	rddreg [dreg:$0x3]  }
0x74: {  	[tilespmem:s3], [sflag:$0x2] =	stream.linear.gather [hbm4b:s9+s2], $0x100, $0x38;
	[tilespmem:$0x18300] =	vst v63  }
0x75: {  	s1 =	rddreg [dreg:$0x4]  }
0x76: {  	[tilespmem:s4], [sflag:$0x3] =	stream.linear.gather [hbm4b:s1+s2], $0x100, $0x38;
	[tilespmem:$0x18300] =	vst v63  }
0x77: {  	_ =	swait.ge [sflag:s5], $0x100  }
0x78: {  	[sflag:s5] =	ssyncset.done $0x0  }
0x79: {  	[sflag:s5] =	ssyncadd.s32 $0xFFFFFF00  }
0x7a: {  	[tilespmem:s7], [sflag:$0x4] =	stream.indirect.gather [hbm4b:s6+s3], $0x80, s2, s3, $0xb8;
	[tilespmem:$0x18300] =	vst v63  }
0x7b: {  	_ =	swait.ge [sflag:s8], $0x8000  }
0x7c: {  	[sflag:s8] =	ssyncset.done $0x0  }
0x7d: {  	s9 =	rddreg [dreg:$0x5];
	[sflag:s8] =	ssyncadd.s32 $0xFFFF8000  }
0x7e: {  	[tilespmem:s2], [sflag:$0x1] =	stream.linear.gather [hbm4b:s9+s2], $0x100, $0x38;
	[tilespmem:$0x18300] =	vst v63  }
0x7f: {  	_ = 	snop  }
0x80: {  	[hbm4b:s10+s2] =	stream.linear.scatter [tilespmem:s7], [sflag:$0x7], $0x8000, $0x38;
	[tilespmem:$0x18300] =	vst v63  }
0x81: {  	_ =	swait.ge [sflag:s11], $0x100  }
0x82: {  	[sflag:s11] =	ssyncset.done $0x0  }
0x83: {  	[sflag:s11] =	ssyncadd.s32 $0xFFFFFF00  }
0x84: {  	[tilespmem:s12], [sflag:$0x5] =	stream.indirect.gather [hbm4b:s6+s3], $0x80, s3, s3, $0xb8;
	[tilespmem:$0x18300] =	vst v63  }
0x85: {  	_ =	swait.ge [sflag:s13], $0x8000  }
0x86: {  	[sflag:s13] =	ssyncset.done $0x0  }
0x87: {  	[sflag:s13] =	ssyncadd.s32 $0xFFFF8000  }
0x88: {  	[tilespmem:s3], [sflag:$0x2] =	stream.linear.gather [hbm4b:s14+s2], $0x100, $0x38;
	[tilespmem:$0x18300] =	vst v63  }
0x89: {  	_ = 	snop  }
0x8a: {  	[hbm4b:s15+s2] =	stream.linear.scatter [tilespmem:s12], [sflag:$0x8], $0x8000, $0x38;
	[tilespmem:$0x18300] =	vst v63  }
0x8b: {  	_ =	swait.ge [sflag:s16], $0x100  }
0x8c: {  	[sflag:s16] =	ssyncset.done $0x0  }
0x8d: {  	[sflag:s16] =	ssyncadd.s32 $0xFFFFFF00  }
0x8e: {  	[tilespmem:s17], [sflag:$0x6] =	stream.indirect.gather [hbm4b:s6+s3], $0x80, s4, s3, $0xb8;
	[tilespmem:$0x18300] =	vst v63  }
0x8f: {  	_ =	swait.ge [sflag:s18], $0x8000  }
0x90: {  	[sflag:s18] =	ssyncset.done $0x0  }
0x91: {  	[sflag:s18] =	ssyncadd.s32 $0xFFFF8000  }
0x92: {  	[tilespmem:s4], [sflag:$0x3] =	stream.linear.gather [hbm4b:s19+s2], $0x100, $0x38;
	[tilespmem:$0x18300] =	vst v63  }
0x93: {  	_ = 	snop  }
0x94: {  	[hbm4b:s20+s2] =	stream.linear.scatter [tilespmem:s17], [sflag:$0x9], $0x8000, $0x38;
	[tilespmem:$0x18300] =	vst v63  }
0x95: {  	_ =	swait.ge [sflag:s5], $0x100  }
0x96: {  	[sflag:s5] =	ssyncset.done $0x0  }
0x97: {  	[sflag:s5] =	ssyncadd.s32 $0xFFFFFF00  }
0x98: {  	_ =	swait.ge [sflag:s21], $0x8000  }
0x99: {  	[sflag:s21] =	ssyncset.done $0x0  }
0x9a: {  	[sflag:s21] =	ssyncadd.s32 $0xFFFF8000  }
0x9b: {  	[tilespmem:s7], [sflag:$0x4] =	stream.indirect.gather [hbm4b:s6+s3], $0x80, s2, s3, $0xb8;
	[tilespmem:$0x18300] =	vst v63  }
0x9c: {  	_ =	swait.ge [sflag:s8], $0x8000  }
0x9d: {  	[sflag:s8] =	ssyncset.done $0x0  }
0x9e: {  	[sflag:s8] =	ssyncadd.s32 $0xFFFF8000  }
0x9f: {  	[tilespmem:s2], [sflag:$0x1] =	stream.linear.gather [hbm4b:s22+s2], $0x100, $0x38;
	[tilespmem:$0x18300] =	vst v63  }
0xa0: {  	_ = 	snop  }
0xa1: {  	[hbm4b:s23+s2] =	stream.linear.scatter [tilespmem:s7], [sflag:$0x7], $0x8000, $0x38;
	[tilespmem:$0x18300] =	vst v63  }
0xa2: {  	_ =	swait.ge [sflag:s11], $0x100  }
0xa3: {  	[sflag:s11] =	ssyncset.done $0x0  }
0xa4: {  	[sflag:s11] =	ssyncadd.s32 $0xFFFFFF00  }
0xa5: {  	_ =	swait.ge [sflag:s24], $0x8000  }
0xa6: {  	[sflag:s24] =	ssyncset.done $0x0  }
0xa7: {  	[sflag:s24] =	ssyncadd.s32 $0xFFFF8000  }
0xa8: {  	[tilespmem:s12], [sflag:$0x5] =	stream.indirect.gather [hbm4b:s6+s3], $0x80, s3, s3, $0xb8;
	[tilespmem:$0x18300] =	vst v63  }
0xa9: {  	_ =	swait.ge [sflag:s13], $0x8000  }
0xaa: {  	[sflag:s13] =	ssyncset.done $0x0  }
0xab: {  	[sflag:s13] =	ssyncadd.s32 $0xFFFF8000  }
0xac: {  	[tilespmem:s3], [sflag:$0x2] =	stream.linear.gather [hbm4b:s25+s2], $0x100, $0x38;
	[tilespmem:$0x18300] =	vst v63  }
0xad: {  	_ = 	snop  }
0xae: {  	[hbm4b:s26+s2] =	stream.linear.scatter [tilespmem:s12], [sflag:$0x8], $0x8000, $0x38;
	[tilespmem:$0x18300] =	vst v63  }
0xaf: {  	_ =	swait.ge [sflag:s16], $0x100  }
0xb0: {  	[sflag:s16] =	ssyncset.done $0x0  }
0xb1: {  	[sflag:s16] =	ssyncadd.s32 $0xFFFFFF00  }
0xb2: {  	_ =	swait.ge [sflag:s28], $0x8000  }
0xb3: {  	[sflag:s28] =	ssyncset.done $0x0  }
0xb4: {  	[sflag:s28] =	ssyncadd.s32 $0xFFFF8000  }
0xb5: {  	[tilespmem:s17], [sflag:$0x6] =	stream.indirect.gather [hbm4b:s6+s3], $0x80, s4, s3, $0xb8;
	[tilespmem:$0x18300] =	vst v63  }
0xb6: {  	_ =	swait.ge [sflag:s18], $0x8000  }
0xb7: {  	[sflag:s18] =	ssyncset.done $0x0  }
0xb8: {  	[sflag:s18] =	ssyncadd.s32 $0xFFFF8000  }
0xb9: {  	[hbm4b:s29+s2] =	stream.linear.scatter [tilespmem:s17], [sflag:$0x9], $0x8000, $0x38;
	[tilespmem:$0x18300] =	vst v63  }
0xba: {  	_ =	swait.ge [sflag:s5], $0x100  }
0xbb: {  	[sflag:s5] =	ssyncset.done $0x0  }
0xbc: {  	[sflag:s5] =	ssyncadd.s32 $0xFFFFFF00  }
0xbd: {  	_ =	swait.ge [sflag:s21], $0x8000  }
0xbe: {  	[sflag:s21] =	ssyncset.done $0x0  }
0xbf: {  	[sflag:s21] =	ssyncadd.s32 $0xFFFF8000  }
0xc0: {  	[tilespmem:s7], [sflag:$0x4] =	stream.indirect.gather [hbm4b:s6+s3], $0x80, s2, s3, $0xb8;
	[tilespmem:$0x18300] =	vst v63  }
0xc1: {  	_ =	swait.ge [sflag:s8], $0x8000  }
0xc2: {  	[sflag:s8] =	ssyncset.done $0x0  }
0xc3: {  	[sflag:s8] =	ssyncadd.s32 $0xFFFF8000  }
0xc4: {  	[hbm4b:s30+s2] =	stream.linear.scatter [tilespmem:s7], [sflag:$0x7], $0x8000, $0x38;
	[tilespmem:$0x18300] =	vst v63  }
0xc5: {  	_ =	swait.ge [sflag:s11], $0x100  }
0xc6: {  	[sflag:s11] =	ssyncset.done $0x0  }
0xc7: {  	[sflag:s11] =	ssyncadd.s32 $0xFFFFFF00  }
0xc8: {  	_ =	swait.ge [sflag:s24], $0x8000  }
0xc9: {  	[sflag:s24] =	ssyncset.done $0x0  }
0xca: {  	[sflag:s24] =	ssyncadd.s32 $0xFFFF8000  }
0xcb: {  	[tilespmem:s12], [sflag:$0x5] =	stream.indirect.gather [hbm4b:s6+s3], $0x80, s3, s3, $0xb8;
	[tilespmem:$0x18300] =	vst v63  }
0xcc: {  	_ =	swait.ge [sflag:s13], $0x8000  }
0xcd: {  	[sflag:s13] =	ssyncset.done $0x0  }
0xce: {  	[sflag:s13] =	ssyncadd.s32 $0xFFFF8000  }
0xcf: {  	[hbm4b:s31+s2] =	stream.linear.scatter [tilespmem:s12], [sflag:$0x8], $0x8000, $0x38;
	[tilespmem:$0x18300] =	vst v63  }
0xd0: {  	_ =	swait.ge [sflag:s28], $0x8000  }
0xd1: {  	p0 =	sne.s32 s0, $0x1;
	[sflag:s28] =	ssyncset.done $0x0  }
.Ltmp1:
0xd2: {  	[sflag:s28] =	ssyncadd.s32 $0xFFFF8000;
	(pc) =	sbr.rel @p0 .LBB2_1-.Ltmp1, $4  }
0xd3: {  	_ =	swait.ge [sflag:s21], $0x8000  }
0xd4: {  	[sflag:s21] =	ssyncset.done $0x0  }
0xd5: {  	[sflag:s21] =	ssyncadd.s32 $0xFFFF8000  }
0xd6: {  	s0 =	sadd.s32 $0xFFFFFFFF, s0;
	_ =	swait.ge [sflag:s24], $0x8000  }
.LBB2_2:
0xd7: {  	[sflag:s24] =	ssyncset.done $0x0  }
0xd8: {  	[sflag:s24] =	ssyncadd.s32 $0xFFFF8000  }
0xd9: {  	_ =	sfence.sel $0x180000  }
0xda: {  	[bflag:$0x0] =	sbarrier.arrive $0xFFFF  }
0xdb: {  	_ =	strace $0x9000004D  }
0xdc: {  	s0 =	stileid.u32;
	[bflag:$0x2] =	sbarrier.arrive $0xFFFF  }
0xdd: {  	p0 =	sne.s32 s0, $0x0;
	s0 =	rddreg [dreg:$0x1]  }
0xde: {  	s0 =	sadd.s32 @!p0 $0x100000, s0  }
0xdf: {  	[sflag:s0] =	ssyncadd.tile.s32 @!p0 $0x1;
	_ =	shalt  }
.Lfunc_end2:
_tile_overlayer_lowered:
.L_overlay_start_2:
0xe0: {  	(tag) =	ssettag $0x2  }
0xe1: {  	s0 =	rddreg [dreg:$0x0];
	s2 =	stileid.u32  }
0xe2: {  	s1 =	rddreg [dreg:$0x1];
	p0 =	sne.s32 s2, $0x0  }
0xe3: {  	s3 =	rddreg [dreg:$0x2];
	[bflag:$0x3] =	sbarrier.arrive $0xFFFF;
	s2 =	simm.s32 @!p0 $0x1C0A  }
0xe4: {  	[timem:s3], [sflag:s2] =	dma.local @!p0 [hbm:s0], s1  }
0xe5: {  	s0 =	simm.s32 @!p0 $0xA  }
0xe6: {  	_ =	swait.ge @!p0 [sflag:s0], s1  }
0xe7: {  	s1 =	ssub.s32 @!p0 $0x0, s1;
	[sflag:s0] =	ssyncset.done @!p0 $0x0  }
0xe8: {  	[sflag:s0] =	ssyncadd.s32 @!p0 s1  }
0xe9: {  	[bflag:$0x3] =	sbarrier.arrive $0xFFFF  }
0xea: {  	_ =	shalt  }

// kernel: kernel.21.cloned.1.call-start
scs
__scs_entry_jumppad:
0x0: {  	(pc) =	sbr.rel $0x88, $3  }
0x1: {  	(tag) =	ssettag $0x0;
	lr =	simm.s32 $0x1  }
0x2: {  	[smem:$0x3F9D] =	sst lr;
	_ =	strace $0xD0000000  }
0x3: {  	_ = 	snop  }
0x4: {  	_ = 	snop  }
0x5: {  	_ = 	snop  }
0x6: {  	_ = 	snop  }
0x7: {  	_ = 	snop  }
__scs_overlays_trampoline_lowered:
0x8: {  	[smem:$0x3FAC] =	sst s0  }
0x9: {  	[smem:$0x3FAD] =	sst s1  }
0xa: {  	[smem:$0x3FAE] =	sst s2  }
0xb: {  	[smem:$0x3FAF] =	sst s3  }
0xc: {  	[smem:$0x3FB0] =	sst s4  }
0xd: {  	[smem:$0x3FB1] =	sst s5  }
0xe: {  	[smem:$0x3FB2] =	sst s6  }
0xf: {  	[smem:$0x3FB3] =	sst s7  }
0x10: {  	[smem:$0x3FB4] =	sst s8  }
0x11: {  	[smem:$0x3FB5] =	sst s9;
	s0 =	simm.s32 @!p0 $0x0  }
0x12: {  	s1 =	sld [smem:$0x3F9B];
	s0 =	simm.s32 @p0 $0x1  }
0x13: {  	[smem:$0x3FB6] =	sst s0;
	s0 =	simm.s32 @!p1 $0x0  }
0x14: {  	s2 =	sld [smem:$0x3F9A];
	s0 =	simm.s32 @p1 $0x1  }
0x15: {  	[smem:$0x3FB7] =	sst s0;
	s0 =	simm.s32 @!p2 $0x0  }
0x16: {  	s3 =	sld [smem:$0x3FDB];
	s0 =	simm.s32 @p2 $0x1  }
0x17: {  	s4 =	simm.s32 $0x1BF5;
	[smem:$0x3FB9] =	sst s0  }
0x18: {  	s0 =	sld [smem:$0x3F9C];
	_ =	swait.ge [sflag:s4], $0x0  }
0x19: {  	s7 =	sld [smem:$0x3F9D]  }
0x1a: {  	s8 =	sadd.s32 $0xFFFFE003, lr  }
0x1b: {  	s9 =	sadd.s32 $0xFFFFFEF7, lr;
	s5 =	simm.s32 $0xFFFFFFFF;
	p2 =	slt.u32 s8, $0xFFFFF086  }
0x1c: {  	p1 =	slt.u32 s9, $0xF7A;
	s5 =	simm.s32 @!p2 $0x0  }
0x1d: {  	s5 =	simm.s32 @p1 $0x1;
	p0 =	seq.s32 s7, s2  }
0x1e: {  	s7 =	smul.u32 @!p0 $0xF7A, s2;
	p2 =	seq.s32 @!p0 s5, $0x0  }
0x1f: {  	s9 =	smul.u32 $0xF7A, s1;
	s8 =	simm.s32 @!p0 $0x1BF5;
	p2 =	por !p2, p0  }
0x20: {  	[sflag:s8] =	ssyncset.s32 @!p0 $0xFFFFF086;
	s6 =	sadd.s32 @!p0 s3, s7;
	s7 =	simm.s32 @!p0 $0x108  }
0x21: {  	s3 =	sadd.s32 s3, s9;
	s6 =	sadd.s32 @!p0 $0x88, s6;
	s7 =	simm.s32 @p2 $0x1082  }
0x22: {  	[simem:s7], [sflag:s8] =	dma.local @!p0 [hbm:s6], $0xF7A  }
0x23: {  	s9 =	sor.u32 $0xD0000000, s2;
	s6 =	simm.s32 $0x108;
	_ =	swait.ge @!p0 [sflag:s8], $0x0  }
0x24: {  	s3 =	sadd.s32 $0x88, s3;
	s6 =	simm.s32 @!p1 $0x1082;
	[sflag:s4] =	ssyncset.s32 $0xFFFFF086  }
0x25: {  	[simem:s6], [sflag:s4] =	dma.local [hbm:s3], $0xF7A  }
0x26: {  	[smem:$0x3F9D] =	sst s1;
	(tag) =	ssettag s2;
	_ =	strace s9  }
0x27: {  	s1 =	sld [smem:$0x3FAD]  }
0x28: {  	s2 =	sld [smem:$0x3FAE]  }
0x29: {  	s4 =	sld [smem:$0x3FB0]  }
0x2a: {  	p0 =	seq.s32 s5, $0x0;
	s5 =	sld [smem:$0x3FB1]  }
0x2b: {  	s6 =	sld [smem:$0x3FB2]  }
0x2c: {  	s7 =	sld [smem:$0x3FB3]  }
0x2d: {  	s3 =	simm.s32 $0x108;
	s8 =	sld [smem:$0x3FB4]  }
0x2e: {  	s3 =	simm.s32 @!p0 $0x1082;
	s9 =	sld [smem:$0x3FB5]  }
0x2f: {  	lr =	sadd.s32 s0, s3;
	s0 =	sld [smem:$0x3FAC]  }
0x30: {  	s3 =	sld [smem:$0x3FAF]  }
0x31: {  	[smem:$0x3FB8] =	sst s10  }
0x32: {  	s10 =	sld [smem:$0x3FB6];
	_ =	sdelay $0x3  }
0x33: {  	p0 =	seq.s32 s10, $0x1;
	s10 =	sld [smem:$0x3FB8];
	_ =	sdelay $0x3  }
0x34: {  	[smem:$0x3FB8] =	sst s10  }
0x35: {  	s10 =	sld [smem:$0x3FB7];
	_ =	sdelay $0x3  }
0x36: {  	p1 =	seq.s32 s10, $0x1;
	s10 =	sld [smem:$0x3FB8];
	_ =	sdelay $0x3  }
0x37: {  	[smem:$0x3FB8] =	sst s10  }
0x38: {  	s10 =	sld [smem:$0x3FB9]  }
0x39: {  	_ = 	snop;
	(pc) =	sbr.ind lr, $3  }
0x3a: {  	_ = 	snop  }
0x3b: {  	_ = 	snop  }
0x3c: {  	p2 =	seq.s32 s10, $0x1;
	s10 =	sld [smem:$0x3FB8]  }
0x3d: {  	_ =	shalt  }
0x3e: {  	_ =	shalt  }
0x3f: {  	_ =	shalt  }
0x40: {  	_ =	shalt  }
0x41: {  	_ =	shalt  }
0x42: {  	_ =	shalt  }
0x43: {  	_ =	shalt  }
0x44: {  	_ =	shalt  }
0x45: {  	_ =	shalt  }
0x46: {  	_ =	shalt  }
0x47: {  	_ =	shalt  }
0x48: {  	_ =	shalt  }
0x49: {  	_ =	shalt  }
0x4a: {  	_ =	shalt  }
0x4b: {  	_ =	shalt  }
0x4c: {  	_ =	shalt  }
0x4d: {  	_ =	shalt  }
0x4e: {  	_ =	shalt  }
0x4f: {  	_ =	shalt  }
0x50: {  	_ =	shalt  }
0x51: {  	_ =	shalt  }
0x52: {  	_ =	shalt  }
0x53: {  	_ =	shalt  }
0x54: {  	_ =	shalt  }
0x55: {  	_ =	shalt  }
0x56: {  	_ =	shalt  }
0x57: {  	_ =	shalt  }
0x58: {  	_ =	shalt  }
0x59: {  	_ =	shalt  }
0x5a: {  	_ =	shalt  }
0x5b: {  	_ =	shalt  }
0x5c: {  	_ =	shalt  }
0x5d: {  	_ =	shalt  }
0x5e: {  	_ =	shalt  }
0x5f: {  	_ =	shalt  }
0x60: {  	_ =	shalt  }
0x61: {  	_ =	shalt  }
0x62: {  	_ =	shalt  }
0x63: {  	_ =	shalt  }
0x64: {  	_ =	shalt  }
0x65: {  	_ =	shalt  }
0x66: {  	_ =	shalt  }
0x67: {  	_ =	shalt  }
0x68: {  	_ =	shalt  }
0x69: {  	_ =	shalt  }
0x6a: {  	_ =	shalt  }
0x6b: {  	_ =	shalt  }
0x6c: {  	_ =	shalt  }
0x6d: {  	_ =	shalt  }
0x6e: {  	_ =	shalt  }
0x6f: {  	_ =	shalt  }
0x70: {  	_ =	shalt  }
0x71: {  	_ =	shalt  }
0x72: {  	_ =	shalt  }
0x73: {  	_ =	shalt  }
0x74: {  	_ =	shalt  }
0x75: {  	_ =	shalt  }
0x76: {  	_ =	shalt  }
0x77: {  	_ =	shalt  }
0x78: {  	_ =	shalt  }
0x79: {  	_ =	shalt  }
0x7a: {  	_ =	shalt  }
0x7b: {  	_ =	shalt  }
0x7c: {  	_ =	shalt  }
0x7d: {  	_ =	shalt  }
0x7e: {  	_ =	shalt  }
0x7f: {  	_ =	shalt  }
0x80: {  	_ =	shalt  }
0x81: {  	_ =	shalt  }
0x82: {  	_ =	shalt  }
0x83: {  	_ =	shalt  }
0x84: {  	_ =	shalt  }
0x85: {  	_ =	shalt  }
0x86: {  	_ =	shalt  }
0x87: {  	_ =	shalt  }
.Lfunc_end0:
.L_simem_size_0:
called_computation.1_lowered:
.L_overlay_start_0:
0x88: {  	s2 =	sld [smem:$0x3FD9]  }
0x89: {  	s3 =	sld [smem:$0x3FFE];
	_ =	sdelay $0x1  }
0x8a: {  	s1 =	srdreg.scid  }
0x8b: {  	s0 =	sand.u32 $0x1, s1  }
0x8c: {  	s17 =	sshll.u32 s0, $0xA;
	s2 =	sadd.s32 s3, s2  }
0x8d: {  	s2 =	sadd.s32 s2, s17  }
0x8e: {  	[smem:$0x3FC4] =	sst s2  }
0x8f: {  	_ = 	snop  }
0x90: {  	(tm) =	ssettm $0x1  }
0x91: {  	s18 =	sld [smem:$0x3FFB];
	_ =	sdelay $0x3  }
0x92: {  	_ =	strace s18  }
0x93: {  	s2 =	sld [smem:$0x3FFC];
	_ =	sdelay $0x3  }
0x94: {  	_ =	strace s2  }
0x95: {  	s2 =	sld [smem:$0x3FFD];
	_ =	sdelay $0x3  }
0x96: {  	_ =	strace s2  }
0x97: {  	_ =	strace $0x8FFFFFFF  }
0x98: {  	s19 =	sld [smem:$0x3FDB];
	_ =	sdelay $0x1  }
0x99: {  	s20 =	simm.s32 $_scs_section_size  }
0x9a: {  	s4 =	simm.s32 $_size__tile_overlayer_lowered;
	s5 =	simm.s32 $_tile_overlayer_lowered  }
0x9b: {  	s6 =	simm.s32 $0x1BFF;
	s21 =	sshll.u32 s5, $0x1;
	s3 =	sadd.s32 s20, s19  }
0x9c: {  	s22 =	simm.s32 $0x0;
	s4 =	sshll.u32 s4, $0x1;
	s5 =	sadd.s32 s21, s3  }
0x9d: {  	[timem:s22], [sflag:s6] =	dma.local [hbm:s5], s4  }
0x9e: {  	_ =	swait.ge [sflag:s6], s4  }
0x9f: {  	s4 =	ssub.s32 $0x0, s4;
	[sflag:s6] =	ssyncset.done $0x0  }
0xa0: {  	[sflag:s6] =	ssyncadd.s32 s4;
	_ =	sdelay $0x1  }
0xa1: {  	s23 =	simm.s32 $0x1B8B  }
0xa2: {  	_ =	swait.ge [sflag:s23], $0x1  }
0xa3: {  	[sflag:s23] =	ssyncset.done $0x0  }
0xa4: {  	[sflag:s23] =	ssyncadd.s32 $0xFFFFFFFF  }
0xa5: {  	s4 =	sld [smem:$0x0]  }
0xa6: {  	s5 =	sand.u32 $0xFFFFFFFE, s1  }
0xa7: {  	p0 =	sne.s32 s1, s5  }
0xa8: {  	s5 =	sshll.u32 @p0 s5, $0xE  }
0xa9: {  	s5 =	sadd.s32 @p0 $0x11B8D, s5;
	s6 =	sshll.u32 @p0 s4, $0x11  }
0xaa: {  	s5 =	sor.u32 @p0 s6, s5  }
0xab: {  	[sflag:s5] =	ssyncadd.remote.s32 @p0 $0x1;
	_ =	sdelay $0x1  }
0xac: {  	s5 =	simm.s32 @p0 $0x1B8D  }
0xad: {  	_ =	swait.eq @p0 [sflag:s5], $0x1  }
0xae: {  	[sflag:s5] =	ssyncadd.s32 @p0 $0xFFFFFFFF  }
0xaf: {  	s6 =	sshll.u32 @!p0 s1, $0xE  }
0xb0: {  	s6 =	sor.u32 @!p0 $0x4000, s6;
	s5 =	simm.s32 @!p0 $0x1B8D  }
0xb1: {  	s4 =	sshll.u32 @!p0 s4, $0x11;
	s6 =	sadd.s32 @!p0 $0x11B8D, s6;
	_ =	swait.eq @!p0 [sflag:s5], $0x1  }
0xb2: {  	s4 =	sor.u32 @!p0 s4, s6;
	[sflag:s5] =	ssyncadd.s32 @!p0 $0xFFFFFFFF  }
0xb3: {  	s25 =	simm.s32 $0x1B8E;
	s24 =	sld [smem:$0x3FFE];
	[sflag:s4] =	ssyncadd.remote.s32 @!p0 $0x1  }
0xb4: {  	s26 =	simm.s32 $execute0_lowered;
	[smem:$0x3FD2] =	sst s25  }
0xb5: {  	s5 =	sshll.u32 s26, $0x1;
	_ =	strace $0x80000049;
	[dreg:$0x1] =	wrdreg $0xFFFFFFFF  }
0xb6: {  	s28 =	simm.s32 $_size_execute0_lowered;
	s3 =	sadd.s32 s3, s5;
	[dreg:$0x0] =	wrdreg $0x0  }
0xb7: {  	s5 =	sshll.u32 s28, $0x1;
	[dreg:$0x2] =	wrdreg s3  }
0xb8: {  	[dreg:$0x3] =	wrdreg s5  }
0xb9: {  	[dreg:$0x4] =	wrdreg $0xC0  }
0xba: {  	_ =	task [dreg:s22], $0x5FFFF  }
0xbb: {  	[dreg:$0x1] =	wrdreg $0xFFFFFFFF  }
0xbc: {  	[dreg:$0x0] =	wrdreg $0x60  }
0xbd: {  	[dreg:$0x2] =	wrdreg s24  }
0xbe: {  	[dreg:$0x3] =	wrdreg $0xA  }
0xbf: {  	_ =	task.clear_ibuf [dreg:s22], $0x4FFFF;
	_ =	strace $0x90000049  }
0xc0: {  	s29 =	simm.s32 $0xA;
	_ =	strace $0x8000004B  }
0xc1: {  	_ =	swait.ge [sflag:s29], $0x1  }
0xc2: {  	[sflag:s29] =	ssyncadd.s32 $0xFFFFFFFF  }
0xc3: {  	_ =	strace $0x9000004B  }
0xc4: {  	_ =	sfence  }
0xc5: {  	s30 =	sld [smem:$0x0];
	_ =	sdelay $0x2  }
0xc6: {  	s31 =	sshll.u32 s1, $0xD;
	s1 =	sshrl.u32 s1, $0x2  }
0xc7: {  	s4 =	sand.u32 $0x4000, s31;
	s1 =	sadd.s32 s1, s30  }
0xc8: {  	s0 =	sor.u32 s4, s0;
	s1 =	sshll.u32 s1, $0x11  }
0xc9: {  	s0 =	sor.u32 s1, s0  }
0xca: {  	s0 =	sadd.s32 $0x8F2B, s0  }
0xcb: {  	[sflag:s0] =	ssyncadd.remote.s32 $0x1  }
0xcc: {  	_ =	sfence.sel $0xFFFF  }
0xcd: {  	[dreg:$0x0] =	wrdreg $0xFFFFFFFF;
	(pc) =	sbr.abs _section_cstart, $3  }
0xce: {  	[dreg:$0x1] =	wrdreg $0xFFFFFFFF  }
0xcf: {  	_ =	task.clear_ibuf [dreg:s22], $0x2FFFF;
	_ =	strace $0x9FFFFFFF  }
0xd0: {  	(tm) =	ssettm $0x7FFFFFFF  }
0xd1: {  	_ =	shalt  }
tec
execute0_lowered:
.L_overlay_start_1:
0x0: {  	(tag) =	ssettag $0x1  }
0x1: {  	s0 =	srdreg.scid  }
0x2: {  	s9 =	rddreg [dreg:$0x0];
	s1 =	stileid.u32;
	s0 =	sand.u32 $0x1, s0  }
0x3: {  	s2 =	simm.s32 $0x0;
	s3 =	sshll.u32 s1, $0xC;
	s4 =	sshll.u32 s0, $0xB  }
0x4: {  	[smem:$0x7FF] =	sst s2;
	s26 =	sor.u32 s4, s3  }
0x5: {  	s25 =	sadd.s32 $0x135400, s9;
	s3 =	sshrl.u32 s26, $0x3;
	s15 =	sor.u32 $0x100, s26  }
0x6: {  	_ =	strace $0x8000004A;
	s3 =	sadd.s32 s25, s3;
	s14 =	sshrl.u32 s15, $0x3  }
0x7: {  	s20 =	sor.u32 $0x200, s26;
	[dreg:$0x2] =	wrdreg s3;
	s16 =	sadd.s32 s25, s14  }
0x8: {  	s17 =	sshrl.u32 s20, $0x3;
	[dreg:$0x3] =	wrdreg s16  }
0x9: {  	s3 =	sadd.s32 s25, s17;
	s18 =	rddreg [dreg:$0x2]  }
0xa: {  	[dreg:$0x4] =	wrdreg s3  }
0xb: {  	[tilespmem:s2], [sflag:$0x1] =	stream.linear.gather [hbm4b:s18+s2], $0x100, $0x38;
	[tilespmem:$0x18300] =	vst v63  }
0xc: {  	s3 =	simm.s32 $0x100;
	s5 =	rddreg [dreg:$0x3]  }
0xd: {  	[tilespmem:s3], [sflag:$0x2] =	stream.linear.gather [hbm4b:s5+s2], $0x100, $0x38;
	[tilespmem:$0x18300] =	vst v63  }
0xe: {  	s4 =	simm.s32 $0x200;
	s6 =	rddreg [dreg:$0x4];
	s5 =	simm.s32 $0x1  }
0xf: {  	[tilespmem:s4], [sflag:$0x3] =	stream.linear.gather [hbm4b:s6+s2], $0x100, $0x38;
	[tilespmem:$0x18300] =	vst v63  }
0x10: {  	_ =	swait.ge [sflag:s5], $0x100  }
0x11: {  	s7 =	simm.s32 $0x300;
	[sflag:s5] =	ssyncset.done $0x0  }
0x12: {  	s8 =	simm.s32 $0x4;
	s6 =	sadd.s32 $0x125400, s9;
	[sflag:s5] =	ssyncadd.s32 $0xFFFFFF00  }
0x13: {  	[tilespmem:s7], [sflag:$0x4] =	stream.indirect.gather [hbm4b:s6+s3], $0x80, s2, s3, $0xb8;
	[tilespmem:$0x18300] =	vst v63  }
0x14: {  	s23 =	sor.u32 $0x300, s26;
	_ =	swait.ge [sflag:s8], $0x8000  }
0x15: {  	s31 =	sadd.s32 $0x137400, s9;
	s19 =	sshrl.u32 s23, $0x3;
	[sflag:s8] =	ssyncset.done $0x0  }
0x16: {  	s22 =	sshll.u32 s26, $0x4;
	s21 =	sadd.s32 s25, s19;
	[sflag:s8] =	ssyncadd.s32 $0xFFFF8000  }
0x17: {  	[tilespmem:s2], [sflag:$0x1] =	stream.linear.gather [hbm4b:s21+s2], $0x100, $0x38;
	[tilespmem:$0x18300] =	vst v63  }
0x18: {  	s11 =	simm.s32 $0x2;
	s24 =	sadd.s32 s31, s22;
	[dreg:$0x5] =	wrdreg s21  }
0x19: {  	[hbm4b:s24+s2] =	stream.linear.scatter [tilespmem:s7], [sflag:$0x7], $0x8000, $0x38;
	[tilespmem:$0x18300] =	vst v63  }
0x1a: {  	_ =	swait.ge [sflag:s11], $0x100  }
0x1b: {  	[sflag:s11] =	ssyncset.done $0x0  }
0x1c: {  	s12 =	simm.s32 $0x8300;
	s13 =	simm.s32 $0x5;
	[sflag:s11] =	ssyncadd.s32 $0xFFFFFF00  }
0x1d: {  	[tilespmem:s12], [sflag:$0x5] =	stream.indirect.gather [hbm4b:s6+s3], $0x80, s3, s3, $0xb8;
	[tilespmem:$0x18300] =	vst v63  }
0x1e: {  	s28 =	sor.u32 $0x400, s26;
	_ =	swait.ge [sflag:s13], $0x8000  }
0x1f: {  	s14 =	sshrl.u32 s28, $0x3;
	[sflag:s13] =	ssyncset.done $0x0  }
0x20: {  	s15 =	sshll.u32 s15, $0x4;
	s14 =	sadd.s32 s25, s14;
	[sflag:s13] =	ssyncadd.s32 $0xFFFF8000  }
0x21: {  	[tilespmem:s3], [sflag:$0x2] =	stream.linear.gather [hbm4b:s14+s2], $0x100, $0x38;
	[tilespmem:$0x18300] =	vst v63  }
0x22: {  	s15 =	sadd.s32 s31, s15;
	s16 =	simm.s32 $0x3  }
0x23: {  	[hbm4b:s15+s2] =	stream.linear.scatter [tilespmem:s12], [sflag:$0x8], $0x8000, $0x38;
	[tilespmem:$0x18300] =	vst v63  }
0x24: {  	_ =	swait.ge [sflag:s16], $0x100  }
0x25: {  	[sflag:s16] =	ssyncset.done $0x0  }
0x26: {  	s17 =	simm.s32 $0x10300;
	s18 =	simm.s32 $0x6;
	[sflag:s16] =	ssyncadd.s32 $0xFFFFFF00  }
0x27: {  	[tilespmem:s17], [sflag:$0x6] =	stream.indirect.gather [hbm4b:s6+s3], $0x80, s4, s3, $0xb8;
	[tilespmem:$0x18300] =	vst v63  }
0x28: {  	s29 =	sor.u32 $0x500, s26;
	_ =	swait.ge [sflag:s18], $0x8000  }
0x29: {  	s19 =	sshrl.u32 s29, $0x3;
	[sflag:s18] =	ssyncset.done $0x0  }
0x2a: {  	s20 =	sshll.u32 s20, $0x4;
	s19 =	sadd.s32 s25, s19;
	[sflag:s18] =	ssyncadd.s32 $0xFFFF8000  }
0x2b: {  	[tilespmem:s4], [sflag:$0x3] =	stream.linear.gather [hbm4b:s19+s2], $0x100, $0x38;
	[tilespmem:$0x18300] =	vst v63  }
0x2c: {  	s20 =	sadd.s32 s31, s20  }
0x2d: {  	[hbm4b:s20+s2] =	stream.linear.scatter [tilespmem:s17], [sflag:$0x9], $0x8000, $0x38;
	[tilespmem:$0x18300] =	vst v63  }
0x2e: {  	_ =	swait.ge [sflag:s5], $0x100  }
0x2f: {  	[sflag:s5] =	ssyncset.done $0x0  }
0x30: {  	s21 =	simm.s32 $0x7;
	[sflag:s5] =	ssyncadd.s32 $0xFFFFFF00  }
0x31: {  	_ =	swait.ge [sflag:s21], $0x8000  }
0x32: {  	[sflag:s21] =	ssyncset.done $0x0  }
0x33: {  	[sflag:s21] =	ssyncadd.s32 $0xFFFF8000  }
0x34: {  	[tilespmem:s7], [sflag:$0x4] =	stream.indirect.gather [hbm4b:s6+s3], $0x80, s2, s3, $0xb8;
	[tilespmem:$0x18300] =	vst v63  }
0x35: {  	s30 =	sor.u32 $0x600, s26;
	_ =	swait.ge [sflag:s8], $0x8000  }
0x36: {  	s22 =	sshrl.u32 s30, $0x3;
	[sflag:s8] =	ssyncset.done $0x0  }
0x37: {  	s23 =	sshll.u32 s23, $0x4;
	s22 =	sadd.s32 s25, s22;
	[sflag:s8] =	ssyncadd.s32 $0xFFFF8000  }
0x38: {  	[tilespmem:s2], [sflag:$0x1] =	stream.linear.gather [hbm4b:s22+s2], $0x100, $0x38;
	[tilespmem:$0x18300] =	vst v63  }
0x39: {  	s23 =	sadd.s32 s31, s23  }
0x3a: {  	[hbm4b:s23+s2] =	stream.linear.scatter [tilespmem:s7], [sflag:$0x7], $0x8000, $0x38;
	[tilespmem:$0x18300] =	vst v63  }
0x3b: {  	_ =	swait.ge [sflag:s11], $0x100  }
0x3c: {  	[sflag:s11] =	ssyncset.done $0x0  }
0x3d: {  	s10 =	smov.u32 s24;
	s24 =	simm.s32 $0x8;
	[sflag:s11] =	ssyncadd.s32 $0xFFFFFF00  }
0x3e: {  	_ =	swait.ge [sflag:s24], $0x8000  }
0x3f: {  	[sflag:s24] =	ssyncset.done $0x0  }
0x40: {  	[sflag:s24] =	ssyncadd.s32 $0xFFFF8000  }
0x41: {  	[tilespmem:s12], [sflag:$0x5] =	stream.indirect.gather [hbm4b:s6+s3], $0x80, s3, s3, $0xb8;
	[tilespmem:$0x18300] =	vst v63  }
0x42: {  	s1 =	sor.u32 $0x700, s26;
	_ =	swait.ge [sflag:s13], $0x8000  }
0x43: {  	s26 =	sshrl.u32 s1, $0x3;
	[sflag:s13] =	ssyncset.done $0x0  }
0x44: {  	s25 =	sadd.s32 s25, s26;
	s9 =	sshll.u32 s28, $0x4;
	[sflag:s13] =	ssyncadd.s32 $0xFFFF8000  }
0x45: {  	[tilespmem:s3], [sflag:$0x2] =	stream.linear.gather [hbm4b:s25+s2], $0x100, $0x38;
	[tilespmem:$0x18300] =	vst v63  }
0x46: {  	s26 =	sadd.s32 s31, s9  }
0x47: {  	[hbm4b:s26+s2] =	stream.linear.scatter [tilespmem:s12], [sflag:$0x8], $0x8000, $0x38;
	[tilespmem:$0x18300] =	vst v63  }
0x48: {  	_ =	swait.ge [sflag:s16], $0x100  }
0x49: {  	[sflag:s16] =	ssyncset.done $0x0  }
0x4a: {  	s28 =	simm.s32 $0x9;
	[sflag:s16] =	ssyncadd.s32 $0xFFFFFF00  }
0x4b: {  	_ =	swait.ge [sflag:s28], $0x8000  }
0x4c: {  	[sflag:s28] =	ssyncset.done $0x0  }
0x4d: {  	[sflag:s28] =	ssyncadd.s32 $0xFFFF8000  }
0x4e: {  	[tilespmem:s17], [sflag:$0x6] =	stream.indirect.gather [hbm4b:s6+s3], $0x80, s4, s3, $0xb8;
	[tilespmem:$0x18300] =	vst v63  }
0x4f: {  	_ =	swait.ge [sflag:s18], $0x8000  }
0x50: {  	s29 =	sshll.u32 s29, $0x4;
	[sflag:s18] =	ssyncset.done $0x0  }
0x51: {  	s29 =	sadd.s32 s31, s29;
	[sflag:s18] =	ssyncadd.s32 $0xFFFF8000  }
0x52: {  	[hbm4b:s29+s2] =	stream.linear.scatter [tilespmem:s17], [sflag:$0x9], $0x8000, $0x38;
	[tilespmem:$0x18300] =	vst v63  }
0x53: {  	_ =	swait.ge [sflag:s5], $0x100  }
0x54: {  	[sflag:s5] =	ssyncset.done $0x0  }
0x55: {  	[sflag:s5] =	ssyncadd.s32 $0xFFFFFF00  }
0x56: {  	_ =	swait.ge [sflag:s21], $0x8000  }
0x57: {  	[sflag:s21] =	ssyncset.done $0x0  }
0x58: {  	[sflag:s21] =	ssyncadd.s32 $0xFFFF8000  }
0x59: {  	[tilespmem:s7], [sflag:$0x4] =	stream.indirect.gather [hbm4b:s6+s3], $0x80, s2, s3, $0xb8;
	[tilespmem:$0x18300] =	vst v63  }
0x5a: {  	_ =	swait.ge [sflag:s8], $0x8000  }
0x5b: {  	s30 =	sshll.u32 s30, $0x4;
	[sflag:s8] =	ssyncset.done $0x0  }
0x5c: {  	s30 =	sadd.s32 s31, s30;
	[sflag:s8] =	ssyncadd.s32 $0xFFFF8000  }
0x5d: {  	[hbm4b:s30+s2] =	stream.linear.scatter [tilespmem:s7], [sflag:$0x7], $0x8000, $0x38;
	[tilespmem:$0x18300] =	vst v63  }
0x5e: {  	_ =	swait.ge [sflag:s11], $0x100  }
0x5f: {  	[sflag:s11] =	ssyncset.done $0x0  }
0x60: {  	[sflag:s11] =	ssyncadd.s32 $0xFFFFFF00  }
0x61: {  	_ =	swait.ge [sflag:s24], $0x8000  }
0x62: {  	[sflag:s24] =	ssyncset.done $0x0  }
0x63: {  	[sflag:s24] =	ssyncadd.s32 $0xFFFF8000  }
0x64: {  	[tilespmem:s12], [sflag:$0x5] =	stream.indirect.gather [hbm4b:s6+s3], $0x80, s3, s3, $0xb8;
	[tilespmem:$0x18300] =	vst v63  }
0x65: {  	s0 =	ssub.s32 $0x2, s0;
	_ =	swait.ge [sflag:s13], $0x8000  }
0x66: {  	s1 =	sshll.u32 s1, $0x4;
	s9 =	sshrl.u32 s0, $0x1;
	[sflag:s13] =	ssyncset.done $0x0  }
0x67: {  	s31 =	sadd.s32 s31, s1;
	s0 =	ssub.s32 s0, s9;
	[sflag:s13] =	ssyncadd.s32 $0xFFFF8000  }
0x68: {  	[hbm4b:s31+s2] =	stream.linear.scatter [tilespmem:s12], [sflag:$0x8], $0x8000, $0x38;
	[tilespmem:$0x18300] =	vst v63  }
0x69: {  	s0 =	smax.u32 s0, $0x1;
	_ =	swait.ge [sflag:s28], $0x8000  }
0x6a: {  	p0 =	sne.s32 s0, $0x1;
	[sflag:s28] =	ssyncset.done $0x0  }
.Ltmp0:
0x6b: {  	[sflag:s28] =	ssyncadd.s32 $0xFFFF8000;
	(pc) =	sbr.rel @!p0 .LBB2_2-.Ltmp0, $4  }
0x6c: {  	_ =	swait.ge [sflag:s21], $0x8000  }
0x6d: {  	[sflag:s21] =	ssyncset.done $0x0  }
0x6e: {  	[sflag:s21] =	ssyncadd.s32 $0xFFFF8000  }
0x6f: {  	s0 =	sadd.s32 $0xFFFFFFFF, s0;
	_ =	swait.ge [sflag:s24], $0x8000  }
.LBB2_1:
0x70: {  	[sflag:s24] =	ssyncset.done $0x0  }
0x71: {  	s1 =	rddreg [dreg:$0x2];
	[sflag:s24] =	ssyncadd.s32 $0xFFFF8000  }
0x72: {  	[tilespmem:s2], [sflag:$0x1] =	stream.linear.gather [hbm4b:s1+s2], $0x100, $0x38;
	[tilespmem:$0x18300] =	vst v63  }
0x73: {  	s9 =	rddreg [dreg:$0x3]  }
0x74: {  	[tilespmem:s3], [sflag:$0x2] =	stream.linear.gather [hbm4b:s9+s2], $0x100, $0x38;
	[tilespmem:$0x18300] =	vst v63  }
0x75: {  	s1 =	rddreg [dreg:$0x4]  }
0x76: {  	[tilespmem:s4], [sflag:$0x3] =	stream.linear.gather [hbm4b:s1+s2], $0x100, $0x38;
	[tilespmem:$0x18300] =	vst v63  }
0x77: {  	_ =	swait.ge [sflag:s5], $0x100  }
0x78: {  	[sflag:s5] =	ssyncset.done $0x0  }
0x79: {  	[sflag:s5] =	ssyncadd.s32 $0xFFFFFF00  }
0x7a: {  	[tilespmem:s7], [sflag:$0x4] =	stream.indirect.gather [hbm4b:s6+s3], $0x80, s2, s3, $0xb8;
	[tilespmem:$0x18300] =	vst v63  }
0x7b: {  	_ =	swait.ge [sflag:s8], $0x8000  }
0x7c: {  	[sflag:s8] =	ssyncset.done $0x0  }
0x7d: {  	s9 =	rddreg [dreg:$0x5];
	[sflag:s8] =	ssyncadd.s32 $0xFFFF8000  }
0x7e: {  	[tilespmem:s2], [sflag:$0x1] =	stream.linear.gather [hbm4b:s9+s2], $0x100, $0x38;
	[tilespmem:$0x18300] =	vst v63  }
0x7f: {  	_ = 	snop  }
0x80: {  	[hbm4b:s10+s2] =	stream.linear.scatter [tilespmem:s7], [sflag:$0x7], $0x8000, $0x38;
	[tilespmem:$0x18300] =	vst v63  }
0x81: {  	_ =	swait.ge [sflag:s11], $0x100  }
0x82: {  	[sflag:s11] =	ssyncset.done $0x0  }
0x83: {  	[sflag:s11] =	ssyncadd.s32 $0xFFFFFF00  }
0x84: {  	[tilespmem:s12], [sflag:$0x5] =	stream.indirect.gather [hbm4b:s6+s3], $0x80, s3, s3, $0xb8;
	[tilespmem:$0x18300] =	vst v63  }
0x85: {  	_ =	swait.ge [sflag:s13], $0x8000  }
0x86: {  	[sflag:s13] =	ssyncset.done $0x0  }
0x87: {  	[sflag:s13] =	ssyncadd.s32 $0xFFFF8000  }
0x88: {  	[tilespmem:s3], [sflag:$0x2] =	stream.linear.gather [hbm4b:s14+s2], $0x100, $0x38;
	[tilespmem:$0x18300] =	vst v63  }
0x89: {  	_ = 	snop  }
0x8a: {  	[hbm4b:s15+s2] =	stream.linear.scatter [tilespmem:s12], [sflag:$0x8], $0x8000, $0x38;
	[tilespmem:$0x18300] =	vst v63  }
0x8b: {  	_ =	swait.ge [sflag:s16], $0x100  }
0x8c: {  	[sflag:s16] =	ssyncset.done $0x0  }
0x8d: {  	[sflag:s16] =	ssyncadd.s32 $0xFFFFFF00  }
0x8e: {  	[tilespmem:s17], [sflag:$0x6] =	stream.indirect.gather [hbm4b:s6+s3], $0x80, s4, s3, $0xb8;
	[tilespmem:$0x18300] =	vst v63  }
0x8f: {  	_ =	swait.ge [sflag:s18], $0x8000  }
0x90: {  	[sflag:s18] =	ssyncset.done $0x0  }
0x91: {  	[sflag:s18] =	ssyncadd.s32 $0xFFFF8000  }
0x92: {  	[tilespmem:s4], [sflag:$0x3] =	stream.linear.gather [hbm4b:s19+s2], $0x100, $0x38;
	[tilespmem:$0x18300] =	vst v63  }
0x93: {  	_ = 	snop  }
0x94: {  	[hbm4b:s20+s2] =	stream.linear.scatter [tilespmem:s17], [sflag:$0x9], $0x8000, $0x38;
	[tilespmem:$0x18300] =	vst v63  }
0x95: {  	_ =	swait.ge [sflag:s5], $0x100  }
0x96: {  	[sflag:s5] =	ssyncset.done $0x0  }
0x97: {  	[sflag:s5] =	ssyncadd.s32 $0xFFFFFF00  }
0x98: {  	_ =	swait.ge [sflag:s21], $0x8000  }
0x99: {  	[sflag:s21] =	ssyncset.done $0x0  }
0x9a: {  	[sflag:s21] =	ssyncadd.s32 $0xFFFF8000  }
0x9b: {  	[tilespmem:s7], [sflag:$0x4] =	stream.indirect.gather [hbm4b:s6+s3], $0x80, s2, s3, $0xb8;
	[tilespmem:$0x18300] =	vst v63  }
0x9c: {  	_ =	swait.ge [sflag:s8], $0x8000  }
0x9d: {  	[sflag:s8] =	ssyncset.done $0x0  }
0x9e: {  	[sflag:s8] =	ssyncadd.s32 $0xFFFF8000  }
0x9f: {  	[tilespmem:s2], [sflag:$0x1] =	stream.linear.gather [hbm4b:s22+s2], $0x100, $0x38;
	[tilespmem:$0x18300] =	vst v63  }
0xa0: {  	_ = 	snop  }
0xa1: {  	[hbm4b:s23+s2] =	stream.linear.scatter [tilespmem:s7], [sflag:$0x7], $0x8000, $0x38;
	[tilespmem:$0x18300] =	vst v63  }
0xa2: {  	_ =	swait.ge [sflag:s11], $0x100  }
0xa3: {  	[sflag:s11] =	ssyncset.done $0x0  }
0xa4: {  	[sflag:s11] =	ssyncadd.s32 $0xFFFFFF00  }
0xa5: {  	_ =	swait.ge [sflag:s24], $0x8000  }
0xa6: {  	[sflag:s24] =	ssyncset.done $0x0  }
0xa7: {  	[sflag:s24] =	ssyncadd.s32 $0xFFFF8000  }
0xa8: {  	[tilespmem:s12], [sflag:$0x5] =	stream.indirect.gather [hbm4b:s6+s3], $0x80, s3, s3, $0xb8;
	[tilespmem:$0x18300] =	vst v63  }
0xa9: {  	_ =	swait.ge [sflag:s13], $0x8000  }
0xaa: {  	[sflag:s13] =	ssyncset.done $0x0  }
0xab: {  	[sflag:s13] =	ssyncadd.s32 $0xFFFF8000  }
0xac: {  	[tilespmem:s3], [sflag:$0x2] =	stream.linear.gather [hbm4b:s25+s2], $0x100, $0x38;
	[tilespmem:$0x18300] =	vst v63  }
0xad: {  	_ = 	snop  }
0xae: {  	[hbm4b:s26+s2] =	stream.linear.scatter [tilespmem:s12], [sflag:$0x8], $0x8000, $0x38;
	[tilespmem:$0x18300] =	vst v63  }
0xaf: {  	_ =	swait.ge [sflag:s16], $0x100  }
0xb0: {  	[sflag:s16] =	ssyncset.done $0x0  }
0xb1: {  	[sflag:s16] =	ssyncadd.s32 $0xFFFFFF00  }
0xb2: {  	_ =	swait.ge [sflag:s28], $0x8000  }
0xb3: {  	[sflag:s28] =	ssyncset.done $0x0  }
0xb4: {  	[sflag:s28] =	ssyncadd.s32 $0xFFFF8000  }
0xb5: {  	[tilespmem:s17], [sflag:$0x6] =	stream.indirect.gather [hbm4b:s6+s3], $0x80, s4, s3, $0xb8;
	[tilespmem:$0x18300] =	vst v63  }
0xb6: {  	_ =	swait.ge [sflag:s18], $0x8000  }
0xb7: {  	[sflag:s18] =	ssyncset.done $0x0  }
0xb8: {  	[sflag:s18] =	ssyncadd.s32 $0xFFFF8000  }
0xb9: {  	[hbm4b:s29+s2] =	stream.linear.scatter [tilespmem:s17], [sflag:$0x9], $0x8000, $0x38;
	[tilespmem:$0x18300] =	vst v63  }
0xba: {  	_ =	swait.ge [sflag:s5], $0x100  }
0xbb: {  	[sflag:s5] =	ssyncset.done $0x0  }
0xbc: {  	[sflag:s5] =	ssyncadd.s32 $0xFFFFFF00  }
0xbd: {  	_ =	swait.ge [sflag:s21], $0x8000  }
0xbe: {  	[sflag:s21] =	ssyncset.done $0x0  }
0xbf: {  	[sflag:s21] =	ssyncadd.s32 $0xFFFF8000  }
0xc0: {  	[tilespmem:s7], [sflag:$0x4] =	stream.indirect.gather [hbm4b:s6+s3], $0x80, s2, s3, $0xb8;
	[tilespmem:$0x18300] =	vst v63  }
0xc1: {  	_ =	swait.ge [sflag:s8], $0x8000  }
0xc2: {  	[sflag:s8] =	ssyncset.done $0x0  }
0xc3: {  	[sflag:s8] =	ssyncadd.s32 $0xFFFF8000  }
0xc4: {  	[hbm4b:s30+s2] =	stream.linear.scatter [tilespmem:s7], [sflag:$0x7], $0x8000, $0x38;
	[tilespmem:$0x18300] =	vst v63  }
0xc5: {  	_ =	swait.ge [sflag:s11], $0x100  }
0xc6: {  	[sflag:s11] =	ssyncset.done $0x0  }
0xc7: {  	[sflag:s11] =	ssyncadd.s32 $0xFFFFFF00  }
0xc8: {  	_ =	swait.ge [sflag:s24], $0x8000  }
0xc9: {  	[sflag:s24] =	ssyncset.done $0x0  }
0xca: {  	[sflag:s24] =	ssyncadd.s32 $0xFFFF8000  }
0xcb: {  	[tilespmem:s12], [sflag:$0x5] =	stream.indirect.gather [hbm4b:s6+s3], $0x80, s3, s3, $0xb8;
	[tilespmem:$0x18300] =	vst v63  }
0xcc: {  	_ =	swait.ge [sflag:s13], $0x8000  }
0xcd: {  	[sflag:s13] =	ssyncset.done $0x0  }
0xce: {  	[sflag:s13] =	ssyncadd.s32 $0xFFFF8000  }
0xcf: {  	[hbm4b:s31+s2] =	stream.linear.scatter [tilespmem:s12], [sflag:$0x8], $0x8000, $0x38;
	[tilespmem:$0x18300] =	vst v63  }
0xd0: {  	_ =	swait.ge [sflag:s28], $0x8000  }
0xd1: {  	p0 =	sne.s32 s0, $0x1;
	[sflag:s28] =	ssyncset.done $0x0  }
.Ltmp1:
0xd2: {  	[sflag:s28] =	ssyncadd.s32 $0xFFFF8000;
	(pc) =	sbr.rel @p0 .LBB2_1-.Ltmp1, $4  }
0xd3: {  	_ =	swait.ge [sflag:s21], $0x8000  }
0xd4: {  	[sflag:s21] =	ssyncset.done $0x0  }
0xd5: {  	[sflag:s21] =	ssyncadd.s32 $0xFFFF8000  }
0xd6: {  	s0 =	sadd.s32 $0xFFFFFFFF, s0;
	_ =	swait.ge [sflag:s24], $0x8000  }
.LBB2_2:
0xd7: {  	[sflag:s24] =	ssyncset.done $0x0  }
0xd8: {  	[sflag:s24] =	ssyncadd.s32 $0xFFFF8000  }
0xd9: {  	_ =	sfence.sel $0x180000  }
0xda: {  	[bflag:$0x0] =	sbarrier.arrive $0xFFFF  }
0xdb: {  	_ =	strace $0x9000004A  }
0xdc: {  	s0 =	stileid.u32;
	[bflag:$0x2] =	sbarrier.arrive $0xFFFF  }
0xdd: {  	p0 =	sne.s32 s0, $0x0;
	s0 =	rddreg [dreg:$0x1]  }
0xde: {  	s0 =	sadd.s32 @!p0 $0x100000, s0  }
0xdf: {  	[sflag:s0] =	ssyncadd.tile.s32 @!p0 $0x1;
	_ =	shalt  }
.Lfunc_end2:
_tile_overlayer_lowered:
.L_overlay_start_2:
0xe0: {  	(tag) =	ssettag $0x2  }
0xe1: {  	s0 =	rddreg [dreg:$0x0];
	s2 =	stileid.u32  }
0xe2: {  	s1 =	rddreg [dreg:$0x1];
	p0 =	sne.s32 s2, $0x0  }
0xe3: {  	s3 =	rddreg [dreg:$0x2];
	[bflag:$0x3] =	sbarrier.arrive $0xFFFF;
	s2 =	simm.s32 @!p0 $0x1C0A  }
0xe4: {  	[timem:s3], [sflag:s2] =	dma.local @!p0 [hbm:s0], s1  }
0xe5: {  	s0 =	simm.s32 @!p0 $0xA  }
0xe6: {  	_ =	swait.ge @!p0 [sflag:s0], s1  }
0xe7: {  	s1 =	ssub.s32 @!p0 $0x0, s1;
	[sflag:s0] =	ssyncset.done @!p0 $0x0  }
0xe8: {  	[sflag:s0] =	ssyncadd.s32 @!p0 s1  }
0xe9: {  	[bflag:$0x3] =	sbarrier.arrive $0xFFFF  }
0xea: {  	_ =	shalt  }

// kernel: kernel.24.cloned.1.call-start
scs
__scs_entry_jumppad:
0x0: {  	(pc) =	sbr.rel $0x88, $3  }
0x1: {  	(tag) =	ssettag $0x0;
	lr =	simm.s32 $0x1  }
0x2: {  	[smem:$0x3F9D] =	sst lr;
	_ =	strace $0xD0000000  }
0x3: {  	_ = 	snop  }
0x4: {  	_ = 	snop  }
0x5: {  	_ = 	snop  }
0x6: {  	_ = 	snop  }
0x7: {  	_ = 	snop  }
__scs_overlays_trampoline_lowered:
0x8: {  	[smem:$0x3FAC] =	sst s0  }
0x9: {  	[smem:$0x3FAD] =	sst s1  }
0xa: {  	[smem:$0x3FAE] =	sst s2  }
0xb: {  	[smem:$0x3FAF] =	sst s3  }
0xc: {  	[smem:$0x3FB0] =	sst s4  }
0xd: {  	[smem:$0x3FB1] =	sst s5  }
0xe: {  	[smem:$0x3FB2] =	sst s6  }
0xf: {  	[smem:$0x3FB3] =	sst s7  }
0x10: {  	[smem:$0x3FB4] =	sst s8  }
0x11: {  	[smem:$0x3FB5] =	sst s9;
	s0 =	simm.s32 @!p0 $0x0  }
0x12: {  	s1 =	sld [smem:$0x3F9B];
	s0 =	simm.s32 @p0 $0x1  }
0x13: {  	[smem:$0x3FB6] =	sst s0;
	s0 =	simm.s32 @!p1 $0x0  }
0x14: {  	s2 =	sld [smem:$0x3F9A];
	s0 =	simm.s32 @p1 $0x1  }
0x15: {  	[smem:$0x3FB7] =	sst s0;
	s0 =	simm.s32 @!p2 $0x0  }
0x16: {  	s3 =	sld [smem:$0x3FDB];
	s0 =	simm.s32 @p2 $0x1  }
0x17: {  	s4 =	simm.s32 $0x1BF5;
	[smem:$0x3FB9] =	sst s0  }
0x18: {  	s0 =	sld [smem:$0x3F9C];
	_ =	swait.ge [sflag:s4], $0x0  }
0x19: {  	s7 =	sld [smem:$0x3F9D]  }
0x1a: {  	s8 =	sadd.s32 $0xFFFFE003, lr  }
0x1b: {  	s9 =	sadd.s32 $0xFFFFFEF7, lr;
	s5 =	simm.s32 $0xFFFFFFFF;
	p2 =	slt.u32 s8, $0xFFFFF086  }
0x1c: {  	p1 =	slt.u32 s9, $0xF7A;
	s5 =	simm.s32 @!p2 $0x0  }
0x1d: {  	s5 =	simm.s32 @p1 $0x1;
	p0 =	seq.s32 s7, s2  }
0x1e: {  	s7 =	smul.u32 @!p0 $0xF7A, s2;
	p2 =	seq.s32 @!p0 s5, $0x0  }
0x1f: {  	s9 =	smul.u32 $0xF7A, s1;
	s8 =	simm.s32 @!p0 $0x1BF5;
	p2 =	por !p2, p0  }
0x20: {  	[sflag:s8] =	ssyncset.s32 @!p0 $0xFFFFF086;
	s6 =	sadd.s32 @!p0 s3, s7;
	s7 =	simm.s32 @!p0 $0x108  }
0x21: {  	s3 =	sadd.s32 s3, s9;
	s6 =	sadd.s32 @!p0 $0x88, s6;
	s7 =	simm.s32 @p2 $0x1082  }
0x22: {  	[simem:s7], [sflag:s8] =	dma.local @!p0 [hbm:s6], $0xF7A  }
0x23: {  	s9 =	sor.u32 $0xD0000000, s2;
	s6 =	simm.s32 $0x108;
	_ =	swait.ge @!p0 [sflag:s8], $0x0  }
0x24: {  	s3 =	sadd.s32 $0x88, s3;
	s6 =	simm.s32 @!p1 $0x1082;
	[sflag:s4] =	ssyncset.s32 $0xFFFFF086  }
0x25: {  	[simem:s6], [sflag:s4] =	dma.local [hbm:s3], $0xF7A  }
0x26: {  	[smem:$0x3F9D] =	sst s1;
	(tag) =	ssettag s2;
	_ =	strace s9  }
0x27: {  	s1 =	sld [smem:$0x3FAD]  }
0x28: {  	s2 =	sld [smem:$0x3FAE]  }
0x29: {  	s4 =	sld [smem:$0x3FB0]  }
0x2a: {  	p0 =	seq.s32 s5, $0x0;
	s5 =	sld [smem:$0x3FB1]  }
0x2b: {  	s6 =	sld [smem:$0x3FB2]  }
0x2c: {  	s7 =	sld [smem:$0x3FB3]  }
0x2d: {  	s3 =	simm.s32 $0x108;
	s8 =	sld [smem:$0x3FB4]  }
0x2e: {  	s3 =	simm.s32 @!p0 $0x1082;
	s9 =	sld [smem:$0x3FB5]  }
0x2f: {  	lr =	sadd.s32 s0, s3;
	s0 =	sld [smem:$0x3FAC]  }
0x30: {  	s3 =	sld [smem:$0x3FAF]  }
0x31: {  	[smem:$0x3FB8] =	sst s10  }
0x32: {  	s10 =	sld [smem:$0x3FB6];
	_ =	sdelay $0x3  }
0x33: {  	p0 =	seq.s32 s10, $0x1;
	s10 =	sld [smem:$0x3FB8];
	_ =	sdelay $0x3  }
0x34: {  	[smem:$0x3FB8] =	sst s10  }
0x35: {  	s10 =	sld [smem:$0x3FB7];
	_ =	sdelay $0x3  }
0x36: {  	p1 =	seq.s32 s10, $0x1;
	s10 =	sld [smem:$0x3FB8];
	_ =	sdelay $0x3  }
0x37: {  	[smem:$0x3FB8] =	sst s10  }
0x38: {  	s10 =	sld [smem:$0x3FB9]  }
0x39: {  	_ = 	snop;
	(pc) =	sbr.ind lr, $3  }
0x3a: {  	_ = 	snop  }
0x3b: {  	_ = 	snop  }
0x3c: {  	p2 =	seq.s32 s10, $0x1;
	s10 =	sld [smem:$0x3FB8]  }
0x3d: {  	_ =	shalt  }
0x3e: {  	_ =	shalt  }
0x3f: {  	_ =	shalt  }
0x40: {  	_ =	shalt  }
0x41: {  	_ =	shalt  }
0x42: {  	_ =	shalt  }
0x43: {  	_ =	shalt  }
0x44: {  	_ =	shalt  }
0x45: {  	_ =	shalt  }
0x46: {  	_ =	shalt  }
0x47: {  	_ =	shalt  }
0x48: {  	_ =	shalt  }
0x49: {  	_ =	shalt  }
0x4a: {  	_ =	shalt  }
0x4b: {  	_ =	shalt  }
0x4c: {  	_ =	shalt  }
0x4d: {  	_ =	shalt  }
0x4e: {  	_ =	shalt  }
0x4f: {  	_ =	shalt  }
0x50: {  	_ =	shalt  }
0x51: {  	_ =	shalt  }
0x52: {  	_ =	shalt  }
0x53: {  	_ =	shalt  }
0x54: {  	_ =	shalt  }
0x55: {  	_ =	shalt  }
0x56: {  	_ =	shalt  }
0x57: {  	_ =	shalt  }
0x58: {  	_ =	shalt  }
0x59: {  	_ =	shalt  }
0x5a: {  	_ =	shalt  }
0x5b: {  	_ =	shalt  }
0x5c: {  	_ =	shalt  }
0x5d: {  	_ =	shalt  }
0x5e: {  	_ =	shalt  }
0x5f: {  	_ =	shalt  }
0x60: {  	_ =	shalt  }
0x61: {  	_ =	shalt  }
0x62: {  	_ =	shalt  }
0x63: {  	_ =	shalt  }
0x64: {  	_ =	shalt  }
0x65: {  	_ =	shalt  }
0x66: {  	_ =	shalt  }
0x67: {  	_ =	shalt  }
0x68: {  	_ =	shalt  }
0x69: {  	_ =	shalt  }
0x6a: {  	_ =	shalt  }
0x6b: {  	_ =	shalt  }
0x6c: {  	_ =	shalt  }
0x6d: {  	_ =	shalt  }
0x6e: {  	_ =	shalt  }
0x6f: {  	_ =	shalt  }
0x70: {  	_ =	shalt  }
0x71: {  	_ =	shalt  }
0x72: {  	_ =	shalt  }
0x73: {  	_ =	shalt  }
0x74: {  	_ =	shalt  }
0x75: {  	_ =	shalt  }
0x76: {  	_ =	shalt  }
0x77: {  	_ =	shalt  }
0x78: {  	_ =	shalt  }
0x79: {  	_ =	shalt  }
0x7a: {  	_ =	shalt  }
0x7b: {  	_ =	shalt  }
0x7c: {  	_ =	shalt  }
0x7d: {  	_ =	shalt  }
0x7e: {  	_ =	shalt  }
0x7f: {  	_ =	shalt  }
0x80: {  	_ =	shalt  }
0x81: {  	_ =	shalt  }
0x82: {  	_ =	shalt  }
0x83: {  	_ =	shalt  }
0x84: {  	_ =	shalt  }
0x85: {  	_ =	shalt  }
0x86: {  	_ =	shalt  }
0x87: {  	_ =	shalt  }
.Lfunc_end0:
.L_simem_size_0:
called_computation.2_lowered:
.L_overlay_start_0:
0x88: {  	s2 =	sld [smem:$0x3FD9]  }
0x89: {  	s3 =	sld [smem:$0x3FFE];
	_ =	sdelay $0x1  }
0x8a: {  	s1 =	srdreg.scid  }
0x8b: {  	s0 =	sand.u32 $0x1, s1  }
0x8c: {  	s16 =	sshll.u32 s0, $0xA;
	s2 =	sadd.s32 s3, s2  }
0x8d: {  	s2 =	sadd.s32 s2, s16  }
0x8e: {  	[smem:$0x3FC4] =	sst s2  }
0x8f: {  	_ = 	snop  }
0x90: {  	(tm) =	ssettm $0x1  }
0x91: {  	s17 =	sld [smem:$0x3FFB];
	_ =	sdelay $0x3  }
0x92: {  	_ =	strace s17  }
0x93: {  	s2 =	sld [smem:$0x3FFC];
	_ =	sdelay $0x3  }
0x94: {  	_ =	strace s2  }
0x95: {  	s2 =	sld [smem:$0x3FFD];
	_ =	sdelay $0x3  }
0x96: {  	_ =	strace s2  }
0x97: {  	_ =	strace $0x8FFFFFFF  }
0x98: {  	s18 =	sld [smem:$0x3FDB];
	_ =	sdelay $0x1  }
0x99: {  	s19 =	simm.s32 $_scs_section_size  }
0x9a: {  	s4 =	simm.s32 $_size__tile_overlayer_lowered;
	s5 =	simm.s32 $_tile_overlayer_lowered  }
0x9b: {  	s22 =	simm.s32 $0x1BFF;
	s21 =	sshll.u32 s5, $0x1;
	s2 =	sadd.s32 s19, s18  }
0x9c: {  	s6 =	simm.s32 $0x0;
	s20 =	sshll.u32 s4, $0x1;
	s4 =	sadd.s32 s21, s2  }
0x9d: {  	[timem:s6], [sflag:s22] =	dma.local [hbm:s4], s20  }
0x9e: {  	_ =	swait.ge [sflag:s22], s20  }
0x9f: {  	s3 =	ssub.s32 $0x0, s20;
	[sflag:s22] =	ssyncset.done $0x0  }
0xa0: {  	[sflag:s22] =	ssyncadd.s32 s3;
	_ =	sdelay $0x1  }
0xa1: {  	s23 =	simm.s32 $0x1B8B  }
0xa2: {  	_ =	swait.ge [sflag:s23], $0x1  }
0xa3: {  	[sflag:s23] =	ssyncset.done $0x0  }
0xa4: {  	s25 =	simm.s32 $0x1B8E;
	s24 =	sld [smem:$0x3FFE];
	[sflag:s23] =	ssyncadd.s32 $0xFFFFFFFF  }
0xa5: {  	s26 =	simm.s32 $execute0_lowered;
	[smem:$0x3FD2] =	sst s25  }
0xa6: {  	s4 =	sshll.u32 s26, $0x1;
	_ =	strace $0x80000046;
	[dreg:$0x1] =	wrdreg $0xFFFFFFFF  }
0xa7: {  	s28 =	simm.s32 $_size_execute0_lowered;
	s2 =	sadd.s32 s2, s4;
	[dreg:$0x0] =	wrdreg $0x0  }
0xa8: {  	s4 =	sshll.u32 s28, $0x1;
	[dreg:$0x2] =	wrdreg s2  }
0xa9: {  	[dreg:$0x3] =	wrdreg s4  }
0xaa: {  	[dreg:$0x4] =	wrdreg $0xC0  }
0xab: {  	_ =	task [dreg:s6], $0x5FFFF  }
0xac: {  	[dreg:$0x1] =	wrdreg $0xFFFFFFFF  }
0xad: {  	[dreg:$0x0] =	wrdreg $0x60  }
0xae: {  	[dreg:$0x2] =	wrdreg s24  }
0xaf: {  	[dreg:$0x3] =	wrdreg $0xB  }
0xb0: {  	_ =	task.clear_ibuf [dreg:s6], $0x4FFFF;
	_ =	strace $0x90000046  }
0xb1: {  	s29 =	simm.s32 $0xB;
	_ =	strace $0x80000048  }
0xb2: {  	_ =	swait.ge [sflag:s29], $0x1  }
0xb3: {  	[sflag:s29] =	ssyncadd.s32 $0xFFFFFFFF  }
0xb4: {  	_ =	strace $0x90000048  }
0xb5: {  	_ =	sfence  }
0xb6: {  	s30 =	sld [smem:$0x0];
	_ =	sdelay $0x2  }
0xb7: {  	s31 =	sshll.u32 s1, $0xD;
	s1 =	sshrl.u32 s1, $0x2  }
0xb8: {  	s3 =	sand.u32 $0x4000, s31;
	s1 =	sadd.s32 s1, s30  }
0xb9: {  	s0 =	sor.u32 s3, s0;
	s1 =	sshll.u32 s1, $0x11  }
0xba: {  	s0 =	sor.u32 s1, s0  }
0xbb: {  	s0 =	sadd.s32 $0x8F2B, s0  }
0xbc: {  	[sflag:s0] =	ssyncadd.remote.s32 $0x1  }
0xbd: {  	_ =	sfence.sel $0xFFFF  }
0xbe: {  	[dreg:$0x0] =	wrdreg $0xFFFFFFFF;
	(pc) =	sbr.abs _section_cstart, $3  }
0xbf: {  	[dreg:$0x1] =	wrdreg $0xFFFFFFFF  }
0xc0: {  	_ =	task.clear_ibuf [dreg:s6], $0x2FFFF;
	_ =	strace $0x9FFFFFFF  }
0xc1: {  	(tm) =	ssettm $0x7FFFFFFF  }
tec
execute0_lowered:
.L_overlay_start_1:
0x0: {  	(tag) =	ssettag $0x1  }
0x1: {  	s0 =	srdreg.scid  }
0x2: {  	s9 =	rddreg [dreg:$0x0];
	s1 =	stileid.u32;
	s0 =	sand.u32 $0x1, s0  }
0x3: {  	s2 =	simm.s32 $0x0;
	s3 =	sshll.u32 s1, $0xC;
	s4 =	sshll.u32 s0, $0xB  }
0x4: {  	[smem:$0x7FF] =	sst s2;
	s26 =	sor.u32 s4, s3  }
0x5: {  	s25 =	sadd.s32 $0x23400, s9;
	s3 =	sshrl.u32 s26, $0x3;
	s15 =	sor.u32 $0x100, s26  }
0x6: {  	_ =	strace $0x80000047;
	s3 =	sadd.s32 s25, s3;
	s14 =	sshrl.u32 s15, $0x3  }
0x7: {  	s20 =	sor.u32 $0x200, s26;
	[dreg:$0x2] =	wrdreg s3;
	s16 =	sadd.s32 s25, s14  }
0x8: {  	s17 =	sshrl.u32 s20, $0x3;
	[dreg:$0x3] =	wrdreg s16  }
0x9: {  	s3 =	sadd.s32 s25, s17;
	s18 =	rddreg [dreg:$0x2]  }
0xa: {  	[dreg:$0x4] =	wrdreg s3  }
0xb: {  	[tilespmem:s2], [sflag:$0x1] =	stream.linear.gather [hbm4b:s18+s2], $0x100, $0x38;
	[tilespmem:$0x18300] =	vst v63  }
0xc: {  	s3 =	simm.s32 $0x100;
	s5 =	rddreg [dreg:$0x3]  }
0xd: {  	[tilespmem:s3], [sflag:$0x2] =	stream.linear.gather [hbm4b:s5+s2], $0x100, $0x38;
	[tilespmem:$0x18300] =	vst v63  }
0xe: {  	s4 =	simm.s32 $0x200;
	s6 =	rddreg [dreg:$0x4];
	s5 =	simm.s32 $0x1  }
0xf: {  	[tilespmem:s4], [sflag:$0x3] =	stream.linear.gather [hbm4b:s6+s2], $0x100, $0x38;
	[tilespmem:$0x18300] =	vst v63  }
0x10: {  	_ =	swait.ge [sflag:s5], $0x100  }
0x11: {  	s7 =	simm.s32 $0x300;
	[sflag:s5] =	ssyncset.done $0x0  }
0x12: {  	s8 =	simm.s32 $0x4;
	s6 =	sadd.s32 $0x3400, s9;
	[sflag:s5] =	ssyncadd.s32 $0xFFFFFF00  }
0x13: {  	[tilespmem:s7], [sflag:$0x4] =	stream.indirect.gather [hbm4b:s6+s3], $0x80, s2, s3, $0xb8;
	[tilespmem:$0x18300] =	vst v63  }
0x14: {  	s23 =	sor.u32 $0x300, s26;
	_ =	swait.ge [sflag:s8], $0x8000  }
0x15: {  	s31 =	sadd.s32 $0x25400, s9;
	s19 =	sshrl.u32 s23, $0x3;
	[sflag:s8] =	ssyncset.done $0x0  }
0x16: {  	s22 =	sshll.u32 s26, $0x4;
	s21 =	sadd.s32 s25, s19;
	[sflag:s8] =	ssyncadd.s32 $0xFFFF8000  }
0x17: {  	[tilespmem:s2], [sflag:$0x1] =	stream.linear.gather [hbm4b:s21+s2], $0x100, $0x38;
	[tilespmem:$0x18300] =	vst v63  }
0x18: {  	s11 =	simm.s32 $0x2;
	s24 =	sadd.s32 s31, s22;
	[dreg:$0x5] =	wrdreg s21  }
0x19: {  	[hbm4b:s24+s2] =	stream.linear.scatter [tilespmem:s7], [sflag:$0x7], $0x8000, $0x38;
	[tilespmem:$0x18300] =	vst v63  }
0x1a: {  	_ =	swait.ge [sflag:s11], $0x100  }
0x1b: {  	[sflag:s11] =	ssyncset.done $0x0  }
0x1c: {  	s12 =	simm.s32 $0x8300;
	s13 =	simm.s32 $0x5;
	[sflag:s11] =	ssyncadd.s32 $0xFFFFFF00  }
0x1d: {  	[tilespmem:s12], [sflag:$0x5] =	stream.indirect.gather [hbm4b:s6+s3], $0x80, s3, s3, $0xb8;
	[tilespmem:$0x18300] =	vst v63  }
0x1e: {  	s28 =	sor.u32 $0x400, s26;
	_ =	swait.ge [sflag:s13], $0x8000  }
0x1f: {  	s14 =	sshrl.u32 s28, $0x3;
	[sflag:s13] =	ssyncset.done $0x0  }
0x20: {  	s15 =	sshll.u32 s15, $0x4;
	s14 =	sadd.s32 s25, s14;
	[sflag:s13] =	ssyncadd.s32 $0xFFFF8000  }
0x21: {  	[tilespmem:s3], [sflag:$0x2] =	stream.linear.gather [hbm4b:s14+s2], $0x100, $0x38;
	[tilespmem:$0x18300] =	vst v63  }
0x22: {  	s15 =	sadd.s32 s31, s15;
	s16 =	simm.s32 $0x3  }
0x23: {  	[hbm4b:s15+s2] =	stream.linear.scatter [tilespmem:s12], [sflag:$0x8], $0x8000, $0x38;
	[tilespmem:$0x18300] =	vst v63  }
0x24: {  	_ =	swait.ge [sflag:s16], $0x100  }
0x25: {  	[sflag:s16] =	ssyncset.done $0x0  }
0x26: {  	s17 =	simm.s32 $0x10300;
	s18 =	simm.s32 $0x6;
	[sflag:s16] =	ssyncadd.s32 $0xFFFFFF00  }
0x27: {  	[tilespmem:s17], [sflag:$0x6] =	stream.indirect.gather [hbm4b:s6+s3], $0x80, s4, s3, $0xb8;
	[tilespmem:$0x18300] =	vst v63  }
0x28: {  	s29 =	sor.u32 $0x500, s26;
	_ =	swait.ge [sflag:s18], $0x8000  }
0x29: {  	s19 =	sshrl.u32 s29, $0x3;
	[sflag:s18] =	ssyncset.done $0x0  }
0x2a: {  	s20 =	sshll.u32 s20, $0x4;
	s19 =	sadd.s32 s25, s19;
	[sflag:s18] =	ssyncadd.s32 $0xFFFF8000  }
0x2b: {  	[tilespmem:s4], [sflag:$0x3] =	stream.linear.gather [hbm4b:s19+s2], $0x100, $0x38;
	[tilespmem:$0x18300] =	vst v63  }
0x2c: {  	s20 =	sadd.s32 s31, s20  }
0x2d: {  	[hbm4b:s20+s2] =	stream.linear.scatter [tilespmem:s17], [sflag:$0x9], $0x8000, $0x38;
	[tilespmem:$0x18300] =	vst v63  }
0x2e: {  	_ =	swait.ge [sflag:s5], $0x100  }
0x2f: {  	[sflag:s5] =	ssyncset.done $0x0  }
0x30: {  	s21 =	simm.s32 $0x7;
	[sflag:s5] =	ssyncadd.s32 $0xFFFFFF00  }
0x31: {  	_ =	swait.ge [sflag:s21], $0x8000  }
0x32: {  	[sflag:s21] =	ssyncset.done $0x0  }
0x33: {  	[sflag:s21] =	ssyncadd.s32 $0xFFFF8000  }
0x34: {  	[tilespmem:s7], [sflag:$0x4] =	stream.indirect.gather [hbm4b:s6+s3], $0x80, s2, s3, $0xb8;
	[tilespmem:$0x18300] =	vst v63  }
0x35: {  	s30 =	sor.u32 $0x600, s26;
	_ =	swait.ge [sflag:s8], $0x8000  }
0x36: {  	s22 =	sshrl.u32 s30, $0x3;
	[sflag:s8] =	ssyncset.done $0x0  }
0x37: {  	s23 =	sshll.u32 s23, $0x4;
	s22 =	sadd.s32 s25, s22;
	[sflag:s8] =	ssyncadd.s32 $0xFFFF8000  }
0x38: {  	[tilespmem:s2], [sflag:$0x1] =	stream.linear.gather [hbm4b:s22+s2], $0x100, $0x38;
	[tilespmem:$0x18300] =	vst v63  }
0x39: {  	s23 =	sadd.s32 s31, s23  }
0x3a: {  	[hbm4b:s23+s2] =	stream.linear.scatter [tilespmem:s7], [sflag:$0x7], $0x8000, $0x38;
	[tilespmem:$0x18300] =	vst v63  }
0x3b: {  	_ =	swait.ge [sflag:s11], $0x100  }
0x3c: {  	[sflag:s11] =	ssyncset.done $0x0  }
0x3d: {  	s10 =	smov.u32 s24;
	s24 =	simm.s32 $0x8;
	[sflag:s11] =	ssyncadd.s32 $0xFFFFFF00  }
0x3e: {  	_ =	swait.ge [sflag:s24], $0x8000  }
0x3f: {  	[sflag:s24] =	ssyncset.done $0x0  }
0x40: {  	[sflag:s24] =	ssyncadd.s32 $0xFFFF8000  }
0x41: {  	[tilespmem:s12], [sflag:$0x5] =	stream.indirect.gather [hbm4b:s6+s3], $0x80, s3, s3, $0xb8;
	[tilespmem:$0x18300] =	vst v63  }
0x42: {  	s1 =	sor.u32 $0x700, s26;
	_ =	swait.ge [sflag:s13], $0x8000  }
0x43: {  	s26 =	sshrl.u32 s1, $0x3;
	[sflag:s13] =	ssyncset.done $0x0  }
0x44: {  	s25 =	sadd.s32 s25, s26;
	s9 =	sshll.u32 s28, $0x4;
	[sflag:s13] =	ssyncadd.s32 $0xFFFF8000  }
0x45: {  	[tilespmem:s3], [sflag:$0x2] =	stream.linear.gather [hbm4b:s25+s2], $0x100, $0x38;
	[tilespmem:$0x18300] =	vst v63  }
0x46: {  	s26 =	sadd.s32 s31, s9  }
0x47: {  	[hbm4b:s26+s2] =	stream.linear.scatter [tilespmem:s12], [sflag:$0x8], $0x8000, $0x38;
	[tilespmem:$0x18300] =	vst v63  }
0x48: {  	_ =	swait.ge [sflag:s16], $0x100  }
0x49: {  	[sflag:s16] =	ssyncset.done $0x0  }
0x4a: {  	s28 =	simm.s32 $0x9;
	[sflag:s16] =	ssyncadd.s32 $0xFFFFFF00  }
0x4b: {  	_ =	swait.ge [sflag:s28], $0x8000  }
0x4c: {  	[sflag:s28] =	ssyncset.done $0x0  }
0x4d: {  	[sflag:s28] =	ssyncadd.s32 $0xFFFF8000  }
0x4e: {  	[tilespmem:s17], [sflag:$0x6] =	stream.indirect.gather [hbm4b:s6+s3], $0x80, s4, s3, $0xb8;
	[tilespmem:$0x18300] =	vst v63  }
0x4f: {  	_ =	swait.ge [sflag:s18], $0x8000  }
0x50: {  	s29 =	sshll.u32 s29, $0x4;
	[sflag:s18] =	ssyncset.done $0x0  }
0x51: {  	s29 =	sadd.s32 s31, s29;
	[sflag:s18] =	ssyncadd.s32 $0xFFFF8000  }
0x52: {  	[hbm4b:s29+s2] =	stream.linear.scatter [tilespmem:s17], [sflag:$0x9], $0x8000, $0x38;
	[tilespmem:$0x18300] =	vst v63  }
0x53: {  	_ =	swait.ge [sflag:s5], $0x100  }
0x54: {  	[sflag:s5] =	ssyncset.done $0x0  }
0x55: {  	[sflag:s5] =	ssyncadd.s32 $0xFFFFFF00  }
0x56: {  	_ =	swait.ge [sflag:s21], $0x8000  }
0x57: {  	[sflag:s21] =	ssyncset.done $0x0  }
0x58: {  	[sflag:s21] =	ssyncadd.s32 $0xFFFF8000  }
0x59: {  	[tilespmem:s7], [sflag:$0x4] =	stream.indirect.gather [hbm4b:s6+s3], $0x80, s2, s3, $0xb8;
	[tilespmem:$0x18300] =	vst v63  }
0x5a: {  	_ =	swait.ge [sflag:s8], $0x8000  }
0x5b: {  	s30 =	sshll.u32 s30, $0x4;
	[sflag:s8] =	ssyncset.done $0x0  }
0x5c: {  	s30 =	sadd.s32 s31, s30;
	[sflag:s8] =	ssyncadd.s32 $0xFFFF8000  }
0x5d: {  	[hbm4b:s30+s2] =	stream.linear.scatter [tilespmem:s7], [sflag:$0x7], $0x8000, $0x38;
	[tilespmem:$0x18300] =	vst v63  }
0x5e: {  	_ =	swait.ge [sflag:s11], $0x100  }
0x5f: {  	[sflag:s11] =	ssyncset.done $0x0  }
0x60: {  	[sflag:s11] =	ssyncadd.s32 $0xFFFFFF00  }
0x61: {  	_ =	swait.ge [sflag:s24], $0x8000  }
0x62: {  	[sflag:s24] =	ssyncset.done $0x0  }
0x63: {  	[sflag:s24] =	ssyncadd.s32 $0xFFFF8000  }
0x64: {  	[tilespmem:s12], [sflag:$0x5] =	stream.indirect.gather [hbm4b:s6+s3], $0x80, s3, s3, $0xb8;
	[tilespmem:$0x18300] =	vst v63  }
0x65: {  	s0 =	ssub.s32 $0x2, s0;
	_ =	swait.ge [sflag:s13], $0x8000  }
0x66: {  	s1 =	sshll.u32 s1, $0x4;
	s9 =	sshrl.u32 s0, $0x1;
	[sflag:s13] =	ssyncset.done $0x0  }
0x67: {  	s31 =	sadd.s32 s31, s1;
	s0 =	ssub.s32 s0, s9;
	[sflag:s13] =	ssyncadd.s32 $0xFFFF8000  }
0x68: {  	[hbm4b:s31+s2] =	stream.linear.scatter [tilespmem:s12], [sflag:$0x8], $0x8000, $0x38;
	[tilespmem:$0x18300] =	vst v63  }
0x69: {  	s0 =	smax.u32 s0, $0x1;
	_ =	swait.ge [sflag:s28], $0x8000  }
0x6a: {  	p0 =	sne.s32 s0, $0x1;
	[sflag:s28] =	ssyncset.done $0x0  }
.Ltmp0:
0x6b: {  	[sflag:s28] =	ssyncadd.s32 $0xFFFF8000;
	(pc) =	sbr.rel @!p0 .LBB2_2-.Ltmp0, $4  }
0x6c: {  	_ =	swait.ge [sflag:s21], $0x8000  }
0x6d: {  	[sflag:s21] =	ssyncset.done $0x0  }
0x6e: {  	[sflag:s21] =	ssyncadd.s32 $0xFFFF8000  }
0x6f: {  	s0 =	sadd.s32 $0xFFFFFFFF, s0;
	_ =	swait.ge [sflag:s24], $0x8000  }
.LBB2_1:
0x70: {  	[sflag:s24] =	ssyncset.done $0x0  }
0x71: {  	s1 =	rddreg [dreg:$0x2];
	[sflag:s24] =	ssyncadd.s32 $0xFFFF8000  }
0x72: {  	[tilespmem:s2], [sflag:$0x1] =	stream.linear.gather [hbm4b:s1+s2], $0x100, $0x38;
	[tilespmem:$0x18300] =	vst v63  }
0x73: {  	s9 =	rddreg [dreg:$0x3]  }
0x74: {  	[tilespmem:s3], [sflag:$0x2] =	stream.linear.gather [hbm4b:s9+s2], $0x100, $0x38;
	[tilespmem:$0x18300] =	vst v63  }
0x75: {  	s1 =	rddreg [dreg:$0x4]  }
0x76: {  	[tilespmem:s4], [sflag:$0x3] =	stream.linear.gather [hbm4b:s1+s2], $0x100, $0x38;
	[tilespmem:$0x18300] =	vst v63  }
0x77: {  	_ =	swait.ge [sflag:s5], $0x100  }
0x78: {  	[sflag:s5] =	ssyncset.done $0x0  }
0x79: {  	[sflag:s5] =	ssyncadd.s32 $0xFFFFFF00  }
0x7a: {  	[tilespmem:s7], [sflag:$0x4] =	stream.indirect.gather [hbm4b:s6+s3], $0x80, s2, s3, $0xb8;
	[tilespmem:$0x18300] =	vst v63  }
0x7b: {  	_ =	swait.ge [sflag:s8], $0x8000  }
0x7c: {  	[sflag:s8] =	ssyncset.done $0x0  }
0x7d: {  	s9 =	rddreg [dreg:$0x5];
	[sflag:s8] =	ssyncadd.s32 $0xFFFF8000  }
0x7e: {  	[tilespmem:s2], [sflag:$0x1] =	stream.linear.gather [hbm4b:s9+s2], $0x100, $0x38;
	[tilespmem:$0x18300] =	vst v63  }
0x7f: {  	_ = 	snop  }
0x80: {  	[hbm4b:s10+s2] =	stream.linear.scatter [tilespmem:s7], [sflag:$0x7], $0x8000, $0x38;
	[tilespmem:$0x18300] =	vst v63  }
0x81: {  	_ =	swait.ge [sflag:s11], $0x100  }
0x82: {  	[sflag:s11] =	ssyncset.done $0x0  }
0x83: {  	[sflag:s11] =	ssyncadd.s32 $0xFFFFFF00  }
0x84: {  	[tilespmem:s12], [sflag:$0x5] =	stream.indirect.gather [hbm4b:s6+s3], $0x80, s3, s3, $0xb8;
	[tilespmem:$0x18300] =	vst v63  }
0x85: {  	_ =	swait.ge [sflag:s13], $0x8000  }
0x86: {  	[sflag:s13] =	ssyncset.done $0x0  }
0x87: {  	[sflag:s13] =	ssyncadd.s32 $0xFFFF8000  }
0x88: {  	[tilespmem:s3], [sflag:$0x2] =	stream.linear.gather [hbm4b:s14+s2], $0x100, $0x38;
	[tilespmem:$0x18300] =	vst v63  }
0x89: {  	_ = 	snop  }
0x8a: {  	[hbm4b:s15+s2] =	stream.linear.scatter [tilespmem:s12], [sflag:$0x8], $0x8000, $0x38;
	[tilespmem:$0x18300] =	vst v63  }
0x8b: {  	_ =	swait.ge [sflag:s16], $0x100  }
0x8c: {  	[sflag:s16] =	ssyncset.done $0x0  }
0x8d: {  	[sflag:s16] =	ssyncadd.s32 $0xFFFFFF00  }
0x8e: {  	[tilespmem:s17], [sflag:$0x6] =	stream.indirect.gather [hbm4b:s6+s3], $0x80, s4, s3, $0xb8;
	[tilespmem:$0x18300] =	vst v63  }
0x8f: {  	_ =	swait.ge [sflag:s18], $0x8000  }
0x90: {  	[sflag:s18] =	ssyncset.done $0x0  }
0x91: {  	[sflag:s18] =	ssyncadd.s32 $0xFFFF8000  }
0x92: {  	[tilespmem:s4], [sflag:$0x3] =	stream.linear.gather [hbm4b:s19+s2], $0x100, $0x38;
	[tilespmem:$0x18300] =	vst v63  }
0x93: {  	_ = 	snop  }
0x94: {  	[hbm4b:s20+s2] =	stream.linear.scatter [tilespmem:s17], [sflag:$0x9], $0x8000, $0x38;
	[tilespmem:$0x18300] =	vst v63  }
0x95: {  	_ =	swait.ge [sflag:s5], $0x100  }
0x96: {  	[sflag:s5] =	ssyncset.done $0x0  }
0x97: {  	[sflag:s5] =	ssyncadd.s32 $0xFFFFFF00  }
0x98: {  	_ =	swait.ge [sflag:s21], $0x8000  }
0x99: {  	[sflag:s21] =	ssyncset.done $0x0  }
0x9a: {  	[sflag:s21] =	ssyncadd.s32 $0xFFFF8000  }
0x9b: {  	[tilespmem:s7], [sflag:$0x4] =	stream.indirect.gather [hbm4b:s6+s3], $0x80, s2, s3, $0xb8;
	[tilespmem:$0x18300] =	vst v63  }
0x9c: {  	_ =	swait.ge [sflag:s8], $0x8000  }
0x9d: {  	[sflag:s8] =	ssyncset.done $0x0  }
0x9e: {  	[sflag:s8] =	ssyncadd.s32 $0xFFFF8000  }
0x9f: {  	[tilespmem:s2], [sflag:$0x1] =	stream.linear.gather [hbm4b:s22+s2], $0x100, $0x38;
	[tilespmem:$0x18300] =	vst v63  }
0xa0: {  	_ = 	snop  }
0xa1: {  	[hbm4b:s23+s2] =	stream.linear.scatter [tilespmem:s7], [sflag:$0x7], $0x8000, $0x38;
	[tilespmem:$0x18300] =	vst v63  }
0xa2: {  	_ =	swait.ge [sflag:s11], $0x100  }
0xa3: {  	[sflag:s11] =	ssyncset.done $0x0  }
0xa4: {  	[sflag:s11] =	ssyncadd.s32 $0xFFFFFF00  }
0xa5: {  	_ =	swait.ge [sflag:s24], $0x8000  }
0xa6: {  	[sflag:s24] =	ssyncset.done $0x0  }
0xa7: {  	[sflag:s24] =	ssyncadd.s32 $0xFFFF8000  }
0xa8: {  	[tilespmem:s12], [sflag:$0x5] =	stream.indirect.gather [hbm4b:s6+s3], $0x80, s3, s3, $0xb8;
	[tilespmem:$0x18300] =	vst v63  }
0xa9: {  	_ =	swait.ge [sflag:s13], $0x8000  }
0xaa: {  	[sflag:s13] =	ssyncset.done $0x0  }
0xab: {  	[sflag:s13] =	ssyncadd.s32 $0xFFFF8000  }
0xac: {  	[tilespmem:s3], [sflag:$0x2] =	stream.linear.gather [hbm4b:s25+s2], $0x100, $0x38;
	[tilespmem:$0x18300] =	vst v63  }
0xad: {  	_ = 	snop  }
0xae: {  	[hbm4b:s26+s2] =	stream.linear.scatter [tilespmem:s12], [sflag:$0x8], $0x8000, $0x38;
	[tilespmem:$0x18300] =	vst v63  }
0xaf: {  	_ =	swait.ge [sflag:s16], $0x100  }
0xb0: {  	[sflag:s16] =	ssyncset.done $0x0  }
0xb1: {  	[sflag:s16] =	ssyncadd.s32 $0xFFFFFF00  }
0xb2: {  	_ =	swait.ge [sflag:s28], $0x8000  }
0xb3: {  	[sflag:s28] =	ssyncset.done $0x0  }
0xb4: {  	[sflag:s28] =	ssyncadd.s32 $0xFFFF8000  }
0xb5: {  	[tilespmem:s17], [sflag:$0x6] =	stream.indirect.gather [hbm4b:s6+s3], $0x80, s4, s3, $0xb8;
	[tilespmem:$0x18300] =	vst v63  }
0xb6: {  	_ =	swait.ge [sflag:s18], $0x8000  }
0xb7: {  	[sflag:s18] =	ssyncset.done $0x0  }
0xb8: {  	[sflag:s18] =	ssyncadd.s32 $0xFFFF8000  }
0xb9: {  	[hbm4b:s29+s2] =	stream.linear.scatter [tilespmem:s17], [sflag:$0x9], $0x8000, $0x38;
	[tilespmem:$0x18300] =	vst v63  }
0xba: {  	_ =	swait.ge [sflag:s5], $0x100  }
0xbb: {  	[sflag:s5] =	ssyncset.done $0x0  }
0xbc: {  	[sflag:s5] =	ssyncadd.s32 $0xFFFFFF00  }
0xbd: {  	_ =	swait.ge [sflag:s21], $0x8000  }
0xbe: {  	[sflag:s21] =	ssyncset.done $0x0  }
0xbf: {  	[sflag:s21] =	ssyncadd.s32 $0xFFFF8000  }
0xc0: {  	[tilespmem:s7], [sflag:$0x4] =	stream.indirect.gather [hbm4b:s6+s3], $0x80, s2, s3, $0xb8;
	[tilespmem:$0x18300] =	vst v63  }
0xc1: {  	_ =	swait.ge [sflag:s8], $0x8000  }
0xc2: {  	[sflag:s8] =	ssyncset.done $0x0  }
0xc3: {  	[sflag:s8] =	ssyncadd.s32 $0xFFFF8000  }
0xc4: {  	[hbm4b:s30+s2] =	stream.linear.scatter [tilespmem:s7], [sflag:$0x7], $0x8000, $0x38;
	[tilespmem:$0x18300] =	vst v63  }
0xc5: {  	_ =	swait.ge [sflag:s11], $0x100  }
0xc6: {  	[sflag:s11] =	ssyncset.done $0x0  }
0xc7: {  	[sflag:s11] =	ssyncadd.s32 $0xFFFFFF00  }
0xc8: {  	_ =	swait.ge [sflag:s24], $0x8000  }
0xc9: {  	[sflag:s24] =	ssyncset.done $0x0  }
0xca: {  	[sflag:s24] =	ssyncadd.s32 $0xFFFF8000  }
0xcb: {  	[tilespmem:s12], [sflag:$0x5] =	stream.indirect.gather [hbm4b:s6+s3], $0x80, s3, s3, $0xb8;
	[tilespmem:$0x18300] =	vst v63  }
0xcc: {  	_ =	swait.ge [sflag:s13], $0x8000  }
0xcd: {  	[sflag:s13] =	ssyncset.done $0x0  }
0xce: {  	[sflag:s13] =	ssyncadd.s32 $0xFFFF8000  }
0xcf: {  	[hbm4b:s31+s2] =	stream.linear.scatter [tilespmem:s12], [sflag:$0x8], $0x8000, $0x38;
	[tilespmem:$0x18300] =	vst v63  }
0xd0: {  	_ =	swait.ge [sflag:s28], $0x8000  }
0xd1: {  	p0 =	sne.s32 s0, $0x1;
	[sflag:s28] =	ssyncset.done $0x0  }
.Ltmp1:
0xd2: {  	[sflag:s28] =	ssyncadd.s32 $0xFFFF8000;
	(pc) =	sbr.rel @p0 .LBB2_1-.Ltmp1, $4  }
0xd3: {  	_ =	swait.ge [sflag:s21], $0x8000  }
0xd4: {  	[sflag:s21] =	ssyncset.done $0x0  }
0xd5: {  	[sflag:s21] =	ssyncadd.s32 $0xFFFF8000  }
0xd6: {  	s0 =	sadd.s32 $0xFFFFFFFF, s0;
	_ =	swait.ge [sflag:s24], $0x8000  }
.LBB2_2:
0xd7: {  	[sflag:s24] =	ssyncset.done $0x0  }
0xd8: {  	[sflag:s24] =	ssyncadd.s32 $0xFFFF8000  }
0xd9: {  	_ =	sfence.sel $0x180000  }
0xda: {  	[bflag:$0x0] =	sbarrier.arrive $0xFFFF  }
0xdb: {  	_ =	strace $0x90000047  }
0xdc: {  	s0 =	stileid.u32;
	[bflag:$0x2] =	sbarrier.arrive $0xFFFF  }
0xdd: {  	p0 =	sne.s32 s0, $0x0;
	s0 =	rddreg [dreg:$0x1]  }
0xde: {  	s0 =	sadd.s32 @!p0 $0x100000, s0  }
0xdf: {  	[sflag:s0] =	ssyncadd.tile.s32 @!p0 $0x1;
	_ =	shalt  }
.Lfunc_end2:
_tile_overlayer_lowered:
.L_overlay_start_2:
0xe0: {  	(tag) =	ssettag $0x2  }
0xe1: {  	s0 =	rddreg [dreg:$0x0];
	s2 =	stileid.u32  }
0xe2: {  	s1 =	rddreg [dreg:$0x1];
	p0 =	sne.s32 s2, $0x0  }
0xe3: {  	s3 =	rddreg [dreg:$0x2];
	[bflag:$0x3] =	sbarrier.arrive $0xFFFF;
	s2 =	simm.s32 @!p0 $0x1C0A  }
0xe4: {  	[timem:s3], [sflag:s2] =	dma.local @!p0 [hbm:s0], s1  }
0xe5: {  	s0 =	simm.s32 @!p0 $0xA  }
0xe6: {  	_ =	swait.ge @!p0 [sflag:s0], s1  }
0xe7: {  	s1 =	ssub.s32 @!p0 $0x0, s1;
	[sflag:s0] =	ssyncset.done @!p0 $0x0  }
0xe8: {  	[sflag:s0] =	ssyncadd.s32 @!p0 s1  }
0xe9: {  	[bflag:$0x3] =	sbarrier.arrive $0xFFFF  }
0xea: {  	_ =	shalt  }

// kernel: kernel.27.cloned.1.call-start
scs
__scs_entry_jumppad:
0x0: {  	(pc) =	sbr.rel $0x88, $3  }
0x1: {  	(tag) =	ssettag $0x0;
	lr =	simm.s32 $0x1  }
0x2: {  	[smem:$0x3F9D] =	sst lr;
	_ =	strace $0xD0000000  }
0x3: {  	_ = 	snop  }
0x4: {  	_ = 	snop  }
0x5: {  	_ = 	snop  }
0x6: {  	_ = 	snop  }
0x7: {  	_ = 	snop  }
__scs_overlays_trampoline_lowered:
0x8: {  	[smem:$0x3FAC] =	sst s0  }
0x9: {  	[smem:$0x3FAD] =	sst s1  }
0xa: {  	[smem:$0x3FAE] =	sst s2  }
0xb: {  	[smem:$0x3FAF] =	sst s3  }
0xc: {  	[smem:$0x3FB0] =	sst s4  }
0xd: {  	[smem:$0x3FB1] =	sst s5  }
0xe: {  	[smem:$0x3FB2] =	sst s6  }
0xf: {  	[smem:$0x3FB3] =	sst s7  }
0x10: {  	[smem:$0x3FB4] =	sst s8  }
0x11: {  	[smem:$0x3FB5] =	sst s9;
	s0 =	simm.s32 @!p0 $0x0  }
0x12: {  	s1 =	sld [smem:$0x3F9B];
	s0 =	simm.s32 @p0 $0x1  }
0x13: {  	[smem:$0x3FB6] =	sst s0;
	s0 =	simm.s32 @!p1 $0x0  }
0x14: {  	s2 =	sld [smem:$0x3F9A];
	s0 =	simm.s32 @p1 $0x1  }
0x15: {  	[smem:$0x3FB7] =	sst s0;
	s0 =	simm.s32 @!p2 $0x0  }
0x16: {  	s3 =	sld [smem:$0x3FDB];
	s0 =	simm.s32 @p2 $0x1  }
0x17: {  	s4 =	simm.s32 $0x1BF5;
	[smem:$0x3FB9] =	sst s0  }
0x18: {  	s0 =	sld [smem:$0x3F9C];
	_ =	swait.ge [sflag:s4], $0x0  }
0x19: {  	s7 =	sld [smem:$0x3F9D]  }
0x1a: {  	s8 =	sadd.s32 $0xFFFFE003, lr  }
0x1b: {  	s9 =	sadd.s32 $0xFFFFFEF7, lr;
	s5 =	simm.s32 $0xFFFFFFFF;
	p2 =	slt.u32 s8, $0xFFFFF086  }
0x1c: {  	p1 =	slt.u32 s9, $0xF7A;
	s5 =	simm.s32 @!p2 $0x0  }
0x1d: {  	s5 =	simm.s32 @p1 $0x1;
	p0 =	seq.s32 s7, s2  }
0x1e: {  	s7 =	smul.u32 @!p0 $0xF7A, s2;
	p2 =	seq.s32 @!p0 s5, $0x0  }
0x1f: {  	s9 =	smul.u32 $0xF7A, s1;
	s8 =	simm.s32 @!p0 $0x1BF5;
	p2 =	por !p2, p0  }
0x20: {  	[sflag:s8] =	ssyncset.s32 @!p0 $0xFFFFF086;
	s6 =	sadd.s32 @!p0 s3, s7;
	s7 =	simm.s32 @!p0 $0x108  }
0x21: {  	s3 =	sadd.s32 s3, s9;
	s6 =	sadd.s32 @!p0 $0x88, s6;
	s7 =	simm.s32 @p2 $0x1082  }
0x22: {  	[simem:s7], [sflag:s8] =	dma.local @!p0 [hbm:s6], $0xF7A  }
0x23: {  	s9 =	sor.u32 $0xD0000000, s2;
	s6 =	simm.s32 $0x108;
	_ =	swait.ge @!p0 [sflag:s8], $0x0  }
0x24: {  	s3 =	sadd.s32 $0x88, s3;
	s6 =	simm.s32 @!p1 $0x1082;
	[sflag:s4] =	ssyncset.s32 $0xFFFFF086  }
0x25: {  	[simem:s6], [sflag:s4] =	dma.local [hbm:s3], $0xF7A  }
0x26: {  	[smem:$0x3F9D] =	sst s1;
	(tag) =	ssettag s2;
	_ =	strace s9  }
0x27: {  	s1 =	sld [smem:$0x3FAD]  }
0x28: {  	s2 =	sld [smem:$0x3FAE]  }
0x29: {  	s4 =	sld [smem:$0x3FB0]  }
0x2a: {  	p0 =	seq.s32 s5, $0x0;
	s5 =	sld [smem:$0x3FB1]  }
0x2b: {  	s6 =	sld [smem:$0x3FB2]  }
0x2c: {  	s7 =	sld [smem:$0x3FB3]  }
0x2d: {  	s3 =	simm.s32 $0x108;
	s8 =	sld [smem:$0x3FB4]  }
0x2e: {  	s3 =	simm.s32 @!p0 $0x1082;
	s9 =	sld [smem:$0x3FB5]  }
0x2f: {  	lr =	sadd.s32 s0, s3;
	s0 =	sld [smem:$0x3FAC]  }
0x30: {  	s3 =	sld [smem:$0x3FAF]  }
0x31: {  	[smem:$0x3FB8] =	sst s10  }
0x32: {  	s10 =	sld [smem:$0x3FB6];
	_ =	sdelay $0x3  }
0x33: {  	p0 =	seq.s32 s10, $0x1;
	s10 =	sld [smem:$0x3FB8];
	_ =	sdelay $0x3  }
0x34: {  	[smem:$0x3FB8] =	sst s10  }
0x35: {  	s10 =	sld [smem:$0x3FB7];
	_ =	sdelay $0x3  }
0x36: {  	p1 =	seq.s32 s10, $0x1;
	s10 =	sld [smem:$0x3FB8];
	_ =	sdelay $0x3  }
0x37: {  	[smem:$0x3FB8] =	sst s10  }
0x38: {  	s10 =	sld [smem:$0x3FB9]  }
0x39: {  	_ = 	snop;
	(pc) =	sbr.ind lr, $3  }
0x3a: {  	_ = 	snop  }
0x3b: {  	_ = 	snop  }
0x3c: {  	p2 =	seq.s32 s10, $0x1;
	s10 =	sld [smem:$0x3FB8]  }
0x3d: {  	_ =	shalt  }
0x3e: {  	_ =	shalt  }
0x3f: {  	_ =	shalt  }
0x40: {  	_ =	shalt  }
0x41: {  	_ =	shalt  }
0x42: {  	_ =	shalt  }
0x43: {  	_ =	shalt  }
0x44: {  	_ =	shalt  }
0x45: {  	_ =	shalt  }
0x46: {  	_ =	shalt  }
0x47: {  	_ =	shalt  }
0x48: {  	_ =	shalt  }
0x49: {  	_ =	shalt  }
0x4a: {  	_ =	shalt  }
0x4b: {  	_ =	shalt  }
0x4c: {  	_ =	shalt  }
0x4d: {  	_ =	shalt  }
0x4e: {  	_ =	shalt  }
0x4f: {  	_ =	shalt  }
0x50: {  	_ =	shalt  }
0x51: {  	_ =	shalt  }
0x52: {  	_ =	shalt  }
0x53: {  	_ =	shalt  }
0x54: {  	_ =	shalt  }
0x55: {  	_ =	shalt  }
0x56: {  	_ =	shalt  }
0x57: {  	_ =	shalt  }
0x58: {  	_ =	shalt  }
0x59: {  	_ =	shalt  }
0x5a: {  	_ =	shalt  }
0x5b: {  	_ =	shalt  }
0x5c: {  	_ =	shalt  }
0x5d: {  	_ =	shalt  }
0x5e: {  	_ =	shalt  }
0x5f: {  	_ =	shalt  }
0x60: {  	_ =	shalt  }
0x61: {  	_ =	shalt  }
0x62: {  	_ =	shalt  }
0x63: {  	_ =	shalt  }
0x64: {  	_ =	shalt  }
0x65: {  	_ =	shalt  }
0x66: {  	_ =	shalt  }
0x67: {  	_ =	shalt  }
0x68: {  	_ =	shalt  }
0x69: {  	_ =	shalt  }
0x6a: {  	_ =	shalt  }
0x6b: {  	_ =	shalt  }
0x6c: {  	_ =	shalt  }
0x6d: {  	_ =	shalt  }
0x6e: {  	_ =	shalt  }
0x6f: {  	_ =	shalt  }
0x70: {  	_ =	shalt  }
0x71: {  	_ =	shalt  }
0x72: {  	_ =	shalt  }
0x73: {  	_ =	shalt  }
0x74: {  	_ =	shalt  }
0x75: {  	_ =	shalt  }
0x76: {  	_ =	shalt  }
0x77: {  	_ =	shalt  }
0x78: {  	_ =	shalt  }
0x79: {  	_ =	shalt  }
0x7a: {  	_ =	shalt  }
0x7b: {  	_ =	shalt  }
0x7c: {  	_ =	shalt  }
0x7d: {  	_ =	shalt  }
0x7e: {  	_ =	shalt  }
0x7f: {  	_ =	shalt  }
0x80: {  	_ =	shalt  }
0x81: {  	_ =	shalt  }
0x82: {  	_ =	shalt  }
0x83: {  	_ =	shalt  }
0x84: {  	_ =	shalt  }
0x85: {  	_ =	shalt  }
0x86: {  	_ =	shalt  }
0x87: {  	_ =	shalt  }
.Lfunc_end0:
.L_simem_size_0:
called_computation.3_lowered:
.L_overlay_start_0:
0x88: {  	s2 =	sld [smem:$0x3FD9]  }
0x89: {  	s3 =	sld [smem:$0x3FFE];
	_ =	sdelay $0x1  }
0x8a: {  	s1 =	srdreg.scid  }
0x8b: {  	s0 =	sand.u32 $0x1, s1  }
0x8c: {  	s17 =	sshll.u32 s0, $0xA;
	s2 =	sadd.s32 s3, s2  }
0x8d: {  	s2 =	sadd.s32 s2, s17  }
0x8e: {  	[smem:$0x3FC4] =	sst s2  }
0x8f: {  	_ = 	snop  }
0x90: {  	s18 =	sld [smem:$0x3FD0];
	(tm) =	ssettm $0x1  }
0x91: {  	s19 =	sld [smem:$0x3FFB];
	_ =	sdelay $0x3  }
0x92: {  	_ =	strace s19  }
0x93: {  	s2 =	sld [smem:$0x3FFC];
	_ =	sdelay $0x3  }
0x94: {  	_ =	strace s2  }
0x95: {  	s2 =	sld [smem:$0x3FFD];
	_ =	sdelay $0x3  }
0x96: {  	_ =	strace s2  }
0x97: {  	_ =	strace $0x8FFFFFFF  }
0x98: {  	s20 =	sld [smem:$0x3FDB];
	_ =	sdelay $0x1  }
0x99: {  	s4 =	simm.s32 $_scs_section_size  }
0x9a: {  	s5 =	simm.s32 $_size__tile_overlayer_lowered;
	s6 =	simm.s32 $_tile_overlayer_lowered  }
0x9b: {  	s7 =	simm.s32 $0x1BFF;
	s21 =	sshll.u32 s6, $0x1;
	s4 =	sadd.s32 s4, s20  }
0x9c: {  	s22 =	simm.s32 $0x0;
	s5 =	sshll.u32 s5, $0x1;
	s6 =	sadd.s32 s21, s4  }
0x9d: {  	[timem:s22], [sflag:s7] =	dma.local [hbm:s6], s5  }
0x9e: {  	_ =	swait.ge [sflag:s7], s5  }
0x9f: {  	s5 =	ssub.s32 $0x0, s5;
	[sflag:s7] =	ssyncset.done $0x0  }
0xa0: {  	[sflag:s7] =	ssyncadd.s32 s5;
	_ =	sdelay $0x1  }
0xa1: {  	s23 =	simm.s32 $0x1B8B  }
0xa2: {  	_ =	swait.ge [sflag:s23], $0x1  }
0xa3: {  	[sflag:s23] =	ssyncset.done $0x0  }
0xa4: {  	[sflag:s23] =	ssyncadd.s32 $0xFFFFFFFF  }
0xa5: {  	s5 =	sld [smem:$0x0]  }
0xa6: {  	s6 =	sand.u32 $0xFFFFFFFE, s1  }
0xa7: {  	p0 =	sne.s32 s1, s6  }
0xa8: {  	s6 =	sshll.u32 @p0 s6, $0xE  }
0xa9: {  	s6 =	sadd.s32 @p0 $0x11B8D, s6;
	s7 =	sshll.u32 @p0 s5, $0x11  }
0xaa: {  	s6 =	sor.u32 @p0 s7, s6  }
0xab: {  	[sflag:s6] =	ssyncadd.remote.s32 @p0 $0x1;
	_ =	sdelay $0x1  }
0xac: {  	s6 =	simm.s32 @p0 $0x1B8D  }
0xad: {  	_ =	swait.eq @p0 [sflag:s6], $0x1  }
0xae: {  	[sflag:s6] =	ssyncadd.s32 @p0 $0xFFFFFFFF  }
0xaf: {  	s7 =	sshll.u32 @!p0 s1, $0xE  }
0xb0: {  	s7 =	sor.u32 @!p0 $0x4000, s7;
	s6 =	simm.s32 @!p0 $0x1B8D  }
0xb1: {  	s5 =	sshll.u32 @!p0 s5, $0x11;
	s7 =	sadd.s32 @!p0 $0x11B8D, s7;
	_ =	swait.eq @!p0 [sflag:s6], $0x1  }
0xb2: {  	s5 =	sor.u32 @!p0 s5, s7;
	[sflag:s6] =	ssyncadd.s32 @!p0 $0xFFFFFFFF  }
0xb3: {  	s25 =	simm.s32 $0x1B8E;
	s24 =	sld [smem:$0x3FFE];
	[sflag:s5] =	ssyncadd.remote.s32 @!p0 $0x1  }
0xb4: {  	s26 =	simm.s32 $execute0_lowered;
	[smem:$0x3FD2] =	sst s25  }
0xb5: {  	s6 =	sshll.u32 s26, $0x1;
	_ =	strace $0x8000004F;
	[dreg:$0x1] =	wrdreg $0xFFFFFFFF  }
0xb6: {  	s28 =	simm.s32 $_size_execute0_lowered;
	s4 =	sadd.s32 s4, s6;
	[dreg:$0x0] =	wrdreg $0x0  }
0xb7: {  	s6 =	sshll.u32 s28, $0x1;
	[dreg:$0x2] =	wrdreg s4  }
0xb8: {  	[dreg:$0x3] =	wrdreg s6  }
0xb9: {  	[dreg:$0x4] =	wrdreg $0xC0  }
0xba: {  	_ =	task [dreg:s22], $0x5FFFF  }
0xbb: {  	[dreg:$0x1] =	wrdreg $0xFFFFFFFF  }
0xbc: {  	[dreg:$0x0] =	wrdreg $0x60  }
0xbd: {  	[dreg:$0x2] =	wrdreg s18  }
0xbe: {  	[dreg:$0x3] =	wrdreg s24  }
0xbf: {  	[dreg:$0x4] =	wrdreg $0xC  }
0xc0: {  	_ =	task.clear_ibuf [dreg:s22], $0x5FFFF;
	_ =	strace $0x9000004F  }
0xc1: {  	s29 =	simm.s32 $0xC;
	_ =	strace $0x80000051  }
0xc2: {  	_ =	swait.ge [sflag:s29], $0x1  }
0xc3: {  	[sflag:s29] =	ssyncadd.s32 $0xFFFFFFFF  }
0xc4: {  	_ =	strace $0x90000051  }
0xc5: {  	_ =	sfence  }
0xc6: {  	s30 =	sld [smem:$0x0];
	_ =	sdelay $0x2  }
0xc7: {  	s31 =	sshll.u32 s1, $0xD;
	s1 =	sshrl.u32 s1, $0x2  }
0xc8: {  	s4 =	sand.u32 $0x4000, s31;
	s1 =	sadd.s32 s1, s30  }
0xc9: {  	s0 =	sor.u32 s4, s0;
	s1 =	sshll.u32 s1, $0x11  }
0xca: {  	s0 =	sor.u32 s1, s0  }
0xcb: {  	s0 =	sadd.s32 $0x8F2B, s0  }
0xcc: {  	[sflag:s0] =	ssyncadd.remote.s32 $0x1  }
0xcd: {  	_ =	sfence.sel $0xFFFF  }
0xce: {  	[dreg:$0x0] =	wrdreg $0xFFFFFFFF;
	(pc) =	sbr.abs _section_cstart, $3  }
0xcf: {  	[dreg:$0x1] =	wrdreg $0xFFFFFFFF  }
0xd0: {  	_ =	task.clear_ibuf [dreg:s22], $0x2FFFF;
	_ =	strace $0x9FFFFFFF  }
0xd1: {  	(tm) =	ssettm $0x7FFFFFFF  }
tec
execute0_lowered:
.L_overlay_start_1:
0x0: {  	(tag) =	ssettag $0x1  }
0x1: {  	s2 =	rddreg [dreg:$0x0];
	s0 =	srdreg.scid  }
0x2: {  	s9 =	rddreg [dreg:$0x1];
	s1 =	stileid.u32;
	s0 =	sand.u32 $0x1, s0  }
0x3: {  	s3 =	simm.s32 $0x0;
	s4 =	sshll.u32 s1, $0xC;
	s5 =	sshll.u32 s0, $0xB  }
0x4: {  	[smem:$0x7FF] =	sst s3;
	s26 =	sor.u32 s5, s4  }
0x5: {  	s25 =	sadd.s32 $0x349400, s9;
	s4 =	sshrl.u32 s26, $0x3;
	s15 =	sor.u32 $0x100, s26  }
0x6: {  	_ =	strace $0x80000050;
	s4 =	sadd.s32 s25, s4;
	s14 =	sshrl.u32 s15, $0x3  }
0x7: {  	s20 =	sor.u32 $0x200, s26;
	[dreg:$0x3] =	wrdreg s4;
	s16 =	sadd.s32 s25, s14  }
0x8: {  	s17 =	sshrl.u32 s20, $0x3;
	[dreg:$0x4] =	wrdreg s16  }
0x9: {  	s4 =	sadd.s32 s25, s17;
	s18 =	rddreg [dreg:$0x3]  }
0xa: {  	[dreg:$0x5] =	wrdreg s4  }
0xb: {  	[tilespmem:s3], [sflag:$0x1] =	stream.linear.gather [hbm4b:s18+s3], $0x100, $0x38;
	[tilespmem:$0x18300] =	vst v63  }
0xc: {  	s4 =	simm.s32 $0x100;
	s6 =	rddreg [dreg:$0x4]  }
0xd: {  	[tilespmem:s4], [sflag:$0x2] =	stream.linear.gather [hbm4b:s6+s3], $0x100, $0x38;
	[tilespmem:$0x18300] =	vst v63  }
0xe: {  	s5 =	simm.s32 $0x200;
	s7 =	rddreg [dreg:$0x5];
	s6 =	simm.s32 $0x1  }
0xf: {  	[tilespmem:s5], [sflag:$0x3] =	stream.linear.gather [hbm4b:s7+s3], $0x100, $0x38;
	[tilespmem:$0x18300] =	vst v63  }
0x10: {  	_ =	swait.ge [sflag:s6], $0x100  }
0x11: {  	[sflag:s6] =	ssyncset.done $0x0  }
0x12: {  	s8 =	simm.s32 $0x4;
	s7 =	simm.s32 $0x300;
	[sflag:s6] =	ssyncadd.s32 $0xFFFFFF00  }
0x13: {  	[tilespmem:s7], [sflag:$0x4] =	stream.indirect.gather [hbm4b:s2+s4], $0x80, s3, s4, $0xb8;
	[tilespmem:$0x18300] =	vst v63  }
0x14: {  	s23 =	sor.u32 $0x300, s26;
	_ =	swait.ge [sflag:s8], $0x8000  }
0x15: {  	s31 =	sadd.s32 $0x34B400, s9;
	s19 =	sshrl.u32 s23, $0x3;
	[sflag:s8] =	ssyncset.done $0x0  }
0x16: {  	s22 =	sshll.u32 s26, $0x4;
	s21 =	sadd.s32 s25, s19;
	[sflag:s8] =	ssyncadd.s32 $0xFFFF8000  }
0x17: {  	[tilespmem:s3], [sflag:$0x1] =	stream.linear.gather [hbm4b:s21+s3], $0x100, $0x38;
	[tilespmem:$0x18300] =	vst v63  }
0x18: {  	s11 =	simm.s32 $0x2;
	s24 =	sadd.s32 s31, s22;
	[dreg:$0x6] =	wrdreg s21  }
0x19: {  	[hbm4b:s24+s3] =	stream.linear.scatter [tilespmem:s7], [sflag:$0x7], $0x8000, $0x38;
	[tilespmem:$0x18300] =	vst v63  }
0x1a: {  	_ =	swait.ge [sflag:s11], $0x100  }
0x1b: {  	[sflag:s11] =	ssyncset.done $0x0  }
0x1c: {  	s12 =	simm.s32 $0x8300;
	s13 =	simm.s32 $0x5;
	[sflag:s11] =	ssyncadd.s32 $0xFFFFFF00  }
0x1d: {  	[tilespmem:s12], [sflag:$0x5] =	stream.indirect.gather [hbm4b:s2+s4], $0x80, s4, s4, $0xb8;
	[tilespmem:$0x18300] =	vst v63  }
0x1e: {  	s28 =	sor.u32 $0x400, s26;
	_ =	swait.ge [sflag:s13], $0x8000  }
0x1f: {  	s14 =	sshrl.u32 s28, $0x3;
	[sflag:s13] =	ssyncset.done $0x0  }
0x20: {  	s15 =	sshll.u32 s15, $0x4;
	s14 =	sadd.s32 s25, s14;
	[sflag:s13] =	ssyncadd.s32 $0xFFFF8000  }
0x21: {  	[tilespmem:s4], [sflag:$0x2] =	stream.linear.gather [hbm4b:s14+s3], $0x100, $0x38;
	[tilespmem:$0x18300] =	vst v63  }
0x22: {  	s15 =	sadd.s32 s31, s15;
	s16 =	simm.s32 $0x3  }
0x23: {  	[hbm4b:s15+s3] =	stream.linear.scatter [tilespmem:s12], [sflag:$0x8], $0x8000, $0x38;
	[tilespmem:$0x18300] =	vst v63  }
0x24: {  	_ =	swait.ge [sflag:s16], $0x100  }
0x25: {  	[sflag:s16] =	ssyncset.done $0x0  }
0x26: {  	s17 =	simm.s32 $0x10300;
	s18 =	simm.s32 $0x6;
	[sflag:s16] =	ssyncadd.s32 $0xFFFFFF00  }
0x27: {  	[tilespmem:s17], [sflag:$0x6] =	stream.indirect.gather [hbm4b:s2+s4], $0x80, s5, s4, $0xb8;
	[tilespmem:$0x18300] =	vst v63  }
0x28: {  	s29 =	sor.u32 $0x500, s26;
	_ =	swait.ge [sflag:s18], $0x8000  }
0x29: {  	s19 =	sshrl.u32 s29, $0x3;
	[sflag:s18] =	ssyncset.done $0x0  }
0x2a: {  	s20 =	sshll.u32 s20, $0x4;
	s19 =	sadd.s32 s25, s19;
	[sflag:s18] =	ssyncadd.s32 $0xFFFF8000  }
0x2b: {  	[tilespmem:s5], [sflag:$0x3] =	stream.linear.gather [hbm4b:s19+s3], $0x100, $0x38;
	[tilespmem:$0x18300] =	vst v63  }
0x2c: {  	s20 =	sadd.s32 s31, s20  }
0x2d: {  	[hbm4b:s20+s3] =	stream.linear.scatter [tilespmem:s17], [sflag:$0x9], $0x8000, $0x38;
	[tilespmem:$0x18300] =	vst v63  }
0x2e: {  	_ =	swait.ge [sflag:s6], $0x100  }
0x2f: {  	[sflag:s6] =	ssyncset.done $0x0  }
0x30: {  	s21 =	simm.s32 $0x7;
	[sflag:s6] =	ssyncadd.s32 $0xFFFFFF00  }
0x31: {  	_ =	swait.ge [sflag:s21], $0x8000  }
0x32: {  	[sflag:s21] =	ssyncset.done $0x0  }
0x33: {  	[sflag:s21] =	ssyncadd.s32 $0xFFFF8000  }
0x34: {  	[tilespmem:s7], [sflag:$0x4] =	stream.indirect.gather [hbm4b:s2+s4], $0x80, s3, s4, $0xb8;
	[tilespmem:$0x18300] =	vst v63  }
0x35: {  	s30 =	sor.u32 $0x600, s26;
	_ =	swait.ge [sflag:s8], $0x8000  }
0x36: {  	s22 =	sshrl.u32 s30, $0x3;
	[sflag:s8] =	ssyncset.done $0x0  }
0x37: {  	s23 =	sshll.u32 s23, $0x4;
	s22 =	sadd.s32 s25, s22;
	[sflag:s8] =	ssyncadd.s32 $0xFFFF8000  }
0x38: {  	[tilespmem:s3], [sflag:$0x1] =	stream.linear.gather [hbm4b:s22+s3], $0x100, $0x38;
	[tilespmem:$0x18300] =	vst v63  }
0x39: {  	s23 =	sadd.s32 s31, s23  }
0x3a: {  	[hbm4b:s23+s3] =	stream.linear.scatter [tilespmem:s7], [sflag:$0x7], $0x8000, $0x38;
	[tilespmem:$0x18300] =	vst v63  }
0x3b: {  	_ =	swait.ge [sflag:s11], $0x100  }
0x3c: {  	[sflag:s11] =	ssyncset.done $0x0  }
0x3d: {  	s10 =	smov.u32 s24;
	s24 =	simm.s32 $0x8;
	[sflag:s11] =	ssyncadd.s32 $0xFFFFFF00  }
0x3e: {  	_ =	swait.ge [sflag:s24], $0x8000  }
0x3f: {  	[sflag:s24] =	ssyncset.done $0x0  }
0x40: {  	[sflag:s24] =	ssyncadd.s32 $0xFFFF8000  }
0x41: {  	[tilespmem:s12], [sflag:$0x5] =	stream.indirect.gather [hbm4b:s2+s4], $0x80, s4, s4, $0xb8;
	[tilespmem:$0x18300] =	vst v63  }
0x42: {  	s1 =	sor.u32 $0x700, s26;
	_ =	swait.ge [sflag:s13], $0x8000  }
0x43: {  	s26 =	sshrl.u32 s1, $0x3;
	[sflag:s13] =	ssyncset.done $0x0  }
0x44: {  	s9 =	sshll.u32 s28, $0x4;
	s25 =	sadd.s32 s25, s26;
	[sflag:s13] =	ssyncadd.s32 $0xFFFF8000  }
0x45: {  	[tilespmem:s4], [sflag:$0x2] =	stream.linear.gather [hbm4b:s25+s3], $0x100, $0x38;
	[tilespmem:$0x18300] =	vst v63  }
0x46: {  	s26 =	sadd.s32 s31, s9  }
0x47: {  	[hbm4b:s26+s3] =	stream.linear.scatter [tilespmem:s12], [sflag:$0x8], $0x8000, $0x38;
	[tilespmem:$0x18300] =	vst v63  }
0x48: {  	_ =	swait.ge [sflag:s16], $0x100  }
0x49: {  	[sflag:s16] =	ssyncset.done $0x0  }
0x4a: {  	s28 =	simm.s32 $0x9;
	[sflag:s16] =	ssyncadd.s32 $0xFFFFFF00  }
0x4b: {  	_ =	swait.ge [sflag:s28], $0x8000  }
0x4c: {  	[sflag:s28] =	ssyncset.done $0x0  }
0x4d: {  	[sflag:s28] =	ssyncadd.s32 $0xFFFF8000  }
0x4e: {  	[tilespmem:s17], [sflag:$0x6] =	stream.indirect.gather [hbm4b:s2+s4], $0x80, s5, s4, $0xb8;
	[tilespmem:$0x18300] =	vst v63  }
0x4f: {  	_ =	swait.ge [sflag:s18], $0x8000  }
0x50: {  	s29 =	sshll.u32 s29, $0x4;
	[sflag:s18] =	ssyncset.done $0x0  }
0x51: {  	s29 =	sadd.s32 s31, s29;
	[sflag:s18] =	ssyncadd.s32 $0xFFFF8000  }
0x52: {  	[hbm4b:s29+s3] =	stream.linear.scatter [tilespmem:s17], [sflag:$0x9], $0x8000, $0x38;
	[tilespmem:$0x18300] =	vst v63  }
0x53: {  	_ =	swait.ge [sflag:s6], $0x100  }
0x54: {  	[sflag:s6] =	ssyncset.done $0x0  }
0x55: {  	[sflag:s6] =	ssyncadd.s32 $0xFFFFFF00  }
0x56: {  	_ =	swait.ge [sflag:s21], $0x8000  }
0x57: {  	[sflag:s21] =	ssyncset.done $0x0  }
0x58: {  	[sflag:s21] =	ssyncadd.s32 $0xFFFF8000  }
0x59: {  	[tilespmem:s7], [sflag:$0x4] =	stream.indirect.gather [hbm4b:s2+s4], $0x80, s3, s4, $0xb8;
	[tilespmem:$0x18300] =	vst v63  }
0x5a: {  	_ =	swait.ge [sflag:s8], $0x8000  }
0x5b: {  	s30 =	sshll.u32 s30, $0x4;
	[sflag:s8] =	ssyncset.done $0x0  }
0x5c: {  	s30 =	sadd.s32 s31, s30;
	[sflag:s8] =	ssyncadd.s32 $0xFFFF8000  }
0x5d: {  	[hbm4b:s30+s3] =	stream.linear.scatter [tilespmem:s7], [sflag:$0x7], $0x8000, $0x38;
	[tilespmem:$0x18300] =	vst v63  }
0x5e: {  	_ =	swait.ge [sflag:s11], $0x100  }
0x5f: {  	[sflag:s11] =	ssyncset.done $0x0  }
0x60: {  	[sflag:s11] =	ssyncadd.s32 $0xFFFFFF00  }
0x61: {  	_ =	swait.ge [sflag:s24], $0x8000  }
0x62: {  	[sflag:s24] =	ssyncset.done $0x0  }
0x63: {  	[sflag:s24] =	ssyncadd.s32 $0xFFFF8000  }
0x64: {  	[tilespmem:s12], [sflag:$0x5] =	stream.indirect.gather [hbm4b:s2+s4], $0x80, s4, s4, $0xb8;
	[tilespmem:$0x18300] =	vst v63  }
0x65: {  	s0 =	ssub.s32 $0x2, s0;
	_ =	swait.ge [sflag:s13], $0x8000  }
0x66: {  	s1 =	sshll.u32 s1, $0x4;
	s9 =	sshrl.u32 s0, $0x1;
	[sflag:s13] =	ssyncset.done $0x0  }
0x67: {  	s31 =	sadd.s32 s31, s1;
	s0 =	ssub.s32 s0, s9;
	[sflag:s13] =	ssyncadd.s32 $0xFFFF8000  }
0x68: {  	[hbm4b:s31+s3] =	stream.linear.scatter [tilespmem:s12], [sflag:$0x8], $0x8000, $0x38;
	[tilespmem:$0x18300] =	vst v63  }
0x69: {  	s0 =	smax.u32 s0, $0x1;
	_ =	swait.ge [sflag:s28], $0x8000  }
0x6a: {  	p0 =	sne.s32 s0, $0x1;
	[sflag:s28] =	ssyncset.done $0x0  }
.Ltmp0:
0x6b: {  	[sflag:s28] =	ssyncadd.s32 $0xFFFF8000;
	(pc) =	sbr.rel @!p0 .LBB2_2-.Ltmp0, $4  }
0x6c: {  	_ =	swait.ge [sflag:s21], $0x8000  }
0x6d: {  	[sflag:s21] =	ssyncset.done $0x0  }
0x6e: {  	[sflag:s21] =	ssyncadd.s32 $0xFFFF8000  }
0x6f: {  	s0 =	sadd.s32 $0xFFFFFFFF, s0;
	_ =	swait.ge [sflag:s24], $0x8000  }
.LBB2_1:
0x70: {  	[sflag:s24] =	ssyncset.done $0x0  }
0x71: {  	s1 =	rddreg [dreg:$0x3];
	[sflag:s24] =	ssyncadd.s32 $0xFFFF8000  }
0x72: {  	[tilespmem:s3], [sflag:$0x1] =	stream.linear.gather [hbm4b:s1+s3], $0x100, $0x38;
	[tilespmem:$0x18300] =	vst v63  }
0x73: {  	s9 =	rddreg [dreg:$0x4]  }
0x74: {  	[tilespmem:s4], [sflag:$0x2] =	stream.linear.gather [hbm4b:s9+s3], $0x100, $0x38;
	[tilespmem:$0x18300] =	vst v63  }
0x75: {  	s1 =	rddreg [dreg:$0x5]  }
0x76: {  	[tilespmem:s5], [sflag:$0x3] =	stream.linear.gather [hbm4b:s1+s3], $0x100, $0x38;
	[tilespmem:$0x18300] =	vst v63  }
0x77: {  	_ =	swait.ge [sflag:s6], $0x100  }
0x78: {  	[sflag:s6] =	ssyncset.done $0x0  }
0x79: {  	[sflag:s6] =	ssyncadd.s32 $0xFFFFFF00  }
0x7a: {  	[tilespmem:s7], [sflag:$0x4] =	stream.indirect.gather [hbm4b:s2+s4], $0x80, s3, s4, $0xb8;
	[tilespmem:$0x18300] =	vst v63  }
0x7b: {  	_ =	swait.ge [sflag:s8], $0x8000  }
0x7c: {  	[sflag:s8] =	ssyncset.done $0x0  }
0x7d: {  	s9 =	rddreg [dreg:$0x6];
	[sflag:s8] =	ssyncadd.s32 $0xFFFF8000  }
0x7e: {  	[tilespmem:s3], [sflag:$0x1] =	stream.linear.gather [hbm4b:s9+s3], $0x100, $0x38;
	[tilespmem:$0x18300] =	vst v63  }
0x7f: {  	_ = 	snop  }
0x80: {  	[hbm4b:s10+s3] =	stream.linear.scatter [tilespmem:s7], [sflag:$0x7], $0x8000, $0x38;
	[tilespmem:$0x18300] =	vst v63  }
0x81: {  	_ =	swait.ge [sflag:s11], $0x100  }
0x82: {  	[sflag:s11] =	ssyncset.done $0x0  }
0x83: {  	[sflag:s11] =	ssyncadd.s32 $0xFFFFFF00  }
0x84: {  	[tilespmem:s12], [sflag:$0x5] =	stream.indirect.gather [hbm4b:s2+s4], $0x80, s4, s4, $0xb8;
	[tilespmem:$0x18300] =	vst v63  }
0x85: {  	_ =	swait.ge [sflag:s13], $0x8000  }
0x86: {  	[sflag:s13] =	ssyncset.done $0x0  }
0x87: {  	[sflag:s13] =	ssyncadd.s32 $0xFFFF8000  }
0x88: {  	[tilespmem:s4], [sflag:$0x2] =	stream.linear.gather [hbm4b:s14+s3], $0x100, $0x38;
	[tilespmem:$0x18300] =	vst v63  }
0x89: {  	_ = 	snop  }
0x8a: {  	[hbm4b:s15+s3] =	stream.linear.scatter [tilespmem:s12], [sflag:$0x8], $0x8000, $0x38;
	[tilespmem:$0x18300] =	vst v63  }
0x8b: {  	_ =	swait.ge [sflag:s16], $0x100  }
0x8c: {  	[sflag:s16] =	ssyncset.done $0x0  }
0x8d: {  	[sflag:s16] =	ssyncadd.s32 $0xFFFFFF00  }
0x8e: {  	[tilespmem:s17], [sflag:$0x6] =	stream.indirect.gather [hbm4b:s2+s4], $0x80, s5, s4, $0xb8;
	[tilespmem:$0x18300] =	vst v63  }
0x8f: {  	_ =	swait.ge [sflag:s18], $0x8000  }
0x90: {  	[sflag:s18] =	ssyncset.done $0x0  }
0x91: {  	[sflag:s18] =	ssyncadd.s32 $0xFFFF8000  }
0x92: {  	[tilespmem:s5], [sflag:$0x3] =	stream.linear.gather [hbm4b:s19+s3], $0x100, $0x38;
	[tilespmem:$0x18300] =	vst v63  }
0x93: {  	_ = 	snop  }
0x94: {  	[hbm4b:s20+s3] =	stream.linear.scatter [tilespmem:s17], [sflag:$0x9], $0x8000, $0x38;
	[tilespmem:$0x18300] =	vst v63  }
0x95: {  	_ =	swait.ge [sflag:s6], $0x100  }
0x96: {  	[sflag:s6] =	ssyncset.done $0x0  }
0x97: {  	[sflag:s6] =	ssyncadd.s32 $0xFFFFFF00  }
0x98: {  	_ =	swait.ge [sflag:s21], $0x8000  }
0x99: {  	[sflag:s21] =	ssyncset.done $0x0  }
0x9a: {  	[sflag:s21] =	ssyncadd.s32 $0xFFFF8000  }
0x9b: {  	[tilespmem:s7], [sflag:$0x4] =	stream.indirect.gather [hbm4b:s2+s4], $0x80, s3, s4, $0xb8;
	[tilespmem:$0x18300] =	vst v63  }
0x9c: {  	_ =	swait.ge [sflag:s8], $0x8000  }
0x9d: {  	[sflag:s8] =	ssyncset.done $0x0  }
0x9e: {  	[sflag:s8] =	ssyncadd.s32 $0xFFFF8000  }
0x9f: {  	[tilespmem:s3], [sflag:$0x1] =	stream.linear.gather [hbm4b:s22+s3], $0x100, $0x38;
	[tilespmem:$0x18300] =	vst v63  }
0xa0: {  	_ = 	snop  }
0xa1: {  	[hbm4b:s23+s3] =	stream.linear.scatter [tilespmem:s7], [sflag:$0x7], $0x8000, $0x38;
	[tilespmem:$0x18300] =	vst v63  }
0xa2: {  	_ =	swait.ge [sflag:s11], $0x100  }
0xa3: {  	[sflag:s11] =	ssyncset.done $0x0  }
0xa4: {  	[sflag:s11] =	ssyncadd.s32 $0xFFFFFF00  }
0xa5: {  	_ =	swait.ge [sflag:s24], $0x8000  }
0xa6: {  	[sflag:s24] =	ssyncset.done $0x0  }
0xa7: {  	[sflag:s24] =	ssyncadd.s32 $0xFFFF8000  }
0xa8: {  	[tilespmem:s12], [sflag:$0x5] =	stream.indirect.gather [hbm4b:s2+s4], $0x80, s4, s4, $0xb8;
	[tilespmem:$0x18300] =	vst v63  }
0xa9: {  	_ =	swait.ge [sflag:s13], $0x8000  }
0xaa: {  	[sflag:s13] =	ssyncset.done $0x0  }
0xab: {  	[sflag:s13] =	ssyncadd.s32 $0xFFFF8000  }
0xac: {  	[tilespmem:s4], [sflag:$0x2] =	stream.linear.gather [hbm4b:s25+s3], $0x100, $0x38;
	[tilespmem:$0x18300] =	vst v63  }
0xad: {  	_ = 	snop  }
0xae: {  	[hbm4b:s26+s3] =	stream.linear.scatter [tilespmem:s12], [sflag:$0x8], $0x8000, $0x38;
	[tilespmem:$0x18300] =	vst v63  }
0xaf: {  	_ =	swait.ge [sflag:s16], $0x100  }
0xb0: {  	[sflag:s16] =	ssyncset.done $0x0  }
0xb1: {  	[sflag:s16] =	ssyncadd.s32 $0xFFFFFF00  }
0xb2: {  	_ =	swait.ge [sflag:s28], $0x8000  }
0xb3: {  	[sflag:s28] =	ssyncset.done $0x0  }
0xb4: {  	[sflag:s28] =	ssyncadd.s32 $0xFFFF8000  }
0xb5: {  	[tilespmem:s17], [sflag:$0x6] =	stream.indirect.gather [hbm4b:s2+s4], $0x80, s5, s4, $0xb8;
	[tilespmem:$0x18300] =	vst v63  }
0xb6: {  	_ =	swait.ge [sflag:s18], $0x8000  }
0xb7: {  	[sflag:s18] =	ssyncset.done $0x0  }
0xb8: {  	[sflag:s18] =	ssyncadd.s32 $0xFFFF8000  }
0xb9: {  	[hbm4b:s29+s3] =	stream.linear.scatter [tilespmem:s17], [sflag:$0x9], $0x8000, $0x38;
	[tilespmem:$0x18300] =	vst v63  }
0xba: {  	_ =	swait.ge [sflag:s6], $0x100  }
0xbb: {  	[sflag:s6] =	ssyncset.done $0x0  }
0xbc: {  	[sflag:s6] =	ssyncadd.s32 $0xFFFFFF00  }
0xbd: {  	_ =	swait.ge [sflag:s21], $0x8000  }
0xbe: {  	[sflag:s21] =	ssyncset.done $0x0  }
0xbf: {  	[sflag:s21] =	ssyncadd.s32 $0xFFFF8000  }
0xc0: {  	[tilespmem:s7], [sflag:$0x4] =	stream.indirect.gather [hbm4b:s2+s4], $0x80, s3, s4, $0xb8;
	[tilespmem:$0x18300] =	vst v63  }
0xc1: {  	_ =	swait.ge [sflag:s8], $0x8000  }
0xc2: {  	[sflag:s8] =	ssyncset.done $0x0  }
0xc3: {  	[sflag:s8] =	ssyncadd.s32 $0xFFFF8000  }
0xc4: {  	[hbm4b:s30+s3] =	stream.linear.scatter [tilespmem:s7], [sflag:$0x7], $0x8000, $0x38;
	[tilespmem:$0x18300] =	vst v63  }
0xc5: {  	_ =	swait.ge [sflag:s11], $0x100  }
0xc6: {  	[sflag:s11] =	ssyncset.done $0x0  }
0xc7: {  	[sflag:s11] =	ssyncadd.s32 $0xFFFFFF00  }
0xc8: {  	_ =	swait.ge [sflag:s24], $0x8000  }
0xc9: {  	[sflag:s24] =	ssyncset.done $0x0  }
0xca: {  	[sflag:s24] =	ssyncadd.s32 $0xFFFF8000  }
0xcb: {  	[tilespmem:s12], [sflag:$0x5] =	stream.indirect.gather [hbm4b:s2+s4], $0x80, s4, s4, $0xb8;
	[tilespmem:$0x18300] =	vst v63  }
0xcc: {  	_ =	swait.ge [sflag:s13], $0x8000  }
0xcd: {  	[sflag:s13] =	ssyncset.done $0x0  }
0xce: {  	[sflag:s13] =	ssyncadd.s32 $0xFFFF8000  }
0xcf: {  	[hbm4b:s31+s3] =	stream.linear.scatter [tilespmem:s12], [sflag:$0x8], $0x8000, $0x38;
	[tilespmem:$0x18300] =	vst v63  }
0xd0: {  	_ =	swait.ge [sflag:s28], $0x8000  }
0xd1: {  	p0 =	sne.s32 s0, $0x1;
	[sflag:s28] =	ssyncset.done $0x0  }
.Ltmp1:
0xd2: {  	[sflag:s28] =	ssyncadd.s32 $0xFFFF8000;
	(pc) =	sbr.rel @p0 .LBB2_1-.Ltmp1, $4  }
0xd3: {  	_ =	swait.ge [sflag:s21], $0x8000  }
0xd4: {  	[sflag:s21] =	ssyncset.done $0x0  }
0xd5: {  	[sflag:s21] =	ssyncadd.s32 $0xFFFF8000  }
0xd6: {  	s0 =	sadd.s32 $0xFFFFFFFF, s0;
	_ =	swait.ge [sflag:s24], $0x8000  }
.LBB2_2:
0xd7: {  	[sflag:s24] =	ssyncset.done $0x0  }
0xd8: {  	[sflag:s24] =	ssyncadd.s32 $0xFFFF8000  }
0xd9: {  	_ =	sfence.sel $0x180000  }
0xda: {  	[bflag:$0x0] =	sbarrier.arrive $0xFFFF  }
0xdb: {  	_ =	strace $0x90000050  }
0xdc: {  	s0 =	stileid.u32;
	[bflag:$0x2] =	sbarrier.arrive $0xFFFF  }
0xdd: {  	p0 =	sne.s32 s0, $0x0;
	s0 =	rddreg [dreg:$0x2]  }
0xde: {  	s0 =	sadd.s32 @!p0 $0x100000, s0  }
0xdf: {  	[sflag:s0] =	ssyncadd.tile.s32 @!p0 $0x1;
	_ =	shalt  }
.Lfunc_end2:
_tile_overlayer_lowered:
.L_overlay_start_2:
0xe0: {  	(tag) =	ssettag $0x2  }
0xe1: {  	s0 =	rddreg [dreg:$0x0];
	s2 =	stileid.u32  }
0xe2: {  	s1 =	rddreg [dreg:$0x1];
	p0 =	sne.s32 s2, $0x0  }
0xe3: {  	s3 =	rddreg [dreg:$0x2];
	[bflag:$0x3] =	sbarrier.arrive $0xFFFF;
	s2 =	simm.s32 @!p0 $0x1C0A  }
0xe4: {  	[timem:s3], [sflag:s2] =	dma.local @!p0 [hbm:s0], s1  }
0xe5: {  	s0 =	simm.s32 @!p0 $0xA  }
0xe6: {  	_ =	swait.ge @!p0 [sflag:s0], s1  }
0xe7: {  	s1 =	ssub.s32 @!p0 $0x0, s1;
	[sflag:s0] =	ssyncset.done @!p0 $0x0  }
0xe8: {  	[sflag:s0] =	ssyncadd.s32 @!p0 s1  }
0xe9: {  	[bflag:$0x3] =	sbarrier.arrive $0xFFFF  }
0xea: {  	_ =	shalt  }

</sc_bundles>
